<compile_context>
chip_gen: v7x
topology: tpu7x:2x2x1
jax: 0.10.2.dev20260603
libtpu: 0.0.44.dev20260713+nightly
codegen_flags: <defaults>
</compile_context>

<pallas_src>
import functools

import jax
import jax.numpy as jnp
from jax import lax
from jax.experimental import pallas as pl
from jax.experimental.pallas import tpu as pltpu
from jax.experimental.pallas import tpu_sc as plsc

N = 10000
E = 320000
D = 128
T = 100
B = 100
G4 = 512

NC = 2
NS = 16
K = 128
NCHUNK = 80
EPT = NCHUNK * K
EPC = EPT * NS
E_PAD = EPC * NC
N_PAD = 10240
RPT = N_PAD // NS

_mesh = functools.partial(
    plsc.VectorSubcoreMesh,
    core_axis_name="c", subcore_axis_name="s", num_cores=NC, num_subcores=NS,
)


def _deg_body(dst_hbm, out_hbm, dst_v, ones_v, acc_sh, sem):
    cid = lax.axis_index("c")
    sid = lax.axis_index("s")
    rowbase = cid * (EPC // K) + sid * NCHUNK
    pltpu.sync_copy(dst_hbm.at[pl.ds(rowbase, NCHUNK)], dst_v)

    z16 = jnp.zeros((16,), jnp.float32)
    o16 = jnp.full((16,), 1.0, jnp.float32)

    @pl.loop(0, K)
    def _(r):
        for j in range(D // 16):
            ones_v[r, pl.ds(j * 16, 16)] = z16

    for t in range(RPT // K):
        pltpu.sync_copy(ones_v, acc_sh.at[pl.ds(sid * RPT + t * K, K)])

    @pl.loop(0, K)
    def _(r):
        for j in range(D // 16):
            ones_v[r, pl.ds(j * 16, 16)] = o16

    plsc.subcore_barrier()

    @pl.loop(0, NCHUNK)
    def _(j):
        pltpu.sync_copy(ones_v, acc_sh.at[dst_v.at[j]], add=True)

    plsc.subcore_barrier()
    pltpu.sync_copy(acc_sh.at[pl.ds(sid * RPT, RPT)],
                    out_hbm.at[cid, pl.ds(sid * RPT, RPT)])


_deg_call = pl.kernel(
    _deg_body,
    out_type=jax.ShapeDtypeStruct((NC, N_PAD, D), jnp.float32),
    mesh=_mesh(),
    scratch_types=[
        pltpu.VMEM((NCHUNK, K), jnp.int32),
        pltpu.VMEM((K, D), jnp.float32),
        pltpu.VMEM_SHARED((N_PAD, D), jnp.float32),
        pltpu.SemaphoreType.DMA,
    ],
)


HC = 40


def _edge_body(hn_hbm, src_hbm, dst_hbm, out_hbm,
               src_v, dst_v, rows0_v, rows1_v, acc_sh, sem0, sem1):
    cid = lax.axis_index("c")
    sid = lax.axis_index("s")
    base = cid * (EPC // K) + sid * NCHUNK

    z16 = jnp.zeros((16,), jnp.float32)

    @pl.loop(0, K)
    def _(r):
        for j in range(D // 16):
            rows0_v[r, pl.ds(j * 16, 16)] = z16

    for t in range(RPT // K):
        pltpu.sync_copy(rows0_v, acc_sh.at[pl.ds(sid * RPT + t * K, K)])
    plsc.subcore_barrier()

    for p in range(NCHUNK // HC):
        pltpu.sync_copy(src_hbm.at[pl.ds(base + p * HC, HC)], src_v)
        pltpu.sync_copy(dst_hbm.at[pl.ds(base + p * HC, HC)], dst_v)
        pltpu.async_copy(hn_hbm.at[src_v.at[0]], rows0_v, sem0)

        @pl.loop(0, HC, step=2)
        def _(j):
            pltpu.async_copy(hn_hbm.at[src_v.at[j + 1]], rows1_v, sem1)
            pltpu.make_async_copy(
                hn_hbm.at[src_v.at[j]], rows0_v, sem0).wait()
            pltpu.sync_copy(rows0_v, acc_sh.at[dst_v.at[j]], add=True)

            @pl.when(j + 2 < HC)
            def _():
                pltpu.async_copy(hn_hbm.at[src_v.at[j + 2]], rows0_v, sem0)

            pltpu.make_async_copy(
                hn_hbm.at[src_v.at[j + 1]], rows1_v, sem1).wait()
            pltpu.sync_copy(rows1_v, acc_sh.at[dst_v.at[j + 1]], add=True)

    plsc.subcore_barrier()
    pltpu.sync_copy(acc_sh.at[pl.ds(sid * RPT, RPT)],
                    out_hbm.at[cid, pl.ds(sid * RPT, RPT)])


_edge_call = pl.kernel(
    _edge_body,
    out_type=jax.ShapeDtypeStruct((NC, N_PAD, D), jnp.float32),
    mesh=_mesh(),
    scratch_types=[
        pltpu.VMEM((HC, K), jnp.int32),
        pltpu.VMEM((HC, K), jnp.int32),
        pltpu.VMEM((K, D), jnp.float32),
        pltpu.VMEM((K, D), jnp.float32),
        pltpu.VMEM_SHARED((N_PAD, D), jnp.float32),
        pltpu.SemaphoreType.DMA,
        pltpu.SemaphoreType.DMA,
    ],
)


R = 2000


def _scale_mm_body(x_ref, w_ref, degp_ref, hn_ref, dinv_ref):
    deg = degp_ref[0, :, 0:1] + degp_ref[1, :, 0:1] + 1.0
    dinv = lax.rsqrt(deg)
    hn_ref[...] = jnp.dot(x_ref[...], w_ref[...],
                          preferred_element_type=jnp.float32) * dinv
    dinv_ref[...] = jnp.broadcast_to(dinv, dinv_ref.shape)


_scale_mm = pl.pallas_call(
    _scale_mm_body,
    grid=(N // R,),
    in_specs=[
        pl.BlockSpec((R, D), lambda i: (i, 0)),
        pl.BlockSpec((D, D), lambda i: (0, 0)),
        pl.BlockSpec((2, R, D), lambda i: (0, i, 0)),
    ],
    out_specs=[
        pl.BlockSpec((R, D), lambda i: (i, 0)),
        pl.BlockSpec((R, 16), lambda i: (i, 0)),
    ],
    out_shape=[
        jax.ShapeDtypeStruct((N, D), jnp.float32),
        jax.ShapeDtypeStruct((N, 16), jnp.float32),
    ],
)


def _mid_body(acc_ref, hn_ref, dinv_ref, b_ref, w_ref, out_ref):
    dinv = dinv_ref[:, 0:1]
    h = jnp.maximum(
        (acc_ref[0] + acc_ref[1] + hn_ref[...]) * dinv + b_ref[...], 0.0)
    out_ref[...] = jnp.dot(h, w_ref[...],
                           preferred_element_type=jnp.float32) * dinv


_mid_call = pl.pallas_call(
    _mid_body,
    grid=(N // R,),
    in_specs=[
        pl.BlockSpec((2, R, D), lambda i: (0, i, 0)),
        pl.BlockSpec((R, D), lambda i: (i, 0)),
        pl.BlockSpec((R, 16), lambda i: (i, 0)),
        pl.BlockSpec((1, D), lambda i: (0, 0)),
        pl.BlockSpec((D, D), lambda i: (0, 0)),
    ],
    out_specs=pl.BlockSpec((R, D), lambda i: (i, 0)),
    out_shape=jax.ShapeDtypeStruct((N, D), jnp.float32),
)


def _last_body(acc_ref, hn_ref, dinv_ref, b_ref, out_ref):
    dinv = dinv_ref[:, 0:1]
    out_ref[...] = jnp.maximum(
        (acc_ref[0] + acc_ref[1] + hn_ref[...]) * dinv + b_ref[...], 0.0)


_last_call = pl.pallas_call(
    _last_body,
    grid=(N // R,),
    in_specs=[
        pl.BlockSpec((2, R, D), lambda i: (0, i, 0)),
        pl.BlockSpec((R, D), lambda i: (i, 0)),
        pl.BlockSpec((R, 16), lambda i: (i, 0)),
        pl.BlockSpec((1, D), lambda i: (0, 0)),
    ],
    out_specs=pl.BlockSpec((R, D), lambda i: (i, 0)),
    out_shape=jax.ShapeDtypeStruct((N, D), jnp.float32),
)


def _lstm_body(xp_ref, wih_ref, whh_ref, bio_ref, wp_ref, bp_ref, out_ref):
    wih = wih_ref[...]
    whh = whh_ref[...]
    bio = bio_ref[...]

    def step(t, hc):
        h, c = hc
        xt = xp_ref[:, t, :]
        gates = (jnp.dot(xt, wih, preferred_element_type=jnp.float32) + bio
                 + jnp.dot(h, whh, preferred_element_type=jnp.float32))
        i = jax.nn.sigmoid(gates[:, 0:D])
        f = jax.nn.sigmoid(gates[:, D:2 * D])
        g = jnp.tanh(gates[:, 2 * D:3 * D])
        o = jax.nn.sigmoid(gates[:, 3 * D:4 * D])
        c = f * c + i * g
        h = o * jnp.tanh(c)
        return (h, c)

    h0 = jnp.zeros((B, D), jnp.float32)
    c0 = jnp.zeros((B, D), jnp.float32)
    h, c = lax.fori_loop(0, T, step, (h0, c0))
    out_ref[...] = jnp.dot(h, wp_ref[...],
                           preferred_element_type=jnp.float32) + bp_ref[...]


_lstm_call = pl.pallas_call(
    _lstm_body,
    out_shape=jax.ShapeDtypeStruct((B, D), jnp.float32),
)


def kernel(x, edge_index, batch_size, W1, b1, W2, b2,
           W_ih, W_hh, b_ih, b_hh, Wp, bp):
    pad = E_PAD - E
    pidx = jnp.arange(pad, dtype=jnp.int32)
    src = jnp.concatenate([edge_index[0], (pidx * 13) % N])
    dst = jnp.concatenate([edge_index[1], N + (pidx % (N_PAD - N))])
    srcg = src.reshape(E_PAD // K, K)
    dstg = dst.reshape(E_PAD // K, K)

    degp = _deg_call(dstg)
    hn1, dinv = _scale_mm(x, W1, degp)

    acc1 = _edge_call(hn1, srcg, dstg)
    hn2 = _mid_call(acc1, hn1, dinv, b1.reshape(1, D), W2)
    acc2 = _edge_call(hn2, srcg, dstg)
    h2 = _last_call(acc2, hn2, dinv, b2.reshape(1, D))
    out = _lstm_call(h2.reshape(B, T, D), W_ih.T, W_hh.T,
                     (b_ih + b_hh).reshape(1, G4), Wp.T, bp.reshape(1, D))
    return out

# --- scband reference (transcript-rebuilt; emitter-appended) ---
"""Pipeline reference for scband-temporal-gcn-86878598464172 (READ-ONLY COPY).

The authoritative reference and input builder live on the scoring server;
editing this copy changes nothing except your own understanding.
"""

import jax, jax.numpy as jnp
import numpy as np

N = 10000
E = 320000
D_IN = 128
H_GCN = 128
H_LSTM = 128
D_OUT = 128
BATCH_SIZE = 100


def setup_inputs(seed: int = 0) -> dict:
    key = jax.random.key(seed)
    ks = jax.random.split(key, 12)
    x = jax.random.normal(ks[0], (N, D_IN), dtype=jnp.float32)
    edge_index = jax.random.randint(ks[1], (2, E), 0, N, dtype=jnp.int32)
    s = 0.05
    W1 = jax.random.normal(ks[2], (D_IN, H_GCN), dtype=jnp.float32) * s
    b1 = jnp.zeros((H_GCN,), dtype=jnp.float32)
    W2 = jax.random.normal(ks[3], (H_GCN, H_GCN), dtype=jnp.float32) * s
    b2 = jnp.zeros((H_GCN,), dtype=jnp.float32)
    W_ih = jax.random.normal(ks[4], (4 * H_LSTM, H_GCN), dtype=jnp.float32) * s
    W_hh = jax.random.normal(ks[5], (4 * H_LSTM, H_LSTM), dtype=jnp.float32) * s
    b_ih = jnp.zeros((4 * H_LSTM,), dtype=jnp.float32)
    b_hh = jnp.zeros((4 * H_LSTM,), dtype=jnp.float32)
    Wp = jax.random.normal(ks[6], (D_OUT, H_LSTM), dtype=jnp.float32) * s
    bp = jnp.zeros((D_OUT,), dtype=jnp.float32)
    return {"x": x, "edge_index": edge_index, "batch_size": 100,
            "W1": W1, "b1": b1, "W2": W2, "b2": b2,
            "W_ih": W_ih, "W_hh": W_hh, "b_ih": b_ih, "b_hh": b_hh,
            "Wp": Wp, "bp": bp}


def _gcn_conv(x, edge_index, W, b):
    # PyG GCNConv: linear transform, add self-loops, symmetric normalization, scatter-add
    h = x @ W
    src = edge_index[0]
    dst = edge_index[1]
    loop = jnp.arange(N, dtype=src.dtype)
    src = jnp.concatenate([src, loop])
    dst = jnp.concatenate([dst, loop])
    ones = jnp.ones(src.shape[0], dtype=h.dtype)
    deg = jax.ops.segment_sum(ones, dst, num_segments=N)
    dinv = jnp.where(deg > 0, deg ** -0.5, 0.0)
    norm = dinv[src] * dinv[dst]
    msg = h[src] * norm[:, None]
    out = jax.ops.segment_sum(msg, dst, num_segments=N)
    return out + b


def reference(x, edge_index, batch_size, W1, b1, W2, b2, W_ih, W_hh, b_ih, b_hh, Wp, bp):
    h = jax.nn.relu(_gcn_conv(x, edge_index, W1, b1))
    h = jax.nn.relu(_gcn_conv(h, edge_index, W2, b2))
    bsz = BATCH_SIZE
    h = h + (jnp.asarray(batch_size, h.dtype) - bsz) * 0.0
    seq_len = h.shape[0] // bsz
    h = h.reshape(bsz, seq_len, H_GCN)
    # single-layer LSTM, batch_first; PyTorch gate order i, f, g, o
    xs = jnp.transpose(h, (1, 0, 2))  # [T, B, D]
    h0 = jnp.zeros((bsz, H_LSTM), dtype=h.dtype)
    c0 = jnp.zeros((bsz, H_LSTM), dtype=h.dtype)

    def step(carry, xt):
        hprev, cprev = carry
        gates = xt @ W_ih.T + b_ih + hprev @ W_hh.T + b_hh
        i, f, g, o = jnp.split(gates, 4, axis=-1)
        i = jax.nn.sigmoid(i)
        f = jax.nn.sigmoid(f)
        g = jnp.tanh(g)
        o = jax.nn.sigmoid(o)
        c = f * cprev + i * g
        hh = o * jnp.tanh(c)
        return (hh, c), None

    (hT, cT), _ = jax.lax.scan(step, (h0, c0), xs)
    return hT @ Wp.T + bp

if __name__ == "__main__":
    import jax
    _d = setup_inputs()
    print(jax.jit(kernel)(*tuple(_d.values())))

</pallas_src>

<mosaic_0001>
#map = affine_map<(d0, d1) -> (0, 0)>
#map1 = affine_map<(d0, d1) -> (0, 0, 0)>
module attributes {stable_mosaic.version = 14 : i64} {
  func.func @_deg_body(%arg0: i32, %arg1: i32, %arg2: memref<2560x128xi32, #tpu.memory_space<hbm>>, %arg3: memref<2x10240x128xf32, #tpu.memory_space<hbm>>, %arg4: memref<80x128xi32, #tpu.memory_space<vmem>>, %arg5: memref<128x128xf32, #tpu.memory_space<vmem>>, %arg6: memref<10240x128xf32, #tpu.memory_space<vmem_shared>>, %arg7: memref<!tpu.dma_semaphore, #tpu.memory_space<semaphore_mem>>) attributes {dimension_semantics = [#tpu.dimension_semantics<core_parallel>, #tpu.dimension_semantics<subcore_parallel>], iteration_bounds = array<i64: 2, 16>, scalar_prefetch = 0 : i64, scratch_operands = 4 : i64, tpu.core_type = #tpu.core_type<sc_vector_subcore>, window_params = [{transform_indices = #map}, {transform_indices = #map1}]} {
    %mul3A = arith.constant 1280 : i32
    %mul3A_0 = arith.muli %arg0, %mul3A : i32
    %mul3A_1 = arith.constant 80 : i32
    %mul3A_2 = arith.muli %arg1, %mul3A_1 : i32
    %add3A = arith.addi %mul3A_0, %mul3A_2 : i32
    "tpu.region"() ({
      %run_scoped3A = tpu.sem_alloc : memref<!tpu.dma_semaphore, #tpu.memory_space<semaphore_mem>>
      %dma_start3A = arith.constant 0 : i32
      %dma_start3A_45 = tpu.memref_slice %arg2[%add3A, %dma_start3A] : memref<2560x128xi32, #tpu.memory_space<hbm>> -> memref<80x128xi32, #tpu.memory_space<hbm>>
      %dma_start3A_46 = arith.constant 0 : i32
      %dma_start3A_47 = tpu.memref_slice %arg2[%add3A, %dma_start3A_46] : memref<2560x128xi32, #tpu.memory_space<hbm>> -> memref<80x128xi32, #tpu.memory_space<hbm>>
      tpu.enqueue_dma source(%dma_start3A_47 : memref<80x128xi32, #tpu.memory_space<hbm>>) target(%arg4 : memref<80x128xi32, #tpu.memory_space<vmem>>) target_semaphore(%run_scoped3A : memref<!tpu.dma_semaphore, #tpu.memory_space<semaphore_mem>>)
      %dma_wait3A = arith.constant 0 : i32
      %dma_wait3A_48 = tpu.memref_slice %arg2[%add3A, %dma_wait3A] : memref<2560x128xi32, #tpu.memory_space<hbm>> -> memref<80x128xi32, #tpu.memory_space<hbm>>
      %dma_wait3A_49 = arith.constant 0 : i32
      %dma_wait3A_50 = tpu.memref_slice %arg2[%add3A, %dma_wait3A_49] : memref<2560x128xi32, #tpu.memory_space<hbm>> -> memref<80x128xi32, #tpu.memory_space<hbm>>
      tpu.wait_dma2 semaphore(%run_scoped3A : memref<!tpu.dma_semaphore, #tpu.memory_space<semaphore_mem>>) src(%dma_wait3A_50 : memref<80x128xi32, #tpu.memory_space<hbm>>) dst(%arg4 : memref<80x128xi32, #tpu.memory_space<vmem>>)
      tpu.yield
    }) : () -> ()
    %broadcast_in_dim3A = arith.constant 0.000000e+00 : f32
    %broadcast_in_dim3A_3 = vector.broadcast %broadcast_in_dim3A : f32 to vector<16xf32>
    %broadcast_in_dim3A_4 = arith.constant 1.000000e+00 : f32
    %broadcast_in_dim3A_5 = vector.broadcast %broadcast_in_dim3A_4 : f32 to vector<16xf32>
    %scan3A = arith.constant 0 : i32
    %scan3A_6 = arith.constant 128 : i32
    %scan3A_7 = arith.addi %scan3A, %scan3A_6 : i32
    %scan3A_8 = arith.constant 1 : i32
    scf.for %scan3A_45 = %scan3A to %scan3A_7 step %scan3A_8  : i32 {
      %mul3A_46 = arith.constant 1 : i32
      %mul3A_47 = arith.muli %scan3A_45, %mul3A_46 : i32
      %add3A_48 = arith.constant 0 : i32
      %add3A_49 = arith.addi %add3A_48, %mul3A_47 : i32
      %swap3A = arith.index_cast %add3A_49 : i32 to index
      %swap3A_50 = arith.constant 0 : index
      %swap3A_51 = tpu.vector_load %arg5[%swap3A, %swap3A_50] {strides = array<i32>} : memref<128x128xf32, #tpu.memory_space<vmem>>, vector<1x16xf32>,
      %swap3A_52 = vector.shape_cast %swap3A_51 : vector<1x16xf32> to vector<16xf32>
      %swap3A_53 = vector.shape_cast %broadcast_in_dim3A_3 : vector<16xf32> to vector<1x16xf32>
      tpu.vector_store %arg5[%swap3A, %swap3A_50], %swap3A_53 {strides = array<i32>} : memref<128x128xf32, #tpu.memory_space<vmem>>, vector<1x16xf32>,
      %swap3A_54 = arith.index_cast %add3A_49 : i32 to index
      %swap3A_55 = arith.constant 16 : index
      %swap3A_56 = tpu.vector_load %arg5[%swap3A_54, %swap3A_55] {strides = array<i32>} : memref<128x128xf32, #tpu.memory_space<vmem>>, vector<1x16xf32>,
      %swap3A_57 = vector.shape_cast %swap3A_56 : vector<1x16xf32> to vector<16xf32>
      %swap3A_58 = vector.shape_cast %broadcast_in_dim3A_3 : vector<16xf32> to vector<1x16xf32>
      tpu.vector_store %arg5[%swap3A_54, %swap3A_55], %swap3A_58 {strides = array<i32>} : memref<128x128xf32, #tpu.memory_space<vmem>>, vector<1x16xf32>,
      %swap3A_59 = arith.index_cast %add3A_49 : i32 to index
      %swap3A_60 = arith.constant 32 : index
      %swap3A_61 = tpu.vector_load %arg5[%swap3A_59, %swap3A_60] {strides = array<i32>} : memref<128x128xf32, #tpu.memory_space<vmem>>, vector<1x16xf32>,
      %swap3A_62 = vector.shape_cast %swap3A_61 : vector<1x16xf32> to vector<16xf32>
      %swap3A_63 = vector.shape_cast %broadcast_in_dim3A_3 : vector<16xf32> to vector<1x16xf32>
      tpu.vector_store %arg5[%swap3A_59, %swap3A_60], %swap3A_63 {strides = array<i32>} : memref<128x128xf32, #tpu.memory_space<vmem>>, vector<1x16xf32>,
      %swap3A_64 = arith.index_cast %add3A_49 : i32 to index
      %swap3A_65 = arith.constant 48 : index
      %swap3A_66 = tpu.vector_load %arg5[%swap3A_64, %swap3A_65] {strides = array<i32>} : memref<128x128xf32, #tpu.memory_space<vmem>>, vector<1x16xf32>,
      %swap3A_67 = vector.shape_cast %swap3A_66 : vector<1x16xf32> to vector<16xf32>
      %swap3A_68 = vector.shape_cast %broadcast_in_dim3A_3 : vector<16xf32> to vector<1x16xf32>
      tpu.vector_store %arg5[%swap3A_64, %swap3A_65], %swap3A_68 {strides = array<i32>} : memref<128x128xf32, #tpu.memory_space<vmem>>, vector<1x16xf32>,
      %swap3A_69 = arith.index_cast %add3A_49 : i32 to index
      %swap3A_70 = arith.constant 64 : index
      %swap3A_71 = tpu.vector_load %arg5[%swap3A_69, %swap3A_70] {strides = array<i32>} : memref<128x128xf32, #tpu.memory_space<vmem>>, vector<1x16xf32>,
      %swap3A_72 = vector.shape_cast %swap3A_71 : vector<1x16xf32> to vector<16xf32>
      %swap3A_73 = vector.shape_cast %broadcast_in_dim3A_3 : vector<16xf32> to vector<1x16xf32>
      tpu.vector_store %arg5[%swap3A_69, %swap3A_70], %swap3A_73 {strides = array<i32>} : memref<128x128xf32, #tpu.memory_space<vmem>>, vector<1x16xf32>,
      %swap3A_74 = arith.index_cast %add3A_49 : i32 to index
      %swap3A_75 = arith.constant 80 : index
      %swap3A_76 = tpu.vector_load %arg5[%swap3A_74, %swap3A_75] {strides = array<i32>} : memref<128x128xf32, #tpu.memory_space<vmem>>, vector<1x16xf32>,
      %swap3A_77 = vector.shape_cast %swap3A_76 : vector<1x16xf32> to vector<16xf32>
      %swap3A_78 = vector.shape_cast %broadcast_in_dim3A_3 : vector<16xf32> to vector<1x16xf32>
      tpu.vector_store %arg5[%swap3A_74, %swap3A_75], %swap3A_78 {strides = array<i32>} : memref<128x128xf32, #tpu.memory_space<vmem>>, vector<1x16xf32>,
      %swap3A_79 = arith.index_cast %add3A_49 : i32 to index
      %swap3A_80 = arith.constant 96 : index
      %swap3A_81 = tpu.vector_load %arg5[%swap3A_79, %swap3A_80] {strides = array<i32>} : memref<128x128xf32, #tpu.memory_space<vmem>>, vector<1x16xf32>,
      %swap3A_82 = vector.shape_cast %swap3A_81 : vector<1x16xf32> to vector<16xf32>
      %swap3A_83 = vector.shape_cast %broadcast_in_dim3A_3 : vector<16xf32> to vector<1x16xf32>
      tpu.vector_store %arg5[%swap3A_79, %swap3A_80], %swap3A_83 {strides = array<i32>} : memref<128x128xf32, #tpu.memory_space<vmem>>, vector<1x16xf32>,
      %swap3A_84 = arith.index_cast %add3A_49 : i32 to index
      %swap3A_85 = arith.constant 112 : index
      %swap3A_86 = tpu.vector_load %arg5[%swap3A_84, %swap3A_85] {strides = array<i32>} : memref<128x128xf32, #tpu.memory_space<vmem>>, vector<1x16xf32>,
      %swap3A_87 = vector.shape_cast %swap3A_86 : vector<1x16xf32> to vector<16xf32>
      %swap3A_88 = vector.shape_cast %broadcast_in_dim3A_3 : vector<16xf32> to vector<1x16xf32>
      tpu.vector_store %arg5[%swap3A_84, %swap3A_85], %swap3A_88 {strides = array<i32>} : memref<128x128xf32, #tpu.memory_space<vmem>>, vector<1x16xf32>,
    }
    %scan3A_9 = arith.constant 128 : i32
    %mul3A_10 = arith.constant 640 : i32
    %mul3A_11 = arith.muli %arg1, %mul3A_10 : i32
    %add3A_12 = arith.constant 0 : i32
    %add3A_13 = arith.addi %mul3A_11, %add3A_12 : i32
    "tpu.region"() ({
      %run_scoped3A = tpu.sem_alloc : memref<!tpu.dma_semaphore, #tpu.memory_space<semaphore_mem>>
      %dma_start3A = arith.constant 0 : i32
      %dma_start3A_45 = tpu.memref_slice %arg6[%add3A_13, %dma_start3A] : memref<10240x128xf32, #tpu.memory_space<vmem_shared>> -> memref<128x128xf32, #tpu.memory_space<vmem_shared>>
      %dma_start3A_46 = arith.constant 0 : i32
      %dma_start3A_47 = tpu.memref_slice %arg6[%add3A_13, %dma_start3A_46] : memref<10240x128xf32, #tpu.memory_space<vmem_shared>> -> memref<128x128xf32, #tpu.memory_space<vmem_shared>>
      tpu.enqueue_dma source(%arg5 : memref<128x128xf32, #tpu.memory_space<vmem>>) target(%dma_start3A_47 : memref<128x128xf32, #tpu.memory_space<vmem_shared>>) target_semaphore(%run_scoped3A : memref<!tpu.dma_semaphore, #tpu.memory_space<semaphore_mem>>)
      %dma_wait3A = arith.constant 0 : i32
      %dma_wait3A_48 = tpu.memref_slice %arg6[%add3A_13, %dma_wait3A] : memref<10240x128xf32, #tpu.memory_space<vmem_shared>> -> memref<128x128xf32, #tpu.memory_space<vmem_shared>>
      %dma_wait3A_49 = arith.constant 0 : i32
      %dma_wait3A_50 = tpu.memref_slice %arg6[%add3A_13, %dma_wait3A_49] : memref<10240x128xf32, #tpu.memory_space<vmem_shared>> -> memref<128x128xf32, #tpu.memory_space<vmem_shared>>
      tpu.wait_dma2 semaphore(%run_scoped3A : memref<!tpu.dma_semaphore, #tpu.memory_space<semaphore_mem>>) src(%arg5 : memref<128x128xf32, #tpu.memory_space<vmem>>) dst(%dma_wait3A_50 : memref<128x128xf32, #tpu.memory_space<vmem_shared>>)
      tpu.yield
    }) : () -> ()
    %mul3A_14 = arith.constant 640 : i32
    %mul3A_15 = arith.muli %arg1, %mul3A_14 : i32
    %add3A_16 = arith.constant 128 : i32
    %add3A_17 = arith.addi %mul3A_15, %add3A_16 : i32
    "tpu.region"() ({
      %run_scoped3A = tpu.sem_alloc : memref<!tpu.dma_semaphore, #tpu.memory_space<semaphore_mem>>
      %dma_start3A = arith.constant 0 : i32
      %dma_start3A_45 = tpu.memref_slice %arg6[%add3A_17, %dma_start3A] : memref<10240x128xf32, #tpu.memory_space<vmem_shared>> -> memref<128x128xf32, #tpu.memory_space<vmem_shared>>
      %dma_start3A_46 = arith.constant 0 : i32
      %dma_start3A_47 = tpu.memref_slice %arg6[%add3A_17, %dma_start3A_46] : memref<10240x128xf32, #tpu.memory_space<vmem_shared>> -> memref<128x128xf32, #tpu.memory_space<vmem_shared>>
      tpu.enqueue_dma source(%arg5 : memref<128x128xf32, #tpu.memory_space<vmem>>) target(%dma_start3A_47 : memref<128x128xf32, #tpu.memory_space<vmem_shared>>) target_semaphore(%run_scoped3A : memref<!tpu.dma_semaphore, #tpu.memory_space<semaphore_mem>>)
      %dma_wait3A = arith.constant 0 : i32
      %dma_wait3A_48 = tpu.memref_slice %arg6[%add3A_17, %dma_wait3A] : memref<10240x128xf32, #tpu.memory_space<vmem_shared>> -> memref<128x128xf32, #tpu.memory_space<vmem_shared>>
      %dma_wait3A_49 = arith.constant 0 : i32
      %dma_wait3A_50 = tpu.memref_slice %arg6[%add3A_17, %dma_wait3A_49] : memref<10240x128xf32, #tpu.memory_space<vmem_shared>> -> memref<128x128xf32, #tpu.memory_space<vmem_shared>>
      tpu.wait_dma2 semaphore(%run_scoped3A : memref<!tpu.dma_semaphore, #tpu.memory_space<semaphore_mem>>) src(%arg5 : memref<128x128xf32, #tpu.memory_space<vmem>>) dst(%dma_wait3A_50 : memref<128x128xf32, #tpu.memory_space<vmem_shared>>)
      tpu.yield
    }) : () -> ()
    %mul3A_18 = arith.constant 640 : i32
    %mul3A_19 = arith.muli %arg1, %mul3A_18 : i32
    %add3A_20 = arith.constant 256 : i32
    %add3A_21 = arith.addi %mul3A_19, %add3A_20 : i32
    "tpu.region"() ({
      %run_scoped3A = tpu.sem_alloc : memref<!tpu.dma_semaphore, #tpu.memory_space<semaphore_mem>>
      %dma_start3A = arith.constant 0 : i32
      %dma_start3A_45 = tpu.memref_slice %arg6[%add3A_21, %dma_start3A] : memref<10240x128xf32, #tpu.memory_space<vmem_shared>> -> memref<128x128xf32, #tpu.memory_space<vmem_shared>>
      %dma_start3A_46 = arith.constant 0 : i32
      %dma_start3A_47 = tpu.memref_slice %arg6[%add3A_21, %dma_start3A_46] : memref<10240x128xf32, #tpu.memory_space<vmem_shared>> -> memref<128x128xf32, #tpu.memory_space<vmem_shared>>
      tpu.enqueue_dma source(%arg5 : memref<128x128xf32, #tpu.memory_space<vmem>>) target(%dma_start3A_47 : memref<128x128xf32, #tpu.memory_space<vmem_shared>>) target_semaphore(%run_scoped3A : memref<!tpu.dma_semaphore, #tpu.memory_space<semaphore_mem>>)
      %dma_wait3A = arith.constant 0 : i32
      %dma_wait3A_48 = tpu.memref_slice %arg6[%add3A_21, %dma_wait3A] : memref<10240x128xf32, #tpu.memory_space<vmem_shared>> -> memref<128x128xf32, #tpu.memory_space<vmem_shared>>
      %dma_wait3A_49 = arith.constant 0 : i32
      %dma_wait3A_50 = tpu.memref_slice %arg6[%add3A_21, %dma_wait3A_49] : memref<10240x128xf32, #tpu.memory_space<vmem_shared>> -> memref<128x128xf32, #tpu.memory_space<vmem_shared>>
      tpu.wait_dma2 semaphore(%run_scoped3A : memref<!tpu.dma_semaphore, #tpu.memory_space<semaphore_mem>>) src(%arg5 : memref<128x128xf32, #tpu.memory_space<vmem>>) dst(%dma_wait3A_50 : memref<128x128xf32, #tpu.memory_space<vmem_shared>>)
      tpu.yield
    }) : () -> ()
    %mul3A_22 = arith.constant 640 : i32
    %mul3A_23 = arith.muli %arg1, %mul3A_22 : i32
    %add3A_24 = arith.constant 384 : i32
    %add3A_25 = arith.addi %mul3A_23, %add3A_24 : i32
    "tpu.region"() ({
      %run_scoped3A = tpu.sem_alloc : memref<!tpu.dma_semaphore, #tpu.memory_space<semaphore_mem>>
      %dma_start3A = arith.constant 0 : i32
      %dma_start3A_45 = tpu.memref_slice %arg6[%add3A_25, %dma_start3A] : memref<10240x128xf32, #tpu.memory_space<vmem_shared>> -> memref<128x128xf32, #tpu.memory_space<vmem_shared>>
      %dma_start3A_46 = arith.constant 0 : i32
      %dma_start3A_47 = tpu.memref_slice %arg6[%add3A_25, %dma_start3A_46] : memref<10240x128xf32, #tpu.memory_space<vmem_shared>> -> memref<128x128xf32, #tpu.memory_space<vmem_shared>>
      tpu.enqueue_dma source(%arg5 : memref<128x128xf32, #tpu.memory_space<vmem>>) target(%dma_start3A_47 : memref<128x128xf32, #tpu.memory_space<vmem_shared>>) target_semaphore(%run_scoped3A : memref<!tpu.dma_semaphore, #tpu.memory_space<semaphore_mem>>)
      %dma_wait3A = arith.constant 0 : i32
      %dma_wait3A_48 = tpu.memref_slice %arg6[%add3A_25, %dma_wait3A] : memref<10240x128xf32, #tpu.memory_space<vmem_shared>> -> memref<128x128xf32, #tpu.memory_space<vmem_shared>>
      %dma_wait3A_49 = arith.constant 0 : i32
      %dma_wait3A_50 = tpu.memref_slice %arg6[%add3A_25, %dma_wait3A_49] : memref<10240x128xf32, #tpu.memory_space<vmem_shared>> -> memref<128x128xf32, #tpu.memory_space<vmem_shared>>
      tpu.wait_dma2 semaphore(%run_scoped3A : memref<!tpu.dma_semaphore, #tpu.memory_space<semaphore_mem>>) src(%arg5 : memref<128x128xf32, #tpu.memory_space<vmem>>) dst(%dma_wait3A_50 : memref<128x128xf32, #tpu.memory_space<vmem_shared>>)
      tpu.yield
    }) : () -> ()
    %mul3A_26 = arith.constant 640 : i32
    %mul3A_27 = arith.muli %arg1, %mul3A_26 : i32
    %add3A_28 = arith.constant 512 : i32
    %add3A_29 = arith.addi %mul3A_27, %add3A_28 : i32
    "tpu.region"() ({
      %run_scoped3A = tpu.sem_alloc : memref<!tpu.dma_semaphore, #tpu.memory_space<semaphore_mem>>
      %dma_start3A = arith.constant 0 : i32
      %dma_start3A_45 = tpu.memref_slice %arg6[%add3A_29, %dma_start3A] : memref<10240x128xf32, #tpu.memory_space<vmem_shared>> -> memref<128x128xf32, #tpu.memory_space<vmem_shared>>
      %dma_start3A_46 = arith.constant 0 : i32
      %dma_start3A_47 = tpu.memref_slice %arg6[%add3A_29, %dma_start3A_46] : memref<10240x128xf32, #tpu.memory_space<vmem_shared>> -> memref<128x128xf32, #tpu.memory_space<vmem_shared>>
      tpu.enqueue_dma source(%arg5 : memref<128x128xf32, #tpu.memory_space<vmem>>) target(%dma_start3A_47 : memref<128x128xf32, #tpu.memory_space<vmem_shared>>) target_semaphore(%run_scoped3A : memref<!tpu.dma_semaphore, #tpu.memory_space<semaphore_mem>>)
      %dma_wait3A = arith.constant 0 : i32
      %dma_wait3A_48 = tpu.memref_slice %arg6[%add3A_29, %dma_wait3A] : memref<10240x128xf32, #tpu.memory_space<vmem_shared>> -> memref<128x128xf32, #tpu.memory_space<vmem_shared>>
      %dma_wait3A_49 = arith.constant 0 : i32
      %dma_wait3A_50 = tpu.memref_slice %arg6[%add3A_29, %dma_wait3A_49] : memref<10240x128xf32, #tpu.memory_space<vmem_shared>> -> memref<128x128xf32, #tpu.memory_space<vmem_shared>>
      tpu.wait_dma2 semaphore(%run_scoped3A : memref<!tpu.dma_semaphore, #tpu.memory_space<semaphore_mem>>) src(%arg5 : memref<128x128xf32, #tpu.memory_space<vmem>>) dst(%dma_wait3A_50 : memref<128x128xf32, #tpu.memory_space<vmem_shared>>)
      tpu.yield
    }) : () -> ()
    %scan3A_30 = arith.constant 0 : i32
    %scan3A_31 = arith.constant 128 : i32
    %scan3A_32 = arith.addi %scan3A_30, %scan3A_31 : i32
    %scan3A_33 = arith.constant 1 : i32
    scf.for %scan3A_45 = %scan3A_30 to %scan3A_32 step %scan3A_33  : i32 {
      %mul3A_46 = arith.constant 1 : i32
      %mul3A_47 = arith.muli %scan3A_45, %mul3A_46 : i32
      %add3A_48 = arith.constant 0 : i32
      %add3A_49 = arith.addi %add3A_48, %mul3A_47 : i32
      %swap3A = arith.index_cast %add3A_49 : i32 to index
      %swap3A_50 = arith.constant 0 : index
      %swap3A_51 = tpu.vector_load %arg5[%swap3A, %swap3A_50] {strides = array<i32>} : memref<128x128xf32, #tpu.memory_space<vmem>>, vector<1x16xf32>,
      %swap3A_52 = vector.shape_cast %swap3A_51 : vector<1x16xf32> to vector<16xf32>
      %swap3A_53 = vector.shape_cast %broadcast_in_dim3A_5 : vector<16xf32> to vector<1x16xf32>
      tpu.vector_store %arg5[%swap3A, %swap3A_50], %swap3A_53 {strides = array<i32>} : memref<128x128xf32, #tpu.memory_space<vmem>>, vector<1x16xf32>,
      %swap3A_54 = arith.index_cast %add3A_49 : i32 to index
      %swap3A_55 = arith.constant 16 : index
      %swap3A_56 = tpu.vector_load %arg5[%swap3A_54, %swap3A_55] {strides = array<i32>} : memref<128x128xf32, #tpu.memory_space<vmem>>, vector<1x16xf32>,
      %swap3A_57 = vector.shape_cast %swap3A_56 : vector<1x16xf32> to vector<16xf32>
      %swap3A_58 = vector.shape_cast %broadcast_in_dim3A_5 : vector<16xf32> to vector<1x16xf32>
      tpu.vector_store %arg5[%swap3A_54, %swap3A_55], %swap3A_58 {strides = array<i32>} : memref<128x128xf32, #tpu.memory_space<vmem>>, vector<1x16xf32>,
      %swap3A_59 = arith.index_cast %add3A_49 : i32 to index
      %swap3A_60 = arith.constant 32 : index
      %swap3A_61 = tpu.vector_load %arg5[%swap3A_59, %swap3A_60] {strides = array<i32>} : memref<128x128xf32, #tpu.memory_space<vmem>>, vector<1x16xf32>,
      %swap3A_62 = vector.shape_cast %swap3A_61 : vector<1x16xf32> to vector<16xf32>
      %swap3A_63 = vector.shape_cast %broadcast_in_dim3A_5 : vector<16xf32> to vector<1x16xf32>
      tpu.vector_store %arg5[%swap3A_59, %swap3A_60], %swap3A_63 {strides = array<i32>} : memref<128x128xf32, #tpu.memory_space<vmem>>, vector<1x16xf32>,
      %swap3A_64 = arith.index_cast %add3A_49 : i32 to index
      %swap3A_65 = arith.constant 48 : index
      %swap3A_66 = tpu.vector_load %arg5[%swap3A_64, %swap3A_65] {strides = array<i32>} : memref<128x128xf32, #tpu.memory_space<vmem>>, vector<1x16xf32>,
      %swap3A_67 = vector.shape_cast %swap3A_66 : vector<1x16xf32> to vector<16xf32>
      %swap3A_68 = vector.shape_cast %broadcast_in_dim3A_5 : vector<16xf32> to vector<1x16xf32>
      tpu.vector_store %arg5[%swap3A_64, %swap3A_65], %swap3A_68 {strides = array<i32>} : memref<128x128xf32, #tpu.memory_space<vmem>>, vector<1x16xf32>,
      %swap3A_69 = arith.index_cast %add3A_49 : i32 to index
      %swap3A_70 = arith.constant 64 : index
      %swap3A_71 = tpu.vector_load %arg5[%swap3A_69, %swap3A_70] {strides = array<i32>} : memref<128x128xf32, #tpu.memory_space<vmem>>, vector<1x16xf32>,
      %swap3A_72 = vector.shape_cast %swap3A_71 : vector<1x16xf32> to vector<16xf32>
      %swap3A_73 = vector.shape_cast %broadcast_in_dim3A_5 : vector<16xf32> to vector<1x16xf32>
      tpu.vector_store %arg5[%swap3A_69, %swap3A_70], %swap3A_73 {strides = array<i32>} : memref<128x128xf32, #tpu.memory_space<vmem>>, vector<1x16xf32>,
      %swap3A_74 = arith.index_cast %add3A_49 : i32 to index
      %swap3A_75 = arith.constant 80 : index
      %swap3A_76 = tpu.vector_load %arg5[%swap3A_74, %swap3A_75] {strides = array<i32>} : memref<128x128xf32, #tpu.memory_space<vmem>>, vector<1x16xf32>,
      %swap3A_77 = vector.shape_cast %swap3A_76 : vector<1x16xf32> to vector<16xf32>
      %swap3A_78 = vector.shape_cast %broadcast_in_dim3A_5 : vector<16xf32> to vector<1x16xf32>
      tpu.vector_store %arg5[%swap3A_74, %swap3A_75], %swap3A_78 {strides = array<i32>} : memref<128x128xf32, #tpu.memory_space<vmem>>, vector<1x16xf32>,
      %swap3A_79 = arith.index_cast %add3A_49 : i32 to index
      %swap3A_80 = arith.constant 96 : index
      %swap3A_81 = tpu.vector_load %arg5[%swap3A_79, %swap3A_80] {strides = array<i32>} : memref<128x128xf32, #tpu.memory_space<vmem>>, vector<1x16xf32>,
      %swap3A_82 = vector.shape_cast %swap3A_81 : vector<1x16xf32> to vector<16xf32>
      %swap3A_83 = vector.shape_cast %broadcast_in_dim3A_5 : vector<16xf32> to vector<1x16xf32>
      tpu.vector_store %arg5[%swap3A_79, %swap3A_80], %swap3A_83 {strides = array<i32>} : memref<128x128xf32, #tpu.memory_space<vmem>>, vector<1x16xf32>,
      %swap3A_84 = arith.index_cast %add3A_49 : i32 to index
      %swap3A_85 = arith.constant 112 : index
      %swap3A_86 = tpu.vector_load %arg5[%swap3A_84, %swap3A_85] {strides = array<i32>} : memref<128x128xf32, #tpu.memory_space<vmem>>, vector<1x16xf32>,
      %swap3A_87 = vector.shape_cast %swap3A_86 : vector<1x16xf32> to vector<16xf32>
      %swap3A_88 = vector.shape_cast %broadcast_in_dim3A_5 : vector<16xf32> to vector<1x16xf32>
      tpu.vector_store %arg5[%swap3A_84, %swap3A_85], %swap3A_88 {strides = array<i32>} : memref<128x128xf32, #tpu.memory_space<vmem>>, vector<1x16xf32>,
    }
    %scan3A_34 = arith.constant 128 : i32
    %barrier3A = arith.constant 0 : index
    tpu.barrier barrier_id(%barrier3A)
    %scan3A_35 = arith.constant 0 : i32
    %scan3A_36 = arith.constant 80 : i32
    %scan3A_37 = arith.addi %scan3A_35, %scan3A_36 : i32
    %scan3A_38 = arith.constant 1 : i32
    scf.for %scan3A_45 = %scan3A_35 to %scan3A_37 step %scan3A_38  : i32 {
      %mul3A_46 = arith.constant 1 : i32
      %mul3A_47 = arith.muli %scan3A_45, %mul3A_46 : i32
      %add3A_48 = arith.constant 0 : i32
      %add3A_49 = arith.addi %add3A_48, %mul3A_47 : i32
      "tpu.region"() ({
        %run_scoped3A = tpu.sem_alloc : memref<!tpu.dma_semaphore, #tpu.memory_space<semaphore_mem>>
        %dma_start3A = arith.constant 0 : i32
        %dma_start3A_50 = tpu.memref_slice %arg4[%add3A_49, %dma_start3A] : memref<80x128xi32, #tpu.memory_space<vmem>> -> memref<1x128xi32, #tpu.memory_space<vmem>>
        %dma_start3A_51 = tpu.memref_squeeze %dma_start3A_50 : memref<1x128xi32, #tpu.memory_space<vmem>> -> memref<128xi32, #tpu.memory_space<vmem>>
        %dma_start3A_52 = arith.constant 0 : i32
        %dma_start3A_53 = arith.constant 0 : i32
        %dma_start3A_54 = tpu.memref_slice %arg6[%dma_start3A_52, %dma_start3A_53] : memref<10240x128xf32, #tpu.memory_space<vmem_shared>> -> memref<10240x128xf32, #tpu.memory_space<vmem_shared>>
        tpu.enqueue_indirect_dma source(%arg5 : memref<128x128xf32, #tpu.memory_space<vmem>>) target(%dma_start3A_54 : memref<10240x128xf32, #tpu.memory_space<vmem_shared>>) offsets(%dma_start3A_51 : memref<128xi32, #tpu.memory_space<vmem>>) semaphore(%run_scoped3A : memref<!tpu.dma_semaphore, #tpu.memory_space<semaphore_mem>>) {add = true}
        %dma_wait3A = arith.constant 0 : i32
        %dma_wait3A_55 = tpu.memref_slice %arg4[%add3A_49, %dma_wait3A] : memref<80x128xi32, #tpu.memory_space<vmem>> -> memref<1x128xi32, #tpu.memory_space<vmem>>
        %dma_wait3A_56 = tpu.memref_squeeze %dma_wait3A_55 : memref<1x128xi32, #tpu.memory_space<vmem>> -> memref<128xi32, #tpu.memory_space<vmem>>
        %dma_wait3A_57 = arith.constant 0 : i32
        %dma_wait3A_58 = arith.constant 0 : i32
        %dma_wait3A_59 = tpu.memref_slice %arg6[%dma_wait3A_57, %dma_wait3A_58] : memref<10240x128xf32, #tpu.memory_space<vmem_shared>> -> memref<10240x128xf32, #tpu.memory_space<vmem_shared>>
        tpu.wait_indirect_dma semaphore(%run_scoped3A : memref<!tpu.dma_semaphore, #tpu.memory_space<semaphore_mem>>) src(%arg5 : memref<128x128xf32, #tpu.memory_space<vmem>>) dst(%dma_wait3A_59 : memref<10240x128xf32, #tpu.memory_space<vmem_shared>>)
        tpu.yield
      }) : () -> ()
    }
    %scan3A_39 = arith.constant 80 : i32
    %barrier3A_40 = arith.constant 0 : index
    tpu.barrier barrier_id(%barrier3A_40)
    %mul3A_41 = arith.constant 640 : i32
    %mul3A_42 = arith.muli %arg1, %mul3A_41 : i32
    %mul3A_43 = arith.constant 640 : i32
    %mul3A_44 = arith.muli %arg1, %mul3A_43 : i32
    "tpu.region"() ({
      %run_scoped3A = tpu.sem_alloc : memref<!tpu.dma_semaphore, #tpu.memory_space<semaphore_mem>>
      %dma_start3A = arith.constant 0 : i32
      %dma_start3A_45 = tpu.memref_slice %arg3[%arg0, %mul3A_44, %dma_start3A] : memref<2x10240x128xf32, #tpu.memory_space<hbm>> -> memref<1x640x128xf32, #tpu.memory_space<hbm>>
      %dma_start3A_46 = tpu.memref_squeeze %dma_start3A_45 : memref<1x640x128xf32, #tpu.memory_space<hbm>> -> memref<640x128xf32, #tpu.memory_space<hbm>>
      %dma_start3A_47 = arith.constant 0 : i32
      %dma_start3A_48 = tpu.memref_slice %arg6[%mul3A_42, %dma_start3A_47] : memref<10240x128xf32, #tpu.memory_space<vmem_shared>> -> memref<640x128xf32, #tpu.memory_space<vmem_shared>>
      tpu.enqueue_dma source(%dma_start3A_48 : memref<640x128xf32, #tpu.memory_space<vmem_shared>>) target(%dma_start3A_46 : memref<640x128xf32, #tpu.memory_space<hbm>>) target_semaphore(%run_scoped3A : memref<!tpu.dma_semaphore, #tpu.memory_space<semaphore_mem>>)
      %dma_wait3A = arith.constant 0 : i32
      %dma_wait3A_49 = tpu.memref_slice %arg3[%arg0, %mul3A_44, %dma_wait3A] : memref<2x10240x128xf32, #tpu.memory_space<hbm>> -> memref<1x640x128xf32, #tpu.memory_space<hbm>>
      %dma_wait3A_50 = tpu.memref_squeeze %dma_wait3A_49 : memref<1x640x128xf32, #tpu.memory_space<hbm>> -> memref<640x128xf32, #tpu.memory_space<hbm>>
      %dma_wait3A_51 = arith.constant 0 : i32
      %dma_wait3A_52 = tpu.memref_slice %arg6[%mul3A_42, %dma_wait3A_51] : memref<10240x128xf32, #tpu.memory_space<vmem_shared>> -> memref<640x128xf32, #tpu.memory_space<vmem_shared>>
      tpu.wait_dma2 semaphore(%run_scoped3A : memref<!tpu.dma_semaphore, #tpu.memory_space<semaphore_mem>>) src(%dma_wait3A_52 : memref<640x128xf32, #tpu.memory_space<vmem_shared>>) dst(%dma_wait3A_50 : memref<640x128xf32, #tpu.memory_space<hbm>>)
      tpu.yield
    }) : () -> ()
    return
  }
}

#map = affine_map<(d0, d1) -> (0, 0)>
#map1 = affine_map<(d0, d1) -> (0, 0, 0)>
module attributes {stable_mosaic.version = 14 : i64} {
  func.func @_edge_body(%arg0: i32, %arg1: i32, %arg2: memref<10000x128xf32, #tpu.memory_space<hbm>>, %arg3: memref<2560x128xi32, #tpu.memory_space<hbm>>, %arg4: memref<2560x128xi32, #tpu.memory_space<hbm>>, %arg5: memref<2x10240x128xf32, #tpu.memory_space<hbm>>, %arg6: memref<40x128xi32, #tpu.memory_space<vmem>>, %arg7: memref<40x128xi32, #tpu.memory_space<vmem>>, %arg8: memref<128x128xf32, #tpu.memory_space<vmem>>, %arg9: memref<128x128xf32, #tpu.memory_space<vmem>>, %arg10: memref<10240x128xf32, #tpu.memory_space<vmem_shared>>, %arg11: memref<!tpu.dma_semaphore, #tpu.memory_space<semaphore_mem>>, %arg12: memref<!tpu.dma_semaphore, #tpu.memory_space<semaphore_mem>>) attributes {dimension_semantics = [#tpu.dimension_semantics<core_parallel>, #tpu.dimension_semantics<subcore_parallel>], iteration_bounds = array<i64: 2, 16>, scalar_prefetch = 0 : i64, scratch_operands = 7 : i64, tpu.core_type = #tpu.core_type<sc_vector_subcore>, window_params = [{transform_indices = #map}, {transform_indices = #map}, {transform_indices = #map}, {transform_indices = #map1}]} {
    %mul3A = arith.constant 1280 : i32
    %mul3A_0 = arith.muli %arg0, %mul3A : i32
    %mul3A_1 = arith.constant 80 : i32
    %mul3A_2 = arith.muli %arg1, %mul3A_1 : i32
    %add3A = arith.addi %mul3A_0, %mul3A_2 : i32
    %broadcast_in_dim3A = arith.constant 0.000000e+00 : f32
    %broadcast_in_dim3A_3 = vector.broadcast %broadcast_in_dim3A : f32 to vector<16xf32>
    %scan3A = arith.constant 0 : i32
    %scan3A_4 = arith.constant 128 : i32
    %scan3A_5 = arith.addi %scan3A, %scan3A_4 : i32
    %scan3A_6 = arith.constant 1 : i32
    scf.for %scan3A_64 = %scan3A to %scan3A_5 step %scan3A_6  : i32 {
      %mul3A_65 = arith.constant 1 : i32
      %mul3A_66 = arith.muli %scan3A_64, %mul3A_65 : i32
      %add3A_67 = arith.constant 0 : i32
      %add3A_68 = arith.addi %add3A_67, %mul3A_66 : i32
      %swap3A = arith.index_cast %add3A_68 : i32 to index
      %swap3A_69 = arith.constant 0 : index
      %swap3A_70 = tpu.vector_load %arg8[%swap3A, %swap3A_69] {strides = array<i32>} : memref<128x128xf32, #tpu.memory_space<vmem>>, vector<1x16xf32>,
      %swap3A_71 = vector.shape_cast %swap3A_70 : vector<1x16xf32> to vector<16xf32>
      %swap3A_72 = vector.shape_cast %broadcast_in_dim3A_3 : vector<16xf32> to vector<1x16xf32>
      tpu.vector_store %arg8[%swap3A, %swap3A_69], %swap3A_72 {strides = array<i32>} : memref<128x128xf32, #tpu.memory_space<vmem>>, vector<1x16xf32>,
      %swap3A_73 = arith.index_cast %add3A_68 : i32 to index
      %swap3A_74 = arith.constant 16 : index
      %swap3A_75 = tpu.vector_load %arg8[%swap3A_73, %swap3A_74] {strides = array<i32>} : memref<128x128xf32, #tpu.memory_space<vmem>>, vector<1x16xf32>,
      %swap3A_76 = vector.shape_cast %swap3A_75 : vector<1x16xf32> to vector<16xf32>
      %swap3A_77 = vector.shape_cast %broadcast_in_dim3A_3 : vector<16xf32> to vector<1x16xf32>
      tpu.vector_store %arg8[%swap3A_73, %swap3A_74], %swap3A_77 {strides = array<i32>} : memref<128x128xf32, #tpu.memory_space<vmem>>, vector<1x16xf32>,
      %swap3A_78 = arith.index_cast %add3A_68 : i32 to index
      %swap3A_79 = arith.constant 32 : index
      %swap3A_80 = tpu.vector_load %arg8[%swap3A_78, %swap3A_79] {strides = array<i32>} : memref<128x128xf32, #tpu.memory_space<vmem>>, vector<1x16xf32>,
      %swap3A_81 = vector.shape_cast %swap3A_80 : vector<1x16xf32> to vector<16xf32>
      %swap3A_82 = vector.shape_cast %broadcast_in_dim3A_3 : vector<16xf32> to vector<1x16xf32>
      tpu.vector_store %arg8[%swap3A_78, %swap3A_79], %swap3A_82 {strides = array<i32>} : memref<128x128xf32, #tpu.memory_space<vmem>>, vector<1x16xf32>,
      %swap3A_83 = arith.index_cast %add3A_68 : i32 to index
      %swap3A_84 = arith.constant 48 : index
      %swap3A_85 = tpu.vector_load %arg8[%swap3A_83, %swap3A_84] {strides = array<i32>} : memref<128x128xf32, #tpu.memory_space<vmem>>, vector<1x16xf32>,
      %swap3A_86 = vector.shape_cast %swap3A_85 : vector<1x16xf32> to vector<16xf32>
      %swap3A_87 = vector.shape_cast %broadcast_in_dim3A_3 : vector<16xf32> to vector<1x16xf32>
      tpu.vector_store %arg8[%swap3A_83, %swap3A_84], %swap3A_87 {strides = array<i32>} : memref<128x128xf32, #tpu.memory_space<vmem>>, vector<1x16xf32>,
      %swap3A_88 = arith.index_cast %add3A_68 : i32 to index
      %swap3A_89 = arith.constant 64 : index
      %swap3A_90 = tpu.vector_load %arg8[%swap3A_88, %swap3A_89] {strides = array<i32>} : memref<128x128xf32, #tpu.memory_space<vmem>>, vector<1x16xf32>,
      %swap3A_91 = vector.shape_cast %swap3A_90 : vector<1x16xf32> to vector<16xf32>
      %swap3A_92 = vector.shape_cast %broadcast_in_dim3A_3 : vector<16xf32> to vector<1x16xf32>
      tpu.vector_store %arg8[%swap3A_88, %swap3A_89], %swap3A_92 {strides = array<i32>} : memref<128x128xf32, #tpu.memory_space<vmem>>, vector<1x16xf32>,
      %swap3A_93 = arith.index_cast %add3A_68 : i32 to index
      %swap3A_94 = arith.constant 80 : index
      %swap3A_95 = tpu.vector_load %arg8[%swap3A_93, %swap3A_94] {strides = array<i32>} : memref<128x128xf32, #tpu.memory_space<vmem>>, vector<1x16xf32>,
      %swap3A_96 = vector.shape_cast %swap3A_95 : vector<1x16xf32> to vector<16xf32>
      %swap3A_97 = vector.shape_cast %broadcast_in_dim3A_3 : vector<16xf32> to vector<1x16xf32>
      tpu.vector_store %arg8[%swap3A_93, %swap3A_94], %swap3A_97 {strides = array<i32>} : memref<128x128xf32, #tpu.memory_space<vmem>>, vector<1x16xf32>,
      %swap3A_98 = arith.index_cast %add3A_68 : i32 to index
      %swap3A_99 = arith.constant 96 : index
      %swap3A_100 = tpu.vector_load %arg8[%swap3A_98, %swap3A_99] {strides = array<i32>} : memref<128x128xf32, #tpu.memory_space<vmem>>, vector<1x16xf32>,
      %swap3A_101 = vector.shape_cast %swap3A_100 : vector<1x16xf32> to vector<16xf32>
      %swap3A_102 = vector.shape_cast %broadcast_in_dim3A_3 : vector<16xf32> to vector<1x16xf32>
      tpu.vector_store %arg8[%swap3A_98, %swap3A_99], %swap3A_102 {strides = array<i32>} : memref<128x128xf32, #tpu.memory_space<vmem>>, vector<1x16xf32>,
      %swap3A_103 = arith.index_cast %add3A_68 : i32 to index
      %swap3A_104 = arith.constant 112 : index
      %swap3A_105 = tpu.vector_load %arg8[%swap3A_103, %swap3A_104] {strides = array<i32>} : memref<128x128xf32, #tpu.memory_space<vmem>>, vector<1x16xf32>,
      %swap3A_106 = vector.shape_cast %swap3A_105 : vector<1x16xf32> to vector<16xf32>
      %swap3A_107 = vector.shape_cast %broadcast_in_dim3A_3 : vector<16xf32> to vector<1x16xf32>
      tpu.vector_store %arg8[%swap3A_103, %swap3A_104], %swap3A_107 {strides = array<i32>} : memref<128x128xf32, #tpu.memory_space<vmem>>, vector<1x16xf32>,
    }
    %scan3A_7 = arith.constant 128 : i32
    %mul3A_8 = arith.constant 640 : i32
    %mul3A_9 = arith.muli %arg1, %mul3A_8 : i32
    %add3A_10 = arith.constant 0 : i32
    %add3A_11 = arith.addi %mul3A_9, %add3A_10 : i32
    "tpu.region"() ({
      %run_scoped3A = tpu.sem_alloc : memref<!tpu.dma_semaphore, #tpu.memory_space<semaphore_mem>>
      %dma_start3A_64 = arith.constant 0 : i32
      %dma_start3A_65 = tpu.memref_slice %arg10[%add3A_11, %dma_start3A_64] : memref<10240x128xf32, #tpu.memory_space<vmem_shared>> -> memref<128x128xf32, #tpu.memory_space<vmem_shared>>
      %dma_start3A_66 = arith.constant 0 : i32
      %dma_start3A_67 = tpu.memref_slice %arg10[%add3A_11, %dma_start3A_66] : memref<10240x128xf32, #tpu.memory_space<vmem_shared>> -> memref<128x128xf32, #tpu.memory_space<vmem_shared>>
      tpu.enqueue_dma source(%arg8 : memref<128x128xf32, #tpu.memory_space<vmem>>) target(%dma_start3A_67 : memref<128x128xf32, #tpu.memory_space<vmem_shared>>) target_semaphore(%run_scoped3A : memref<!tpu.dma_semaphore, #tpu.memory_space<semaphore_mem>>)
      %dma_wait3A = arith.constant 0 : i32
      %dma_wait3A_68 = tpu.memref_slice %arg10[%add3A_11, %dma_wait3A] : memref<10240x128xf32, #tpu.memory_space<vmem_shared>> -> memref<128x128xf32, #tpu.memory_space<vmem_shared>>
      %dma_wait3A_69 = arith.constant 0 : i32
      %dma_wait3A_70 = tpu.memref_slice %arg10[%add3A_11, %dma_wait3A_69] : memref<10240x128xf32, #tpu.memory_space<vmem_shared>> -> memref<128x128xf32, #tpu.memory_space<vmem_shared>>
      tpu.wait_dma2 semaphore(%run_scoped3A : memref<!tpu.dma_semaphore, #tpu.memory_space<semaphore_mem>>) src(%arg8 : memref<128x128xf32, #tpu.memory_space<vmem>>) dst(%dma_wait3A_70 : memref<128x128xf32, #tpu.memory_space<vmem_shared>>)
      tpu.yield
    }) : () -> ()
    %mul3A_12 = arith.constant 640 : i32
    %mul3A_13 = arith.muli %arg1, %mul3A_12 : i32
    %add3A_14 = arith.constant 128 : i32
    %add3A_15 = arith.addi %mul3A_13, %add3A_14 : i32
    "tpu.region"() ({
      %run_scoped3A = tpu.sem_alloc : memref<!tpu.dma_semaphore, #tpu.memory_space<semaphore_mem>>
      %dma_start3A_64 = arith.constant 0 : i32
      %dma_start3A_65 = tpu.memref_slice %arg10[%add3A_15, %dma_start3A_64] : memref<10240x128xf32, #tpu.memory_space<vmem_shared>> -> memref<128x128xf32, #tpu.memory_space<vmem_shared>>
      %dma_start3A_66 = arith.constant 0 : i32
      %dma_start3A_67 = tpu.memref_slice %arg10[%add3A_15, %dma_start3A_66] : memref<10240x128xf32, #tpu.memory_space<vmem_shared>> -> memref<128x128xf32, #tpu.memory_space<vmem_shared>>
      tpu.enqueue_dma source(%arg8 : memref<128x128xf32, #tpu.memory_space<vmem>>) target(%dma_start3A_67 : memref<128x128xf32, #tpu.memory_space<vmem_shared>>) target_semaphore(%run_scoped3A : memref<!tpu.dma_semaphore, #tpu.memory_space<semaphore_mem>>)
      %dma_wait3A = arith.constant 0 : i32
      %dma_wait3A_68 = tpu.memref_slice %arg10[%add3A_15, %dma_wait3A] : memref<10240x128xf32, #tpu.memory_space<vmem_shared>> -> memref<128x128xf32, #tpu.memory_space<vmem_shared>>
      %dma_wait3A_69 = arith.constant 0 : i32
      %dma_wait3A_70 = tpu.memref_slice %arg10[%add3A_15, %dma_wait3A_69] : memref<10240x128xf32, #tpu.memory_space<vmem_shared>> -> memref<128x128xf32, #tpu.memory_space<vmem_shared>>
      tpu.wait_dma2 semaphore(%run_scoped3A : memref<!tpu.dma_semaphore, #tpu.memory_space<semaphore_mem>>) src(%arg8 : memref<128x128xf32, #tpu.memory_space<vmem>>) dst(%dma_wait3A_70 : memref<128x128xf32, #tpu.memory_space<vmem_shared>>)
      tpu.yield
    }) : () -> ()
    %mul3A_16 = arith.constant 640 : i32
    %mul3A_17 = arith.muli %arg1, %mul3A_16 : i32
    %add3A_18 = arith.constant 256 : i32
    %add3A_19 = arith.addi %mul3A_17, %add3A_18 : i32
    "tpu.region"() ({
      %run_scoped3A = tpu.sem_alloc : memref<!tpu.dma_semaphore, #tpu.memory_space<semaphore_mem>>
      %dma_start3A_64 = arith.constant 0 : i32
      %dma_start3A_65 = tpu.memref_slice %arg10[%add3A_19, %dma_start3A_64] : memref<10240x128xf32, #tpu.memory_space<vmem_shared>> -> memref<128x128xf32, #tpu.memory_space<vmem_shared>>
      %dma_start3A_66 = arith.constant 0 : i32
      %dma_start3A_67 = tpu.memref_slice %arg10[%add3A_19, %dma_start3A_66] : memref<10240x128xf32, #tpu.memory_space<vmem_shared>> -> memref<128x128xf32, #tpu.memory_space<vmem_shared>>
      tpu.enqueue_dma source(%arg8 : memref<128x128xf32, #tpu.memory_space<vmem>>) target(%dma_start3A_67 : memref<128x128xf32, #tpu.memory_space<vmem_shared>>) target_semaphore(%run_scoped3A : memref<!tpu.dma_semaphore, #tpu.memory_space<semaphore_mem>>)
      %dma_wait3A = arith.constant 0 : i32
      %dma_wait3A_68 = tpu.memref_slice %arg10[%add3A_19, %dma_wait3A] : memref<10240x128xf32, #tpu.memory_space<vmem_shared>> -> memref<128x128xf32, #tpu.memory_space<vmem_shared>>
      %dma_wait3A_69 = arith.constant 0 : i32
      %dma_wait3A_70 = tpu.memref_slice %arg10[%add3A_19, %dma_wait3A_69] : memref<10240x128xf32, #tpu.memory_space<vmem_shared>> -> memref<128x128xf32, #tpu.memory_space<vmem_shared>>
      tpu.wait_dma2 semaphore(%run_scoped3A : memref<!tpu.dma_semaphore, #tpu.memory_space<semaphore_mem>>) src(%arg8 : memref<128x128xf32, #tpu.memory_space<vmem>>) dst(%dma_wait3A_70 : memref<128x128xf32, #tpu.memory_space<vmem_shared>>)
      tpu.yield
    }) : () -> ()
    %mul3A_20 = arith.constant 640 : i32
    %mul3A_21 = arith.muli %arg1, %mul3A_20 : i32
    %add3A_22 = arith.constant 384 : i32
    %add3A_23 = arith.addi %mul3A_21, %add3A_22 : i32
    "tpu.region"() ({
      %run_scoped3A = tpu.sem_alloc : memref<!tpu.dma_semaphore, #tpu.memory_space<semaphore_mem>>
      %dma_start3A_64 = arith.constant 0 : i32
      %dma_start3A_65 = tpu.memref_slice %arg10[%add3A_23, %dma_start3A_64] : memref<10240x128xf32, #tpu.memory_space<vmem_shared>> -> memref<128x128xf32, #tpu.memory_space<vmem_shared>>
      %dma_start3A_66 = arith.constant 0 : i32
      %dma_start3A_67 = tpu.memref_slice %arg10[%add3A_23, %dma_start3A_66] : memref<10240x128xf32, #tpu.memory_space<vmem_shared>> -> memref<128x128xf32, #tpu.memory_space<vmem_shared>>
      tpu.enqueue_dma source(%arg8 : memref<128x128xf32, #tpu.memory_space<vmem>>) target(%dma_start3A_67 : memref<128x128xf32, #tpu.memory_space<vmem_shared>>) target_semaphore(%run_scoped3A : memref<!tpu.dma_semaphore, #tpu.memory_space<semaphore_mem>>)
      %dma_wait3A = arith.constant 0 : i32
      %dma_wait3A_68 = tpu.memref_slice %arg10[%add3A_23, %dma_wait3A] : memref<10240x128xf32, #tpu.memory_space<vmem_shared>> -> memref<128x128xf32, #tpu.memory_space<vmem_shared>>
      %dma_wait3A_69 = arith.constant 0 : i32
      %dma_wait3A_70 = tpu.memref_slice %arg10[%add3A_23, %dma_wait3A_69] : memref<10240x128xf32, #tpu.memory_space<vmem_shared>> -> memref<128x128xf32, #tpu.memory_space<vmem_shared>>
      tpu.wait_dma2 semaphore(%run_scoped3A : memref<!tpu.dma_semaphore, #tpu.memory_space<semaphore_mem>>) src(%arg8 : memref<128x128xf32, #tpu.memory_space<vmem>>) dst(%dma_wait3A_70 : memref<128x128xf32, #tpu.memory_space<vmem_shared>>)
      tpu.yield
    }) : () -> ()
    %mul3A_24 = arith.constant 640 : i32
    %mul3A_25 = arith.muli %arg1, %mul3A_24 : i32
    %add3A_26 = arith.constant 512 : i32
    %add3A_27 = arith.addi %mul3A_25, %add3A_26 : i32
    "tpu.region"() ({
      %run_scoped3A = tpu.sem_alloc : memref<!tpu.dma_semaphore, #tpu.memory_space<semaphore_mem>>
      %dma_start3A_64 = arith.constant 0 : i32
      %dma_start3A_65 = tpu.memref_slice %arg10[%add3A_27, %dma_start3A_64] : memref<10240x128xf32, #tpu.memory_space<vmem_shared>> -> memref<128x128xf32, #tpu.memory_space<vmem_shared>>
      %dma_start3A_66 = arith.constant 0 : i32
      %dma_start3A_67 = tpu.memref_slice %arg10[%add3A_27, %dma_start3A_66] : memref<10240x128xf32, #tpu.memory_space<vmem_shared>> -> memref<128x128xf32, #tpu.memory_space<vmem_shared>>
      tpu.enqueue_dma source(%arg8 : memref<128x128xf32, #tpu.memory_space<vmem>>) target(%dma_start3A_67 : memref<128x128xf32, #tpu.memory_space<vmem_shared>>) target_semaphore(%run_scoped3A : memref<!tpu.dma_semaphore, #tpu.memory_space<semaphore_mem>>)
      %dma_wait3A = arith.constant 0 : i32
      %dma_wait3A_68 = tpu.memref_slice %arg10[%add3A_27, %dma_wait3A] : memref<10240x128xf32, #tpu.memory_space<vmem_shared>> -> memref<128x128xf32, #tpu.memory_space<vmem_shared>>
      %dma_wait3A_69 = arith.constant 0 : i32
      %dma_wait3A_70 = tpu.memref_slice %arg10[%add3A_27, %dma_wait3A_69] : memref<10240x128xf32, #tpu.memory_space<vmem_shared>> -> memref<128x128xf32, #tpu.memory_space<vmem_shared>>
      tpu.wait_dma2 semaphore(%run_scoped3A : memref<!tpu.dma_semaphore, #tpu.memory_space<semaphore_mem>>) src(%arg8 : memref<128x128xf32, #tpu.memory_space<vmem>>) dst(%dma_wait3A_70 : memref<128x128xf32, #tpu.memory_space<vmem_shared>>)
      tpu.yield
    }) : () -> ()
    %barrier3A = arith.constant 0 : index
    tpu.barrier barrier_id(%barrier3A)
    %add3A_28 = arith.constant 0 : i32
    %add3A_29 = arith.addi %add3A, %add3A_28 : i32
    "tpu.region"() ({
      %run_scoped3A = tpu.sem_alloc : memref<!tpu.dma_semaphore, #tpu.memory_space<semaphore_mem>>
      %dma_start3A_64 = arith.constant 0 : i32
      %dma_start3A_65 = tpu.memref_slice %arg3[%add3A_29, %dma_start3A_64] : memref<2560x128xi32, #tpu.memory_space<hbm>> -> memref<40x128xi32, #tpu.memory_space<hbm>>
      %dma_start3A_66 = arith.constant 0 : i32
      %dma_start3A_67 = tpu.memref_slice %arg3[%add3A_29, %dma_start3A_66] : memref<2560x128xi32, #tpu.memory_space<hbm>> -> memref<40x128xi32, #tpu.memory_space<hbm>>
      tpu.enqueue_dma source(%dma_start3A_67 : memref<40x128xi32, #tpu.memory_space<hbm>>) target(%arg6 : memref<40x128xi32, #tpu.memory_space<vmem>>) target_semaphore(%run_scoped3A : memref<!tpu.dma_semaphore, #tpu.memory_space<semaphore_mem>>)
      %dma_wait3A = arith.constant 0 : i32
      %dma_wait3A_68 = tpu.memref_slice %arg3[%add3A_29, %dma_wait3A] : memref<2560x128xi32, #tpu.memory_space<hbm>> -> memref<40x128xi32, #tpu.memory_space<hbm>>
      %dma_wait3A_69 = arith.constant 0 : i32
      %dma_wait3A_70 = tpu.memref_slice %arg3[%add3A_29, %dma_wait3A_69] : memref<2560x128xi32, #tpu.memory_space<hbm>> -> memref<40x128xi32, #tpu.memory_space<hbm>>
      tpu.wait_dma2 semaphore(%run_scoped3A : memref<!tpu.dma_semaphore, #tpu.memory_space<semaphore_mem>>) src(%dma_wait3A_70 : memref<40x128xi32, #tpu.memory_space<hbm>>) dst(%arg6 : memref<40x128xi32, #tpu.memory_space<vmem>>)
      tpu.yield
    }) : () -> ()
    %add3A_30 = arith.constant 0 : i32
    %add3A_31 = arith.addi %add3A, %add3A_30 : i32
    "tpu.region"() ({
      %run_scoped3A = tpu.sem_alloc : memref<!tpu.dma_semaphore, #tpu.memory_space<semaphore_mem>>
      %dma_start3A_64 = arith.constant 0 : i32
      %dma_start3A_65 = tpu.memref_slice %arg4[%add3A_31, %dma_start3A_64] : memref<2560x128xi32, #tpu.memory_space<hbm>> -> memref<40x128xi32, #tpu.memory_space<hbm>>
      %dma_start3A_66 = arith.constant 0 : i32
      %dma_start3A_67 = tpu.memref_slice %arg4[%add3A_31, %dma_start3A_66] : memref<2560x128xi32, #tpu.memory_space<hbm>> -> memref<40x128xi32, #tpu.memory_space<hbm>>
      tpu.enqueue_dma source(%dma_start3A_67 : memref<40x128xi32, #tpu.memory_space<hbm>>) target(%arg7 : memref<40x128xi32, #tpu.memory_space<vmem>>) target_semaphore(%run_scoped3A : memref<!tpu.dma_semaphore, #tpu.memory_space<semaphore_mem>>)
      %dma_wait3A = arith.constant 0 : i32
      %dma_wait3A_68 = tpu.memref_slice %arg4[%add3A_31, %dma_wait3A] : memref<2560x128xi32, #tpu.memory_space<hbm>> -> memref<40x128xi32, #tpu.memory_space<hbm>>
      %dma_wait3A_69 = arith.constant 0 : i32
      %dma_wait3A_70 = tpu.memref_slice %arg4[%add3A_31, %dma_wait3A_69] : memref<2560x128xi32, #tpu.memory_space<hbm>> -> memref<40x128xi32, #tpu.memory_space<hbm>>
      tpu.wait_dma2 semaphore(%run_scoped3A : memref<!tpu.dma_semaphore, #tpu.memory_space<semaphore_mem>>) src(%dma_wait3A_70 : memref<40x128xi32, #tpu.memory_space<hbm>>) dst(%arg7 : memref<40x128xi32, #tpu.memory_space<vmem>>)
      tpu.yield
    }) : () -> ()
    %dma_start3A = arith.constant 0 : i32
    %dma_start3A_32 = arith.constant 0 : i32
    %dma_start3A_33 = tpu.memref_slice %arg6[%dma_start3A, %dma_start3A_32] : memref<40x128xi32, #tpu.memory_space<vmem>> -> memref<1x128xi32, #tpu.memory_space<vmem>>
    %dma_start3A_34 = tpu.memref_squeeze %dma_start3A_33 : memref<1x128xi32, #tpu.memory_space<vmem>> -> memref<128xi32, #tpu.memory_space<vmem>>
    %dma_start3A_35 = arith.constant 0 : i32
    %dma_start3A_36 = arith.constant 0 : i32
    %dma_start3A_37 = tpu.memref_slice %arg2[%dma_start3A_35, %dma_start3A_36] : memref<10000x128xf32, #tpu.memory_space<hbm>> -> memref<10000x128xf32, #tpu.memory_space<hbm>>
    tpu.enqueue_indirect_dma source(%dma_start3A_37 : memref<10000x128xf32, #tpu.memory_space<hbm>>) target(%arg8 : memref<128x128xf32, #tpu.memory_space<vmem>>) offsets(%dma_start3A_34 : memref<128xi32, #tpu.memory_space<vmem>>) semaphore(%arg11 : memref<!tpu.dma_semaphore, #tpu.memory_space<semaphore_mem>>)
    %scan3A_38 = arith.constant 0 : i32
    %scan3A_39 = arith.constant 20 : i32
    %scan3A_40 = arith.addi %scan3A_38, %scan3A_39 : i32
    %scan3A_41 = arith.constant 1 : i32
    scf.for %scan3A_64 = %scan3A_38 to %scan3A_40 step %scan3A_41  : i32 {
      %mul3A_65 = arith.constant 2 : i32
      %mul3A_66 = arith.muli %scan3A_64, %mul3A_65 : i32
      %add3A_67 = arith.constant 0 : i32
      %add3A_68 = arith.addi %add3A_67, %mul3A_66 : i32
      %add3A_69 = arith.constant 1 : i32
      %add3A_70 = arith.addi %add3A_68, %add3A_69 : i32
      %dma_start3A_71 = arith.constant 0 : i32
      %dma_start3A_72 = tpu.memref_slice %arg6[%add3A_70, %dma_start3A_71] : memref<40x128xi32, #tpu.memory_space<vmem>> -> memref<1x128xi32, #tpu.memory_space<vmem>>
      %dma_start3A_73 = tpu.memref_squeeze %dma_start3A_72 : memref<1x128xi32, #tpu.memory_space<vmem>> -> memref<128xi32, #tpu.memory_space<vmem>>
      %dma_start3A_74 = arith.constant 0 : i32
      %dma_start3A_75 = arith.constant 0 : i32
      %dma_start3A_76 = tpu.memref_slice %arg2[%dma_start3A_74, %dma_start3A_75] : memref<10000x128xf32, #tpu.memory_space<hbm>> -> memref<10000x128xf32, #tpu.memory_space<hbm>>
      tpu.enqueue_indirect_dma source(%dma_start3A_76 : memref<10000x128xf32, #tpu.memory_space<hbm>>) target(%arg9 : memref<128x128xf32, #tpu.memory_space<vmem>>) offsets(%dma_start3A_73 : memref<128xi32, #tpu.memory_space<vmem>>) semaphore(%arg12 : memref<!tpu.dma_semaphore, #tpu.memory_space<semaphore_mem>>)
      %dma_wait3A = arith.constant 0 : i32
      %dma_wait3A_77 = tpu.memref_slice %arg6[%add3A_68, %dma_wait3A] : memref<40x128xi32, #tpu.memory_space<vmem>> -> memref<1x128xi32, #tpu.memory_space<vmem>>
      %dma_wait3A_78 = tpu.memref_squeeze %dma_wait3A_77 : memref<1x128xi32, #tpu.memory_space<vmem>> -> memref<128xi32, #tpu.memory_space<vmem>>
      %dma_wait3A_79 = arith.constant 0 : i32
      %dma_wait3A_80 = arith.constant 0 : i32
      %dma_wait3A_81 = tpu.memref_slice %arg2[%dma_wait3A_79, %dma_wait3A_80] : memref<10000x128xf32, #tpu.memory_space<hbm>> -> memref<10000x128xf32, #tpu.memory_space<hbm>>
      tpu.wait_indirect_dma semaphore(%arg11 : memref<!tpu.dma_semaphore, #tpu.memory_space<semaphore_mem>>) src(%dma_wait3A_81 : memref<10000x128xf32, #tpu.memory_space<hbm>>) dst(%arg8 : memref<128x128xf32, #tpu.memory_space<vmem>>)
      "tpu.region"() ({
        %run_scoped3A = tpu.sem_alloc : memref<!tpu.dma_semaphore, #tpu.memory_space<semaphore_mem>>
        %dma_start3A_96 = arith.constant 0 : i32
        %dma_start3A_97 = tpu.memref_slice %arg7[%add3A_68, %dma_start3A_96] : memref<40x128xi32, #tpu.memory_space<vmem>> -> memref<1x128xi32, #tpu.memory_space<vmem>>
        %dma_start3A_98 = tpu.memref_squeeze %dma_start3A_97 : memref<1x128xi32, #tpu.memory_space<vmem>> -> memref<128xi32, #tpu.memory_space<vmem>>
        %dma_start3A_99 = arith.constant 0 : i32
        %dma_start3A_100 = arith.constant 0 : i32
        %dma_start3A_101 = tpu.memref_slice %arg10[%dma_start3A_99, %dma_start3A_100] : memref<10240x128xf32, #tpu.memory_space<vmem_shared>> -> memref<10240x128xf32, #tpu.memory_space<vmem_shared>>
        tpu.enqueue_indirect_dma source(%arg8 : memref<128x128xf32, #tpu.memory_space<vmem>>) target(%dma_start3A_101 : memref<10240x128xf32, #tpu.memory_space<vmem_shared>>) offsets(%dma_start3A_98 : memref<128xi32, #tpu.memory_space<vmem>>) semaphore(%run_scoped3A : memref<!tpu.dma_semaphore, #tpu.memory_space<semaphore_mem>>) {add = true}
        %dma_wait3A_102 = arith.constant 0 : i32
        %dma_wait3A_103 = tpu.memref_slice %arg7[%add3A_68, %dma_wait3A_102] : memref<40x128xi32, #tpu.memory_space<vmem>> -> memref<1x128xi32, #tpu.memory_space<vmem>>
        %dma_wait3A_104 = tpu.memref_squeeze %dma_wait3A_103 : memref<1x128xi32, #tpu.memory_space<vmem>> -> memref<128xi32, #tpu.memory_space<vmem>>
        %dma_wait3A_105 = arith.constant 0 : i32
        %dma_wait3A_106 = arith.constant 0 : i32
        %dma_wait3A_107 = tpu.memref_slice %arg10[%dma_wait3A_105, %dma_wait3A_106] : memref<10240x128xf32, #tpu.memory_space<vmem_shared>> -> memref<10240x128xf32, #tpu.memory_space<vmem_shared>>
        tpu.wait_indirect_dma semaphore(%run_scoped3A : memref<!tpu.dma_semaphore, #tpu.memory_space<semaphore_mem>>) src(%arg8 : memref<128x128xf32, #tpu.memory_space<vmem>>) dst(%dma_wait3A_107 : memref<10240x128xf32, #tpu.memory_space<vmem_shared>>)
        tpu.yield
      }) : () -> ()
      %add3A_82 = arith.constant 2 : i32
      %add3A_83 = arith.addi %add3A_68, %add3A_82 : i32
      %lt3A = arith.constant 40 : i32
      %lt3A_84 = arith.cmpi slt, %add3A_83, %lt3A : i32
      %convert_element_type3A = arith.extui %lt3A_84 : i1 to i32
      %cond3A = arith.constant 0 : i32
      %cond3A_85 = arith.cmpi ne, %convert_element_type3A, %cond3A : i32
      scf.if %cond3A_85 {
        %add3A_96 = arith.constant 2 : i32
        %add3A_97 = arith.addi %add3A_68, %add3A_96 : i32
        %dma_start3A_98 = arith.constant 0 : i32
        %dma_start3A_99 = tpu.memref_slice %arg6[%add3A_97, %dma_start3A_98] : memref<40x128xi32, #tpu.memory_space<vmem>> -> memref<1x128xi32, #tpu.memory_space<vmem>>
        %dma_start3A_100 = tpu.memref_squeeze %dma_start3A_99 : memref<1x128xi32, #tpu.memory_space<vmem>> -> memref<128xi32, #tpu.memory_space<vmem>>
        %dma_start3A_101 = arith.constant 0 : i32
        %dma_start3A_102 = arith.constant 0 : i32
        %dma_start3A_103 = tpu.memref_slice %arg2[%dma_start3A_101, %dma_start3A_102] : memref<10000x128xf32, #tpu.memory_space<hbm>> -> memref<10000x128xf32, #tpu.memory_space<hbm>>
        tpu.enqueue_indirect_dma source(%dma_start3A_103 : memref<10000x128xf32, #tpu.memory_space<hbm>>) target(%arg8 : memref<128x128xf32, #tpu.memory_space<vmem>>) offsets(%dma_start3A_100 : memref<128xi32, #tpu.memory_space<vmem>>) semaphore(%arg11 : memref<!tpu.dma_semaphore, #tpu.memory_space<semaphore_mem>>)
      } else {
      }
      %add3A_86 = arith.constant 1 : i32
      %add3A_87 = arith.addi %add3A_68, %add3A_86 : i32
      %dma_wait3A_88 = arith.constant 0 : i32
      %dma_wait3A_89 = tpu.memref_slice %arg6[%add3A_87, %dma_wait3A_88] : memref<40x128xi32, #tpu.memory_space<vmem>> -> memref<1x128xi32, #tpu.memory_space<vmem>>
      %dma_wait3A_90 = tpu.memref_squeeze %dma_wait3A_89 : memref<1x128xi32, #tpu.memory_space<vmem>> -> memref<128xi32, #tpu.memory_space<vmem>>
      %dma_wait3A_91 = arith.constant 0 : i32
      %dma_wait3A_92 = arith.constant 0 : i32
      %dma_wait3A_93 = tpu.memref_slice %arg2[%dma_wait3A_91, %dma_wait3A_92] : memref<10000x128xf32, #tpu.memory_space<hbm>> -> memref<10000x128xf32, #tpu.memory_space<hbm>>
      tpu.wait_indirect_dma semaphore(%arg12 : memref<!tpu.dma_semaphore, #tpu.memory_space<semaphore_mem>>) src(%dma_wait3A_93 : memref<10000x128xf32, #tpu.memory_space<hbm>>) dst(%arg9 : memref<128x128xf32, #tpu.memory_space<vmem>>)
      %add3A_94 = arith.constant 1 : i32
      %add3A_95 = arith.addi %add3A_68, %add3A_94 : i32
      "tpu.region"() ({
        %run_scoped3A = tpu.sem_alloc : memref<!tpu.dma_semaphore, #tpu.memory_space<semaphore_mem>>
        %dma_start3A_96 = arith.constant 0 : i32
        %dma_start3A_97 = tpu.memref_slice %arg7[%add3A_95, %dma_start3A_96] : memref<40x128xi32, #tpu.memory_space<vmem>> -> memref<1x128xi32, #tpu.memory_space<vmem>>
        %dma_start3A_98 = tpu.memref_squeeze %dma_start3A_97 : memref<1x128xi32, #tpu.memory_space<vmem>> -> memref<128xi32, #tpu.memory_space<vmem>>
        %dma_start3A_99 = arith.constant 0 : i32
        %dma_start3A_100 = arith.constant 0 : i32
        %dma_start3A_101 = tpu.memref_slice %arg10[%dma_start3A_99, %dma_start3A_100] : memref<10240x128xf32, #tpu.memory_space<vmem_shared>> -> memref<10240x128xf32, #tpu.memory_space<vmem_shared>>
        tpu.enqueue_indirect_dma source(%arg9 : memref<128x128xf32, #tpu.memory_space<vmem>>) target(%dma_start3A_101 : memref<10240x128xf32, #tpu.memory_space<vmem_shared>>) offsets(%dma_start3A_98 : memref<128xi32, #tpu.memory_space<vmem>>) semaphore(%run_scoped3A : memref<!tpu.dma_semaphore, #tpu.memory_space<semaphore_mem>>) {add = true}
        %dma_wait3A_102 = arith.constant 0 : i32
        %dma_wait3A_103 = tpu.memref_slice %arg7[%add3A_95, %dma_wait3A_102] : memref<40x128xi32, #tpu.memory_space<vmem>> -> memref<1x128xi32, #tpu.memory_space<vmem>>
        %dma_wait3A_104 = tpu.memref_squeeze %dma_wait3A_103 : memref<1x128xi32, #tpu.memory_space<vmem>> -> memref<128xi32, #tpu.memory_space<vmem>>
        %dma_wait3A_105 = arith.constant 0 : i32
        %dma_wait3A_106 = arith.constant 0 : i32
        %dma_wait3A_107 = tpu.memref_slice %arg10[%dma_wait3A_105, %dma_wait3A_106] : memref<10240x128xf32, #tpu.memory_space<vmem_shared>> -> memref<10240x128xf32, #tpu.memory_space<vmem_shared>>
        tpu.wait_indirect_dma semaphore(%run_scoped3A : memref<!tpu.dma_semaphore, #tpu.memory_space<semaphore_mem>>) src(%arg9 : memref<128x128xf32, #tpu.memory_space<vmem>>) dst(%dma_wait3A_107 : memref<10240x128xf32, #tpu.memory_space<vmem_shared>>)
        tpu.yield
      }) : () -> ()
    }
    %scan3A_42 = arith.constant 20 : i32
    %add3A_43 = arith.constant 40 : i32
    %add3A_44 = arith.addi %add3A, %add3A_43 : i32
    "tpu.region"() ({
      %run_scoped3A = tpu.sem_alloc : memref<!tpu.dma_semaphore, #tpu.memory_space<semaphore_mem>>
      %dma_start3A_64 = arith.constant 0 : i32
      %dma_start3A_65 = tpu.memref_slice %arg3[%add3A_44, %dma_start3A_64] : memref<2560x128xi32, #tpu.memory_space<hbm>> -> memref<40x128xi32, #tpu.memory_space<hbm>>
      %dma_start3A_66 = arith.constant 0 : i32
      %dma_start3A_67 = tpu.memref_slice %arg3[%add3A_44, %dma_start3A_66] : memref<2560x128xi32, #tpu.memory_space<hbm>> -> memref<40x128xi32, #tpu.memory_space<hbm>>
      tpu.enqueue_dma source(%dma_start3A_67 : memref<40x128xi32, #tpu.memory_space<hbm>>) target(%arg6 : memref<40x128xi32, #tpu.memory_space<vmem>>) target_semaphore(%run_scoped3A : memref<!tpu.dma_semaphore, #tpu.memory_space<semaphore_mem>>)
      %dma_wait3A = arith.constant 0 : i32
      %dma_wait3A_68 = tpu.memref_slice %arg3[%add3A_44, %dma_wait3A] : memref<2560x128xi32, #tpu.memory_space<hbm>> -> memref<40x128xi32, #tpu.memory_space<hbm>>
      %dma_wait3A_69 = arith.constant 0 : i32
      %dma_wait3A_70 = tpu.memref_slice %arg3[%add3A_44, %dma_wait3A_69] : memref<2560x128xi32, #tpu.memory_space<hbm>> -> memref<40x128xi32, #tpu.memory_space<hbm>>
      tpu.wait_dma2 semaphore(%run_scoped3A : memref<!tpu.dma_semaphore, #tpu.memory_space<semaphore_mem>>) src(%dma_wait3A_70 : memref<40x128xi32, #tpu.memory_space<hbm>>) dst(%arg6 : memref<40x128xi32, #tpu.memory_space<vmem>>)
      tpu.yield
    }) : () -> ()
    %add3A_45 = arith.constant 40 : i32
    %add3A_46 = arith.addi %add3A, %add3A_45 : i32
    "tpu.region"() ({
      %run_scoped3A = tpu.sem_alloc : memref<!tpu.dma_semaphore, #tpu.memory_space<semaphore_mem>>
      %dma_start3A_64 = arith.constant 0 : i32
      %dma_start3A_65 = tpu.memref_slice %arg4[%add3A_46, %dma_start3A_64] : memref<2560x128xi32, #tpu.memory_space<hbm>> -> memref<40x128xi32, #tpu.memory_space<hbm>>
      %dma_start3A_66 = arith.constant 0 : i32
      %dma_start3A_67 = tpu.memref_slice %arg4[%add3A_46, %dma_start3A_66] : memref<2560x128xi32, #tpu.memory_space<hbm>> -> memref<40x128xi32, #tpu.memory_space<hbm>>
      tpu.enqueue_dma source(%dma_start3A_67 : memref<40x128xi32, #tpu.memory_space<hbm>>) target(%arg7 : memref<40x128xi32, #tpu.memory_space<vmem>>) target_semaphore(%run_scoped3A : memref<!tpu.dma_semaphore, #tpu.memory_space<semaphore_mem>>)
      %dma_wait3A = arith.constant 0 : i32
      %dma_wait3A_68 = tpu.memref_slice %arg4[%add3A_46, %dma_wait3A] : memref<2560x128xi32, #tpu.memory_space<hbm>> -> memref<40x128xi32, #tpu.memory_space<hbm>>
      %dma_wait3A_69 = arith.constant 0 : i32
      %dma_wait3A_70 = tpu.memref_slice %arg4[%add3A_46, %dma_wait3A_69] : memref<2560x128xi32, #tpu.memory_space<hbm>> -> memref<40x128xi32, #tpu.memory_space<hbm>>
      tpu.wait_dma2 semaphore(%run_scoped3A : memref<!tpu.dma_semaphore, #tpu.memory_space<semaphore_mem>>) src(%dma_wait3A_70 : memref<40x128xi32, #tpu.memory_space<hbm>>) dst(%arg7 : memref<40x128xi32, #tpu.memory_space<vmem>>)
      tpu.yield
    }) : () -> ()
    %dma_start3A_47 = arith.constant 0 : i32
    %dma_start3A_48 = arith.constant 0 : i32
    %dma_start3A_49 = tpu.memref_slice %arg6[%dma_start3A_47, %dma_start3A_48] : memref<40x128xi32, #tpu.memory_space<vmem>> -> memref<1x128xi32, #tpu.memory_space<vmem>>
    %dma_start3A_50 = tpu.memref_squeeze %dma_start3A_49 : memref<1x128xi32, #tpu.memory_space<vmem>> -> memref<128xi32, #tpu.memory_space<vmem>>
    %dma_start3A_51 = arith.constant 0 : i32
    %dma_start3A_52 = arith.constant 0 : i32
    %dma_start3A_53 = tpu.memref_slice %arg2[%dma_start3A_51, %dma_start3A_52] : memref<10000x128xf32, #tpu.memory_space<hbm>> -> memref<10000x128xf32, #tpu.memory_space<hbm>>
    tpu.enqueue_indirect_dma source(%dma_start3A_53 : memref<10000x128xf32, #tpu.memory_space<hbm>>) target(%arg8 : memref<128x128xf32, #tpu.memory_space<vmem>>) offsets(%dma_start3A_50 : memref<128xi32, #tpu.memory_space<vmem>>) semaphore(%arg11 : memref<!tpu.dma_semaphore, #tpu.memory_space<semaphore_mem>>)
    %scan3A_54 = arith.constant 0 : i32
    %scan3A_55 = arith.constant 20 : i32
    %scan3A_56 = arith.addi %scan3A_54, %scan3A_55 : i32
    %scan3A_57 = arith.constant 1 : i32
    scf.for %scan3A_64 = %scan3A_54 to %scan3A_56 step %scan3A_57  : i32 {
      %mul3A_65 = arith.constant 2 : i32
      %mul3A_66 = arith.muli %scan3A_64, %mul3A_65 : i32
      %add3A_67 = arith.constant 0 : i32
      %add3A_68 = arith.addi %add3A_67, %mul3A_66 : i32
      %add3A_69 = arith.constant 1 : i32
      %add3A_70 = arith.addi %add3A_68, %add3A_69 : i32
      %dma_start3A_71 = arith.constant 0 : i32
      %dma_start3A_72 = tpu.memref_slice %arg6[%add3A_70, %dma_start3A_71] : memref<40x128xi32, #tpu.memory_space<vmem>> -> memref<1x128xi32, #tpu.memory_space<vmem>>
      %dma_start3A_73 = tpu.memref_squeeze %dma_start3A_72 : memref<1x128xi32, #tpu.memory_space<vmem>> -> memref<128xi32, #tpu.memory_space<vmem>>
      %dma_start3A_74 = arith.constant 0 : i32
      %dma_start3A_75 = arith.constant 0 : i32
      %dma_start3A_76 = tpu.memref_slice %arg2[%dma_start3A_74, %dma_start3A_75] : memref<10000x128xf32, #tpu.memory_space<hbm>> -> memref<10000x128xf32, #tpu.memory_space<hbm>>
      tpu.enqueue_indirect_dma source(%dma_start3A_76 : memref<10000x128xf32, #tpu.memory_space<hbm>>) target(%arg9 : memref<128x128xf32, #tpu.memory_space<vmem>>) offsets(%dma_start3A_73 : memref<128xi32, #tpu.memory_space<vmem>>) semaphore(%arg12 : memref<!tpu.dma_semaphore, #tpu.memory_space<semaphore_mem>>)
      %dma_wait3A = arith.constant 0 : i32
      %dma_wait3A_77 = tpu.memref_slice %arg6[%add3A_68, %dma_wait3A] : memref<40x128xi32, #tpu.memory_space<vmem>> -> memref<1x128xi32, #tpu.memory_space<vmem>>
      %dma_wait3A_78 = tpu.memref_squeeze %dma_wait3A_77 : memref<1x128xi32, #tpu.memory_space<vmem>> -> memref<128xi32, #tpu.memory_space<vmem>>
      %dma_wait3A_79 = arith.constant 0 : i32
      %dma_wait3A_80 = arith.constant 0 : i32
      %dma_wait3A_81 = tpu.memref_slice %arg2[%dma_wait3A_79, %dma_wait3A_80] : memref<10000x128xf32, #tpu.memory_space<hbm>> -> memref<10000x128xf32, #tpu.memory_space<hbm>>
      tpu.wait_indirect_dma semaphore(%arg11 : memref<!tpu.dma_semaphore, #tpu.memory_space<semaphore_mem>>) src(%dma_wait3A_81 : memref<10000x128xf32, #tpu.memory_space<hbm>>) dst(%arg8 : memref<128x128xf32, #tpu.memory_space<vmem>>)
      "tpu.region"() ({
        %run_scoped3A = tpu.sem_alloc : memref<!tpu.dma_semaphore, #tpu.memory_space<semaphore_mem>>
        %dma_start3A_96 = arith.constant 0 : i32
        %dma_start3A_97 = tpu.memref_slice %arg7[%add3A_68, %dma_start3A_96] : memref<40x128xi32, #tpu.memory_space<vmem>> -> memref<1x128xi32, #tpu.memory_space<vmem>>
        %dma_start3A_98 = tpu.memref_squeeze %dma_start3A_97 : memref<1x128xi32, #tpu.memory_space<vmem>> -> memref<128xi32, #tpu.memory_space<vmem>>
        %dma_start3A_99 = arith.constant 0 : i32
        %dma_start3A_100 = arith.constant 0 : i32
        %dma_start3A_101 = tpu.memref_slice %arg10[%dma_start3A_99, %dma_start3A_100] : memref<10240x128xf32, #tpu.memory_space<vmem_shared>> -> memref<10240x128xf32, #tpu.memory_space<vmem_shared>>
        tpu.enqueue_indirect_dma source(%arg8 : memref<128x128xf32, #tpu.memory_space<vmem>>) target(%dma_start3A_101 : memref<10240x128xf32, #tpu.memory_space<vmem_shared>>) offsets(%dma_start3A_98 : memref<128xi32, #tpu.memory_space<vmem>>) semaphore(%run_scoped3A : memref<!tpu.dma_semaphore, #tpu.memory_space<semaphore_mem>>) {add = true}
        %dma_wait3A_102 = arith.constant 0 : i32
        %dma_wait3A_103 = tpu.memref_slice %arg7[%add3A_68, %dma_wait3A_102] : memref<40x128xi32, #tpu.memory_space<vmem>> -> memref<1x128xi32, #tpu.memory_space<vmem>>
        %dma_wait3A_104 = tpu.memref_squeeze %dma_wait3A_103 : memref<1x128xi32, #tpu.memory_space<vmem>> -> memref<128xi32, #tpu.memory_space<vmem>>
        %dma_wait3A_105 = arith.constant 0 : i32
        %dma_wait3A_106 = arith.constant 0 : i32
        %dma_wait3A_107 = tpu.memref_slice %arg10[%dma_wait3A_105, %dma_wait3A_106] : memref<10240x128xf32, #tpu.memory_space<vmem_shared>> -> memref<10240x128xf32, #tpu.memory_space<vmem_shared>>
        tpu.wait_indirect_dma semaphore(%run_scoped3A : memref<!tpu.dma_semaphore, #tpu.memory_space<semaphore_mem>>) src(%arg8 : memref<128x128xf32, #tpu.memory_space<vmem>>) dst(%dma_wait3A_107 : memref<10240x128xf32, #tpu.memory_space<vmem_shared>>)
        tpu.yield
      }) : () -> ()
      %add3A_82 = arith.constant 2 : i32
      %add3A_83 = arith.addi %add3A_68, %add3A_82 : i32
      %lt3A = arith.constant 40 : i32
      %lt3A_84 = arith.cmpi slt, %add3A_83, %lt3A : i32
      %convert_element_type3A = arith.extui %lt3A_84 : i1 to i32
      %cond3A = arith.constant 0 : i32
      %cond3A_85 = arith.cmpi ne, %convert_element_type3A, %cond3A : i32
      scf.if %cond3A_85 {
        %add3A_96 = arith.constant 2 : i32
        %add3A_97 = arith.addi %add3A_68, %add3A_96 : i32
        %dma_start3A_98 = arith.constant 0 : i32
        %dma_start3A_99 = tpu.memref_slice %arg6[%add3A_97, %dma_start3A_98] : memref<40x128xi32, #tpu.memory_space<vmem>> -> memref<1x128xi32, #tpu.memory_space<vmem>>
        %dma_start3A_100 = tpu.memref_squeeze %dma_start3A_99 : memref<1x128xi32, #tpu.memory_space<vmem>> -> memref<128xi32, #tpu.memory_space<vmem>>
        %dma_start3A_101 = arith.constant 0 : i32
        %dma_start3A_102 = arith.constant 0 : i32
        %dma_start3A_103 = tpu.memref_slice %arg2[%dma_start3A_101, %dma_start3A_102] : memref<10000x128xf32, #tpu.memory_space<hbm>> -> memref<10000x128xf32, #tpu.memory_space<hbm>>
        tpu.enqueue_indirect_dma source(%dma_start3A_103 : memref<10000x128xf32, #tpu.memory_space<hbm>>) target(%arg8 : memref<128x128xf32, #tpu.memory_space<vmem>>) offsets(%dma_start3A_100 : memref<128xi32, #tpu.memory_space<vmem>>) semaphore(%arg11 : memref<!tpu.dma_semaphore, #tpu.memory_space<semaphore_mem>>)
      } else {
      }
      %add3A_86 = arith.constant 1 : i32
      %add3A_87 = arith.addi %add3A_68, %add3A_86 : i32
      %dma_wait3A_88 = arith.constant 0 : i32
      %dma_wait3A_89 = tpu.memref_slice %arg6[%add3A_87, %dma_wait3A_88] : memref<40x128xi32, #tpu.memory_space<vmem>> -> memref<1x128xi32, #tpu.memory_space<vmem>>
      %dma_wait3A_90 = tpu.memref_squeeze %dma_wait3A_89 : memref<1x128xi32, #tpu.memory_space<vmem>> -> memref<128xi32, #tpu.memory_space<vmem>>
      %dma_wait3A_91 = arith.constant 0 : i32
      %dma_wait3A_92 = arith.constant 0 : i32
      %dma_wait3A_93 = tpu.memref_slice %arg2[%dma_wait3A_91, %dma_wait3A_92] : memref<10000x128xf32, #tpu.memory_space<hbm>> -> memref<10000x128xf32, #tpu.memory_space<hbm>>
      tpu.wait_indirect_dma semaphore(%arg12 : memref<!tpu.dma_semaphore, #tpu.memory_space<semaphore_mem>>) src(%dma_wait3A_93 : memref<10000x128xf32, #tpu.memory_space<hbm>>) dst(%arg9 : memref<128x128xf32, #tpu.memory_space<vmem>>)
      %add3A_94 = arith.constant 1 : i32
      %add3A_95 = arith.addi %add3A_68, %add3A_94 : i32
      "tpu.region"() ({
        %run_scoped3A = tpu.sem_alloc : memref<!tpu.dma_semaphore, #tpu.memory_space<semaphore_mem>>
        %dma_start3A_96 = arith.constant 0 : i32
        %dma_start3A_97 = tpu.memref_slice %arg7[%add3A_95, %dma_start3A_96] : memref<40x128xi32, #tpu.memory_space<vmem>> -> memref<1x128xi32, #tpu.memory_space<vmem>>
        %dma_start3A_98 = tpu.memref_squeeze %dma_start3A_97 : memref<1x128xi32, #tpu.memory_space<vmem>> -> memref<128xi32, #tpu.memory_space<vmem>>
        %dma_start3A_99 = arith.constant 0 : i32
        %dma_start3A_100 = arith.constant 0 : i32
        %dma_start3A_101 = tpu.memref_slice %arg10[%dma_start3A_99, %dma_start3A_100] : memref<10240x128xf32, #tpu.memory_space<vmem_shared>> -> memref<10240x128xf32, #tpu.memory_space<vmem_shared>>
        tpu.enqueue_indirect_dma source(%arg9 : memref<128x128xf32, #tpu.memory_space<vmem>>) target(%dma_start3A_101 : memref<10240x128xf32, #tpu.memory_space<vmem_shared>>) offsets(%dma_start3A_98 : memref<128xi32, #tpu.memory_space<vmem>>) semaphore(%run_scoped3A : memref<!tpu.dma_semaphore, #tpu.memory_space<semaphore_mem>>) {add = true}
        %dma_wait3A_102 = arith.constant 0 : i32
        %dma_wait3A_103 = tpu.memref_slice %arg7[%add3A_95, %dma_wait3A_102] : memref<40x128xi32, #tpu.memory_space<vmem>> -> memref<1x128xi32, #tpu.memory_space<vmem>>
        %dma_wait3A_104 = tpu.memref_squeeze %dma_wait3A_103 : memref<1x128xi32, #tpu.memory_space<vmem>> -> memref<128xi32, #tpu.memory_space<vmem>>
        %dma_wait3A_105 = arith.constant 0 : i32
        %dma_wait3A_106 = arith.constant 0 : i32
        %dma_wait3A_107 = tpu.memref_slice %arg10[%dma_wait3A_105, %dma_wait3A_106] : memref<10240x128xf32, #tpu.memory_space<vmem_shared>> -> memref<10240x128xf32, #tpu.memory_space<vmem_shared>>
        tpu.wait_indirect_dma semaphore(%run_scoped3A : memref<!tpu.dma_semaphore, #tpu.memory_space<semaphore_mem>>) src(%arg9 : memref<128x128xf32, #tpu.memory_space<vmem>>) dst(%dma_wait3A_107 : memref<10240x128xf32, #tpu.memory_space<vmem_shared>>)
        tpu.yield
      }) : () -> ()
    }
    %scan3A_58 = arith.constant 20 : i32
    %barrier3A_59 = arith.constant 0 : index
    tpu.barrier barrier_id(%barrier3A_59)
    %mul3A_60 = arith.constant 640 : i32
    %mul3A_61 = arith.muli %arg1, %mul3A_60 : i32
    %mul3A_62 = arith.constant 640 : i32
    %mul3A_63 = arith.muli %arg1, %mul3A_62 : i32
    "tpu.region"() ({
      %run_scoped3A = tpu.sem_alloc : memref<!tpu.dma_semaphore, #tpu.memory_space<semaphore_mem>>
      %dma_start3A_64 = arith.constant 0 : i32
      %dma_start3A_65 = tpu.memref_slice %arg5[%arg0, %mul3A_63, %dma_start3A_64] : memref<2x10240x128xf32, #tpu.memory_space<hbm>> -> memref<1x640x128xf32, #tpu.memory_space<hbm>>
      %dma_start3A_66 = tpu.memref_squeeze %dma_start3A_65 : memref<1x640x128xf32, #tpu.memory_space<hbm>> -> memref<640x128xf32, #tpu.memory_space<hbm>>
      %dma_start3A_67 = arith.constant 0 : i32
      %dma_start3A_68 = tpu.memref_slice %arg10[%mul3A_61, %dma_start3A_67] : memref<10240x128xf32, #tpu.memory_space<vmem_shared>> -> memref<640x128xf32, #tpu.memory_space<vmem_shared>>
      tpu.enqueue_dma source(%dma_start3A_68 : memref<640x128xf32, #tpu.memory_space<vmem_shared>>) target(%dma_start3A_66 : memref<640x128xf32, #tpu.memory_space<hbm>>) target_semaphore(%run_scoped3A : memref<!tpu.dma_semaphore, #tpu.memory_space<semaphore_mem>>)
      %dma_wait3A = arith.constant 0 : i32
      %dma_wait3A_69 = tpu.memref_slice %arg5[%arg0, %mul3A_63, %dma_wait3A] : memref<2x10240x128xf32, #tpu.memory_space<hbm>> -> memref<1x640x128xf32, #tpu.memory_space<hbm>>
      %dma_wait3A_70 = tpu.memref_squeeze %dma_wait3A_69 : memref<1x640x128xf32, #tpu.memory_space<hbm>> -> memref<640x128xf32, #tpu.memory_space<hbm>>
      %dma_wait3A_71 = arith.constant 0 : i32
      %dma_wait3A_72 = tpu.memref_slice %arg10[%mul3A_61, %dma_wait3A_71] : memref<10240x128xf32, #tpu.memory_space<vmem_shared>> -> memref<640x128xf32, #tpu.memory_space<vmem_shared>>
      tpu.wait_dma2 semaphore(%run_scoped3A : memref<!tpu.dma_semaphore, #tpu.memory_space<semaphore_mem>>) src(%dma_wait3A_72 : memref<640x128xf32, #tpu.memory_space<vmem_shared>>) dst(%dma_wait3A_70 : memref<640x128xf32, #tpu.memory_space<hbm>>)
      tpu.yield
    }) : () -> ()
    return
  }
}

#map = affine_map<(d0, d1) -> (0, 0)>
#map1 = affine_map<(d0, d1) -> (0, 0, 0)>
module attributes {stable_mosaic.version = 14 : i64} {
  func.func @_edge_body(%arg0: i32, %arg1: i32, %arg2: memref<10000x128xf32, #tpu.memory_space<hbm>>, %arg3: memref<2560x128xi32, #tpu.memory_space<hbm>>, %arg4: memref<2560x128xi32, #tpu.memory_space<hbm>>, %arg5: memref<2x10240x128xf32, #tpu.memory_space<hbm>>, %arg6: memref<40x128xi32, #tpu.memory_space<vmem>>, %arg7: memref<40x128xi32, #tpu.memory_space<vmem>>, %arg8: memref<128x128xf32, #tpu.memory_space<vmem>>, %arg9: memref<128x128xf32, #tpu.memory_space<vmem>>, %arg10: memref<10240x128xf32, #tpu.memory_space<vmem_shared>>, %arg11: memref<!tpu.dma_semaphore, #tpu.memory_space<semaphore_mem>>, %arg12: memref<!tpu.dma_semaphore, #tpu.memory_space<semaphore_mem>>) attributes {dimension_semantics = [#tpu.dimension_semantics<core_parallel>, #tpu.dimension_semantics<subcore_parallel>], iteration_bounds = array<i64: 2, 16>, scalar_prefetch = 0 : i64, scratch_operands = 7 : i64, tpu.core_type = #tpu.core_type<sc_vector_subcore>, window_params = [{transform_indices = #map}, {transform_indices = #map}, {transform_indices = #map}, {transform_indices = #map1}]} {
    %mul3A = arith.constant 1280 : i32
    %mul3A_0 = arith.muli %arg0, %mul3A : i32
    %mul3A_1 = arith.constant 80 : i32
    %mul3A_2 = arith.muli %arg1, %mul3A_1 : i32
    %add3A = arith.addi %mul3A_0, %mul3A_2 : i32
    %broadcast_in_dim3A = arith.constant 0.000000e+00 : f32
    %broadcast_in_dim3A_3 = vector.broadcast %broadcast_in_dim3A : f32 to vector<16xf32>
    %scan3A = arith.constant 0 : i32
    %scan3A_4 = arith.constant 128 : i32
    %scan3A_5 = arith.addi %scan3A, %scan3A_4 : i32
    %scan3A_6 = arith.constant 1 : i32
    scf.for %scan3A_64 = %scan3A to %scan3A_5 step %scan3A_6  : i32 {
      %mul3A_65 = arith.constant 1 : i32
      %mul3A_66 = arith.muli %scan3A_64, %mul3A_65 : i32
      %add3A_67 = arith.constant 0 : i32
      %add3A_68 = arith.addi %add3A_67, %mul3A_66 : i32
      %swap3A = arith.index_cast %add3A_68 : i32 to index
      %swap3A_69 = arith.constant 0 : index
      %swap3A_70 = tpu.vector_load %arg8[%swap3A, %swap3A_69] {strides = array<i32>} : memref<128x128xf32, #tpu.memory_space<vmem>>, vector<1x16xf32>,
      %swap3A_71 = vector.shape_cast %swap3A_70 : vector<1x16xf32> to vector<16xf32>
      %swap3A_72 = vector.shape_cast %broadcast_in_dim3A_3 : vector<16xf32> to vector<1x16xf32>
      tpu.vector_store %arg8[%swap3A, %swap3A_69], %swap3A_72 {strides = array<i32>} : memref<128x128xf32, #tpu.memory_space<vmem>>, vector<1x16xf32>,
      %swap3A_73 = arith.index_cast %add3A_68 : i32 to index
      %swap3A_74 = arith.constant 16 : index
      %swap3A_75 = tpu.vector_load %arg8[%swap3A_73, %swap3A_74] {strides = array<i32>} : memref<128x128xf32, #tpu.memory_space<vmem>>, vector<1x16xf32>,
      %swap3A_76 = vector.shape_cast %swap3A_75 : vector<1x16xf32> to vector<16xf32>
      %swap3A_77 = vector.shape_cast %broadcast_in_dim3A_3 : vector<16xf32> to vector<1x16xf32>
      tpu.vector_store %arg8[%swap3A_73, %swap3A_74], %swap3A_77 {strides = array<i32>} : memref<128x128xf32, #tpu.memory_space<vmem>>, vector<1x16xf32>,
      %swap3A_78 = arith.index_cast %add3A_68 : i32 to index
      %swap3A_79 = arith.constant 32 : index
      %swap3A_80 = tpu.vector_load %arg8[%swap3A_78, %swap3A_79] {strides = array<i32>} : memref<128x128xf32, #tpu.memory_space<vmem>>, vector<1x16xf32>,
      %swap3A_81 = vector.shape_cast %swap3A_80 : vector<1x16xf32> to vector<16xf32>
      %swap3A_82 = vector.shape_cast %broadcast_in_dim3A_3 : vector<16xf32> to vector<1x16xf32>
      tpu.vector_store %arg8[%swap3A_78, %swap3A_79], %swap3A_82 {strides = array<i32>} : memref<128x128xf32, #tpu.memory_space<vmem>>, vector<1x16xf32>,
      %swap3A_83 = arith.index_cast %add3A_68 : i32 to index
      %swap3A_84 = arith.constant 48 : index
      %swap3A_85 = tpu.vector_load %arg8[%swap3A_83, %swap3A_84] {strides = array<i32>} : memref<128x128xf32, #tpu.memory_space<vmem>>, vector<1x16xf32>,
      %swap3A_86 = vector.shape_cast %swap3A_85 : vector<1x16xf32> to vector<16xf32>
      %swap3A_87 = vector.shape_cast %broadcast_in_dim3A_3 : vector<16xf32> to vector<1x16xf32>
      tpu.vector_store %arg8[%swap3A_83, %swap3A_84], %swap3A_87 {strides = array<i32>} : memref<128x128xf32, #tpu.memory_space<vmem>>, vector<1x16xf32>,
      %swap3A_88 = arith.index_cast %add3A_68 : i32 to index
      %swap3A_89 = arith.constant 64 : index
      %swap3A_90 = tpu.vector_load %arg8[%swap3A_88, %swap3A_89] {strides = array<i32>} : memref<128x128xf32, #tpu.memory_space<vmem>>, vector<1x16xf32>,
      %swap3A_91 = vector.shape_cast %swap3A_90 : vector<1x16xf32> to vector<16xf32>
      %swap3A_92 = vector.shape_cast %broadcast_in_dim3A_3 : vector<16xf32> to vector<1x16xf32>
      tpu.vector_store %arg8[%swap3A_88, %swap3A_89], %swap3A_92 {strides = array<i32>} : memref<128x128xf32, #tpu.memory_space<vmem>>, vector<1x16xf32>,
      %swap3A_93 = arith.index_cast %add3A_68 : i32 to index
      %swap3A_94 = arith.constant 80 : index
      %swap3A_95 = tpu.vector_load %arg8[%swap3A_93, %swap3A_94] {strides = array<i32>} : memref<128x128xf32, #tpu.memory_space<vmem>>, vector<1x16xf32>,
      %swap3A_96 = vector.shape_cast %swap3A_95 : vector<1x16xf32> to vector<16xf32>
      %swap3A_97 = vector.shape_cast %broadcast_in_dim3A_3 : vector<16xf32> to vector<1x16xf32>
      tpu.vector_store %arg8[%swap3A_93, %swap3A_94], %swap3A_97 {strides = array<i32>} : memref<128x128xf32, #tpu.memory_space<vmem>>, vector<1x16xf32>,
      %swap3A_98 = arith.index_cast %add3A_68 : i32 to index
      %swap3A_99 = arith.constant 96 : index
      %swap3A_100 = tpu.vector_load %arg8[%swap3A_98, %swap3A_99] {strides = array<i32>} : memref<128x128xf32, #tpu.memory_space<vmem>>, vector<1x16xf32>,
      %swap3A_101 = vector.shape_cast %swap3A_100 : vector<1x16xf32> to vector<16xf32>
      %swap3A_102 = vector.shape_cast %broadcast_in_dim3A_3 : vector<16xf32> to vector<1x16xf32>
      tpu.vector_store %arg8[%swap3A_98, %swap3A_99], %swap3A_102 {strides = array<i32>} : memref<128x128xf32, #tpu.memory_space<vmem>>, vector<1x16xf32>,
      %swap3A_103 = arith.index_cast %add3A_68 : i32 to index
      %swap3A_104 = arith.constant 112 : index
      %swap3A_105 = tpu.vector_load %arg8[%swap3A_103, %swap3A_104] {strides = array<i32>} : memref<128x128xf32, #tpu.memory_space<vmem>>, vector<1x16xf32>,
      %swap3A_106 = vector.shape_cast %swap3A_105 : vector<1x16xf32> to vector<16xf32>
      %swap3A_107 = vector.shape_cast %broadcast_in_dim3A_3 : vector<16xf32> to vector<1x16xf32>
      tpu.vector_store %arg8[%swap3A_103, %swap3A_104], %swap3A_107 {strides = array<i32>} : memref<128x128xf32, #tpu.memory_space<vmem>>, vector<1x16xf32>,
    }
    %scan3A_7 = arith.constant 128 : i32
    %mul3A_8 = arith.constant 640 : i32
    %mul3A_9 = arith.muli %arg1, %mul3A_8 : i32
    %add3A_10 = arith.constant 0 : i32
    %add3A_11 = arith.addi %mul3A_9, %add3A_10 : i32
    "tpu.region"() ({
      %run_scoped3A = tpu.sem_alloc : memref<!tpu.dma_semaphore, #tpu.memory_space<semaphore_mem>>
      %dma_start3A_64 = arith.constant 0 : i32
      %dma_start3A_65 = tpu.memref_slice %arg10[%add3A_11, %dma_start3A_64] : memref<10240x128xf32, #tpu.memory_space<vmem_shared>> -> memref<128x128xf32, #tpu.memory_space<vmem_shared>>
      %dma_start3A_66 = arith.constant 0 : i32
      %dma_start3A_67 = tpu.memref_slice %arg10[%add3A_11, %dma_start3A_66] : memref<10240x128xf32, #tpu.memory_space<vmem_shared>> -> memref<128x128xf32, #tpu.memory_space<vmem_shared>>
      tpu.enqueue_dma source(%arg8 : memref<128x128xf32, #tpu.memory_space<vmem>>) target(%dma_start3A_67 : memref<128x128xf32, #tpu.memory_space<vmem_shared>>) target_semaphore(%run_scoped3A : memref<!tpu.dma_semaphore, #tpu.memory_space<semaphore_mem>>)
      %dma_wait3A = arith.constant 0 : i32
      %dma_wait3A_68 = tpu.memref_slice %arg10[%add3A_11, %dma_wait3A] : memref<10240x128xf32, #tpu.memory_space<vmem_shared>> -> memref<128x128xf32, #tpu.memory_space<vmem_shared>>
      %dma_wait3A_69 = arith.constant 0 : i32
      %dma_wait3A_70 = tpu.memref_slice %arg10[%add3A_11, %dma_wait3A_69] : memref<10240x128xf32, #tpu.memory_space<vmem_shared>> -> memref<128x128xf32, #tpu.memory_space<vmem_shared>>
      tpu.wait_dma2 semaphore(%run_scoped3A : memref<!tpu.dma_semaphore, #tpu.memory_space<semaphore_mem>>) src(%arg8 : memref<128x128xf32, #tpu.memory_space<vmem>>) dst(%dma_wait3A_70 : memref<128x128xf32, #tpu.memory_space<vmem_shared>>)
      tpu.yield
    }) : () -> ()
    %mul3A_12 = arith.constant 640 : i32
    %mul3A_13 = arith.muli %arg1, %mul3A_12 : i32
    %add3A_14 = arith.constant 128 : i32
    %add3A_15 = arith.addi %mul3A_13, %add3A_14 : i32
    "tpu.region"() ({
      %run_scoped3A = tpu.sem_alloc : memref<!tpu.dma_semaphore, #tpu.memory_space<semaphore_mem>>
      %dma_start3A_64 = arith.constant 0 : i32
      %dma_start3A_65 = tpu.memref_slice %arg10[%add3A_15, %dma_start3A_64] : memref<10240x128xf32, #tpu.memory_space<vmem_shared>> -> memref<128x128xf32, #tpu.memory_space<vmem_shared>>
      %dma_start3A_66 = arith.constant 0 : i32
      %dma_start3A_67 = tpu.memref_slice %arg10[%add3A_15, %dma_start3A_66] : memref<10240x128xf32, #tpu.memory_space<vmem_shared>> -> memref<128x128xf32, #tpu.memory_space<vmem_shared>>
      tpu.enqueue_dma source(%arg8 : memref<128x128xf32, #tpu.memory_space<vmem>>) target(%dma_start3A_67 : memref<128x128xf32, #tpu.memory_space<vmem_shared>>) target_semaphore(%run_scoped3A : memref<!tpu.dma_semaphore, #tpu.memory_space<semaphore_mem>>)
      %dma_wait3A = arith.constant 0 : i32
      %dma_wait3A_68 = tpu.memref_slice %arg10[%add3A_15, %dma_wait3A] : memref<10240x128xf32, #tpu.memory_space<vmem_shared>> -> memref<128x128xf32, #tpu.memory_space<vmem_shared>>
      %dma_wait3A_69 = arith.constant 0 : i32
      %dma_wait3A_70 = tpu.memref_slice %arg10[%add3A_15, %dma_wait3A_69] : memref<10240x128xf32, #tpu.memory_space<vmem_shared>> -> memref<128x128xf32, #tpu.memory_space<vmem_shared>>
      tpu.wait_dma2 semaphore(%run_scoped3A : memref<!tpu.dma_semaphore, #tpu.memory_space<semaphore_mem>>) src(%arg8 : memref<128x128xf32, #tpu.memory_space<vmem>>) dst(%dma_wait3A_70 : memref<128x128xf32, #tpu.memory_space<vmem_shared>>)
      tpu.yield
    }) : () -> ()
    %mul3A_16 = arith.constant 640 : i32
    %mul3A_17 = arith.muli %arg1, %mul3A_16 : i32
    %add3A_18 = arith.constant 256 : i32
    %add3A_19 = arith.addi %mul3A_17, %add3A_18 : i32
    "tpu.region"() ({
      %run_scoped3A = tpu.sem_alloc : memref<!tpu.dma_semaphore, #tpu.memory_space<semaphore_mem>>
      %dma_start3A_64 = arith.constant 0 : i32
      %dma_start3A_65 = tpu.memref_slice %arg10[%add3A_19, %dma_start3A_64] : memref<10240x128xf32, #tpu.memory_space<vmem_shared>> -> memref<128x128xf32, #tpu.memory_space<vmem_shared>>
      %dma_start3A_66 = arith.constant 0 : i32
      %dma_start3A_67 = tpu.memref_slice %arg10[%add3A_19, %dma_start3A_66] : memref<10240x128xf32, #tpu.memory_space<vmem_shared>> -> memref<128x128xf32, #tpu.memory_space<vmem_shared>>
      tpu.enqueue_dma source(%arg8 : memref<128x128xf32, #tpu.memory_space<vmem>>) target(%dma_start3A_67 : memref<128x128xf32, #tpu.memory_space<vmem_shared>>) target_semaphore(%run_scoped3A : memref<!tpu.dma_semaphore, #tpu.memory_space<semaphore_mem>>)
      %dma_wait3A = arith.constant 0 : i32
      %dma_wait3A_68 = tpu.memref_slice %arg10[%add3A_19, %dma_wait3A] : memref<10240x128xf32, #tpu.memory_space<vmem_shared>> -> memref<128x128xf32, #tpu.memory_space<vmem_shared>>
      %dma_wait3A_69 = arith.constant 0 : i32
      %dma_wait3A_70 = tpu.memref_slice %arg10[%add3A_19, %dma_wait3A_69] : memref<10240x128xf32, #tpu.memory_space<vmem_shared>> -> memref<128x128xf32, #tpu.memory_space<vmem_shared>>
      tpu.wait_dma2 semaphore(%run_scoped3A : memref<!tpu.dma_semaphore, #tpu.memory_space<semaphore_mem>>) src(%arg8 : memref<128x128xf32, #tpu.memory_space<vmem>>) dst(%dma_wait3A_70 : memref<128x128xf32, #tpu.memory_space<vmem_shared>>)
      tpu.yield
    }) : () -> ()
    %mul3A_20 = arith.constant 640 : i32
    %mul3A_21 = arith.muli %arg1, %mul3A_20 : i32
    %add3A_22 = arith.constant 384 : i32
    %add3A_23 = arith.addi %mul3A_21, %add3A_22 : i32
    "tpu.region"() ({
      %run_scoped3A = tpu.sem_alloc : memref<!tpu.dma_semaphore, #tpu.memory_space<semaphore_mem>>
      %dma_start3A_64 = arith.constant 0 : i32
      %dma_start3A_65 = tpu.memref_slice %arg10[%add3A_23, %dma_start3A_64] : memref<10240x128xf32, #tpu.memory_space<vmem_shared>> -> memref<128x128xf32, #tpu.memory_space<vmem_shared>>
      %dma_start3A_66 = arith.constant 0 : i32
      %dma_start3A_67 = tpu.memref_slice %arg10[%add3A_23, %dma_start3A_66] : memref<10240x128xf32, #tpu.memory_space<vmem_shared>> -> memref<128x128xf32, #tpu.memory_space<vmem_shared>>
      tpu.enqueue_dma source(%arg8 : memref<128x128xf32, #tpu.memory_space<vmem>>) target(%dma_start3A_67 : memref<128x128xf32, #tpu.memory_space<vmem_shared>>) target_semaphore(%run_scoped3A : memref<!tpu.dma_semaphore, #tpu.memory_space<semaphore_mem>>)
      %dma_wait3A = arith.constant 0 : i32
      %dma_wait3A_68 = tpu.memref_slice %arg10[%add3A_23, %dma_wait3A] : memref<10240x128xf32, #tpu.memory_space<vmem_shared>> -> memref<128x128xf32, #tpu.memory_space<vmem_shared>>
      %dma_wait3A_69 = arith.constant 0 : i32
      %dma_wait3A_70 = tpu.memref_slice %arg10[%add3A_23, %dma_wait3A_69] : memref<10240x128xf32, #tpu.memory_space<vmem_shared>> -> memref<128x128xf32, #tpu.memory_space<vmem_shared>>
      tpu.wait_dma2 semaphore(%run_scoped3A : memref<!tpu.dma_semaphore, #tpu.memory_space<semaphore_mem>>) src(%arg8 : memref<128x128xf32, #tpu.memory_space<vmem>>) dst(%dma_wait3A_70 : memref<128x128xf32, #tpu.memory_space<vmem_shared>>)
      tpu.yield
    }) : () -> ()
    %mul3A_24 = arith.constant 640 : i32
    %mul3A_25 = arith.muli %arg1, %mul3A_24 : i32
    %add3A_26 = arith.constant 512 : i32
    %add3A_27 = arith.addi %mul3A_25, %add3A_26 : i32
    "tpu.region"() ({
      %run_scoped3A = tpu.sem_alloc : memref<!tpu.dma_semaphore, #tpu.memory_space<semaphore_mem>>
      %dma_start3A_64 = arith.constant 0 : i32
      %dma_start3A_65 = tpu.memref_slice %arg10[%add3A_27, %dma_start3A_64] : memref<10240x128xf32, #tpu.memory_space<vmem_shared>> -> memref<128x128xf32, #tpu.memory_space<vmem_shared>>
      %dma_start3A_66 = arith.constant 0 : i32
      %dma_start3A_67 = tpu.memref_slice %arg10[%add3A_27, %dma_start3A_66] : memref<10240x128xf32, #tpu.memory_space<vmem_shared>> -> memref<128x128xf32, #tpu.memory_space<vmem_shared>>
      tpu.enqueue_dma source(%arg8 : memref<128x128xf32, #tpu.memory_space<vmem>>) target(%dma_start3A_67 : memref<128x128xf32, #tpu.memory_space<vmem_shared>>) target_semaphore(%run_scoped3A : memref<!tpu.dma_semaphore, #tpu.memory_space<semaphore_mem>>)
      %dma_wait3A = arith.constant 0 : i32
      %dma_wait3A_68 = tpu.memref_slice %arg10[%add3A_27, %dma_wait3A] : memref<10240x128xf32, #tpu.memory_space<vmem_shared>> -> memref<128x128xf32, #tpu.memory_space<vmem_shared>>
      %dma_wait3A_69 = arith.constant 0 : i32
      %dma_wait3A_70 = tpu.memref_slice %arg10[%add3A_27, %dma_wait3A_69] : memref<10240x128xf32, #tpu.memory_space<vmem_shared>> -> memref<128x128xf32, #tpu.memory_space<vmem_shared>>
      tpu.wait_dma2 semaphore(%run_scoped3A : memref<!tpu.dma_semaphore, #tpu.memory_space<semaphore_mem>>) src(%arg8 : memref<128x128xf32, #tpu.memory_space<vmem>>) dst(%dma_wait3A_70 : memref<128x128xf32, #tpu.memory_space<vmem_shared>>)
      tpu.yield
    }) : () -> ()
    %barrier3A = arith.constant 0 : index
    tpu.barrier barrier_id(%barrier3A)
    %add3A_28 = arith.constant 0 : i32
    %add3A_29 = arith.addi %add3A, %add3A_28 : i32
    "tpu.region"() ({
      %run_scoped3A = tpu.sem_alloc : memref<!tpu.dma_semaphore, #tpu.memory_space<semaphore_mem>>
      %dma_start3A_64 = arith.constant 0 : i32
      %dma_start3A_65 = tpu.memref_slice %arg3[%add3A_29, %dma_start3A_64] : memref<2560x128xi32, #tpu.memory_space<hbm>> -> memref<40x128xi32, #tpu.memory_space<hbm>>
      %dma_start3A_66 = arith.constant 0 : i32
      %dma_start3A_67 = tpu.memref_slice %arg3[%add3A_29, %dma_start3A_66] : memref<2560x128xi32, #tpu.memory_space<hbm>> -> memref<40x128xi32, #tpu.memory_space<hbm>>
      tpu.enqueue_dma source(%dma_start3A_67 : memref<40x128xi32, #tpu.memory_space<hbm>>) target(%arg6 : memref<40x128xi32, #tpu.memory_space<vmem>>) target_semaphore(%run_scoped3A : memref<!tpu.dma_semaphore, #tpu.memory_space<semaphore_mem>>)
      %dma_wait3A = arith.constant 0 : i32
      %dma_wait3A_68 = tpu.memref_slice %arg3[%add3A_29, %dma_wait3A] : memref<2560x128xi32, #tpu.memory_space<hbm>> -> memref<40x128xi32, #tpu.memory_space<hbm>>
      %dma_wait3A_69 = arith.constant 0 : i32
      %dma_wait3A_70 = tpu.memref_slice %arg3[%add3A_29, %dma_wait3A_69] : memref<2560x128xi32, #tpu.memory_space<hbm>> -> memref<40x128xi32, #tpu.memory_space<hbm>>
      tpu.wait_dma2 semaphore(%run_scoped3A : memref<!tpu.dma_semaphore, #tpu.memory_space<semaphore_mem>>) src(%dma_wait3A_70 : memref<40x128xi32, #tpu.memory_space<hbm>>) dst(%arg6 : memref<40x128xi32, #tpu.memory_space<vmem>>)
      tpu.yield
    }) : () -> ()
    %add3A_30 = arith.constant 0 : i32
    %add3A_31 = arith.addi %add3A, %add3A_30 : i32
    "tpu.region"() ({
      %run_scoped3A = tpu.sem_alloc : memref<!tpu.dma_semaphore, #tpu.memory_space<semaphore_mem>>
      %dma_start3A_64 = arith.constant 0 : i32
      %dma_start3A_65 = tpu.memref_slice %arg4[%add3A_31, %dma_start3A_64] : memref<2560x128xi32, #tpu.memory_space<hbm>> -> memref<40x128xi32, #tpu.memory_space<hbm>>
      %dma_start3A_66 = arith.constant 0 : i32
      %dma_start3A_67 = tpu.memref_slice %arg4[%add3A_31, %dma_start3A_66] : memref<2560x128xi32, #tpu.memory_space<hbm>> -> memref<40x128xi32, #tpu.memory_space<hbm>>
      tpu.enqueue_dma source(%dma_start3A_67 : memref<40x128xi32, #tpu.memory_space<hbm>>) target(%arg7 : memref<40x128xi32, #tpu.memory_space<vmem>>) target_semaphore(%run_scoped3A : memref<!tpu.dma_semaphore, #tpu.memory_space<semaphore_mem>>)
      %dma_wait3A = arith.constant 0 : i32
      %dma_wait3A_68 = tpu.memref_slice %arg4[%add3A_31, %dma_wait3A] : memref<2560x128xi32, #tpu.memory_space<hbm>> -> memref<40x128xi32, #tpu.memory_space<hbm>>
      %dma_wait3A_69 = arith.constant 0 : i32
      %dma_wait3A_70 = tpu.memref_slice %arg4[%add3A_31, %dma_wait3A_69] : memref<2560x128xi32, #tpu.memory_space<hbm>> -> memref<40x128xi32, #tpu.memory_space<hbm>>
      tpu.wait_dma2 semaphore(%run_scoped3A : memref<!tpu.dma_semaphore, #tpu.memory_space<semaphore_mem>>) src(%dma_wait3A_70 : memref<40x128xi32, #tpu.memory_space<hbm>>) dst(%arg7 : memref<40x128xi32, #tpu.memory_space<vmem>>)
      tpu.yield
    }) : () -> ()
    %dma_start3A = arith.constant 0 : i32
    %dma_start3A_32 = arith.constant 0 : i32
    %dma_start3A_33 = tpu.memref_slice %arg6[%dma_start3A, %dma_start3A_32] : memref<40x128xi32, #tpu.memory_space<vmem>> -> memref<1x128xi32, #tpu.memory_space<vmem>>
    %dma_start3A_34 = tpu.memref_squeeze %dma_start3A_33 : memref<1x128xi32, #tpu.memory_space<vmem>> -> memref<128xi32, #tpu.memory_space<vmem>>
    %dma_start3A_35 = arith.constant 0 : i32
    %dma_start3A_36 = arith.constant 0 : i32
    %dma_start3A_37 = tpu.memref_slice %arg2[%dma_start3A_35, %dma_start3A_36] : memref<10000x128xf32, #tpu.memory_space<hbm>> -> memref<10000x128xf32, #tpu.memory_space<hbm>>
    tpu.enqueue_indirect_dma source(%dma_start3A_37 : memref<10000x128xf32, #tpu.memory_space<hbm>>) target(%arg8 : memref<128x128xf32, #tpu.memory_space<vmem>>) offsets(%dma_start3A_34 : memref<128xi32, #tpu.memory_space<vmem>>) semaphore(%arg11 : memref<!tpu.dma_semaphore, #tpu.memory_space<semaphore_mem>>)
    %scan3A_38 = arith.constant 0 : i32
    %scan3A_39 = arith.constant 20 : i32
    %scan3A_40 = arith.addi %scan3A_38, %scan3A_39 : i32
    %scan3A_41 = arith.constant 1 : i32
    scf.for %scan3A_64 = %scan3A_38 to %scan3A_40 step %scan3A_41  : i32 {
      %mul3A_65 = arith.constant 2 : i32
      %mul3A_66 = arith.muli %scan3A_64, %mul3A_65 : i32
      %add3A_67 = arith.constant 0 : i32
      %add3A_68 = arith.addi %add3A_67, %mul3A_66 : i32
      %add3A_69 = arith.constant 1 : i32
      %add3A_70 = arith.addi %add3A_68, %add3A_69 : i32
      %dma_start3A_71 = arith.constant 0 : i32
      %dma_start3A_72 = tpu.memref_slice %arg6[%add3A_70, %dma_start3A_71] : memref<40x128xi32, #tpu.memory_space<vmem>> -> memref<1x128xi32, #tpu.memory_space<vmem>>
      %dma_start3A_73 = tpu.memref_squeeze %dma_start3A_72 : memref<1x128xi32, #tpu.memory_space<vmem>> -> memref<128xi32, #tpu.memory_space<vmem>>
      %dma_start3A_74 = arith.constant 0 : i32
      %dma_start3A_75 = arith.constant 0 : i32
      %dma_start3A_76 = tpu.memref_slice %arg2[%dma_start3A_74, %dma_start3A_75] : memref<10000x128xf32, #tpu.memory_space<hbm>> -> memref<10000x128xf32, #tpu.memory_space<hbm>>
      tpu.enqueue_indirect_dma source(%dma_start3A_76 : memref<10000x128xf32, #tpu.memory_space<hbm>>) target(%arg9 : memref<128x128xf32, #tpu.memory_space<vmem>>) offsets(%dma_start3A_73 : memref<128xi32, #tpu.memory_space<vmem>>) semaphore(%arg12 : memref<!tpu.dma_semaphore, #tpu.memory_space<semaphore_mem>>)
      %dma_wait3A = arith.constant 0 : i32
      %dma_wait3A_77 = tpu.memref_slice %arg6[%add3A_68, %dma_wait3A] : memref<40x128xi32, #tpu.memory_space<vmem>> -> memref<1x128xi32, #tpu.memory_space<vmem>>
      %dma_wait3A_78 = tpu.memref_squeeze %dma_wait3A_77 : memref<1x128xi32, #tpu.memory_space<vmem>> -> memref<128xi32, #tpu.memory_space<vmem>>
      %dma_wait3A_79 = arith.constant 0 : i32
      %dma_wait3A_80 = arith.constant 0 : i32
      %dma_wait3A_81 = tpu.memref_slice %arg2[%dma_wait3A_79, %dma_wait3A_80] : memref<10000x128xf32, #tpu.memory_space<hbm>> -> memref<10000x128xf32, #tpu.memory_space<hbm>>
      tpu.wait_indirect_dma semaphore(%arg11 : memref<!tpu.dma_semaphore, #tpu.memory_space<semaphore_mem>>) src(%dma_wait3A_81 : memref<10000x128xf32, #tpu.memory_space<hbm>>) dst(%arg8 : memref<128x128xf32, #tpu.memory_space<vmem>>)
      "tpu.region"() ({
        %run_scoped3A = tpu.sem_alloc : memref<!tpu.dma_semaphore, #tpu.memory_space<semaphore_mem>>
        %dma_start3A_96 = arith.constant 0 : i32
        %dma_start3A_97 = tpu.memref_slice %arg7[%add3A_68, %dma_start3A_96] : memref<40x128xi32, #tpu.memory_space<vmem>> -> memref<1x128xi32, #tpu.memory_space<vmem>>
        %dma_start3A_98 = tpu.memref_squeeze %dma_start3A_97 : memref<1x128xi32, #tpu.memory_space<vmem>> -> memref<128xi32, #tpu.memory_space<vmem>>
        %dma_start3A_99 = arith.constant 0 : i32
        %dma_start3A_100 = arith.constant 0 : i32
        %dma_start3A_101 = tpu.memref_slice %arg10[%dma_start3A_99, %dma_start3A_100] : memref<10240x128xf32, #tpu.memory_space<vmem_shared>> -> memref<10240x128xf32, #tpu.memory_space<vmem_shared>>
        tpu.enqueue_indirect_dma source(%arg8 : memref<128x128xf32, #tpu.memory_space<vmem>>) target(%dma_start3A_101 : memref<10240x128xf32, #tpu.memory_space<vmem_shared>>) offsets(%dma_start3A_98 : memref<128xi32, #tpu.memory_space<vmem>>) semaphore(%run_scoped3A : memref<!tpu.dma_semaphore, #tpu.memory_space<semaphore_mem>>) {add = true}
        %dma_wait3A_102 = arith.constant 0 : i32
        %dma_wait3A_103 = tpu.memref_slice %arg7[%add3A_68, %dma_wait3A_102] : memref<40x128xi32, #tpu.memory_space<vmem>> -> memref<1x128xi32, #tpu.memory_space<vmem>>
        %dma_wait3A_104 = tpu.memref_squeeze %dma_wait3A_103 : memref<1x128xi32, #tpu.memory_space<vmem>> -> memref<128xi32, #tpu.memory_space<vmem>>
        %dma_wait3A_105 = arith.constant 0 : i32
        %dma_wait3A_106 = arith.constant 0 : i32
        %dma_wait3A_107 = tpu.memref_slice %arg10[%dma_wait3A_105, %dma_wait3A_106] : memref<10240x128xf32, #tpu.memory_space<vmem_shared>> -> memref<10240x128xf32, #tpu.memory_space<vmem_shared>>
        tpu.wait_indirect_dma semaphore(%run_scoped3A : memref<!tpu.dma_semaphore, #tpu.memory_space<semaphore_mem>>) src(%arg8 : memref<128x128xf32, #tpu.memory_space<vmem>>) dst(%dma_wait3A_107 : memref<10240x128xf32, #tpu.memory_space<vmem_shared>>)
        tpu.yield
      }) : () -> ()
      %add3A_82 = arith.constant 2 : i32
      %add3A_83 = arith.addi %add3A_68, %add3A_82 : i32
      %lt3A = arith.constant 40 : i32
      %lt3A_84 = arith.cmpi slt, %add3A_83, %lt3A : i32
      %convert_element_type3A = arith.extui %lt3A_84 : i1 to i32
      %cond3A = arith.constant 0 : i32
      %cond3A_85 = arith.cmpi ne, %convert_element_type3A, %cond3A : i32
      scf.if %cond3A_85 {
        %add3A_96 = arith.constant 2 : i32
        %add3A_97 = arith.addi %add3A_68, %add3A_96 : i32
        %dma_start3A_98 = arith.constant 0 : i32
        %dma_start3A_99 = tpu.memref_slice %arg6[%add3A_97, %dma_start3A_98] : memref<40x128xi32, #tpu.memory_space<vmem>> -> memref<1x128xi32, #tpu.memory_space<vmem>>
        %dma_start3A_100 = tpu.memref_squeeze %dma_start3A_99 : memref<1x128xi32, #tpu.memory_space<vmem>> -> memref<128xi32, #tpu.memory_space<vmem>>
        %dma_start3A_101 = arith.constant 0 : i32
        %dma_start3A_102 = arith.constant 0 : i32
        %dma_start3A_103 = tpu.memref_slice %arg2[%dma_start3A_101, %dma_start3A_102] : memref<10000x128xf32, #tpu.memory_space<hbm>> -> memref<10000x128xf32, #tpu.memory_space<hbm>>
        tpu.enqueue_indirect_dma source(%dma_start3A_103 : memref<10000x128xf32, #tpu.memory_space<hbm>>) target(%arg8 : memref<128x128xf32, #tpu.memory_space<vmem>>) offsets(%dma_start3A_100 : memref<128xi32, #tpu.memory_space<vmem>>) semaphore(%arg11 : memref<!tpu.dma_semaphore, #tpu.memory_space<semaphore_mem>>)
      } else {
      }
      %add3A_86 = arith.constant 1 : i32
      %add3A_87 = arith.addi %add3A_68, %add3A_86 : i32
      %dma_wait3A_88 = arith.constant 0 : i32
      %dma_wait3A_89 = tpu.memref_slice %arg6[%add3A_87, %dma_wait3A_88] : memref<40x128xi32, #tpu.memory_space<vmem>> -> memref<1x128xi32, #tpu.memory_space<vmem>>
      %dma_wait3A_90 = tpu.memref_squeeze %dma_wait3A_89 : memref<1x128xi32, #tpu.memory_space<vmem>> -> memref<128xi32, #tpu.memory_space<vmem>>
      %dma_wait3A_91 = arith.constant 0 : i32
      %dma_wait3A_92 = arith.constant 0 : i32
      %dma_wait3A_93 = tpu.memref_slice %arg2[%dma_wait3A_91, %dma_wait3A_92] : memref<10000x128xf32, #tpu.memory_space<hbm>> -> memref<10000x128xf32, #tpu.memory_space<hbm>>
      tpu.wait_indirect_dma semaphore(%arg12 : memref<!tpu.dma_semaphore, #tpu.memory_space<semaphore_mem>>) src(%dma_wait3A_93 : memref<10000x128xf32, #tpu.memory_space<hbm>>) dst(%arg9 : memref<128x128xf32, #tpu.memory_space<vmem>>)
      %add3A_94 = arith.constant 1 : i32
      %add3A_95 = arith.addi %add3A_68, %add3A_94 : i32
      "tpu.region"() ({
        %run_scoped3A = tpu.sem_alloc : memref<!tpu.dma_semaphore, #tpu.memory_space<semaphore_mem>>
        %dma_start3A_96 = arith.constant 0 : i32
        %dma_start3A_97 = tpu.memref_slice %arg7[%add3A_95, %dma_start3A_96] : memref<40x128xi32, #tpu.memory_space<vmem>> -> memref<1x128xi32, #tpu.memory_space<vmem>>
        %dma_start3A_98 = tpu.memref_squeeze %dma_start3A_97 : memref<1x128xi32, #tpu.memory_space<vmem>> -> memref<128xi32, #tpu.memory_space<vmem>>
        %dma_start3A_99 = arith.constant 0 : i32
        %dma_start3A_100 = arith.constant 0 : i32
        %dma_start3A_101 = tpu.memref_slice %arg10[%dma_start3A_99, %dma_start3A_100] : memref<10240x128xf32, #tpu.memory_space<vmem_shared>> -> memref<10240x128xf32, #tpu.memory_space<vmem_shared>>
        tpu.enqueue_indirect_dma source(%arg9 : memref<128x128xf32, #tpu.memory_space<vmem>>) target(%dma_start3A_101 : memref<10240x128xf32, #tpu.memory_space<vmem_shared>>) offsets(%dma_start3A_98 : memref<128xi32, #tpu.memory_space<vmem>>) semaphore(%run_scoped3A : memref<!tpu.dma_semaphore, #tpu.memory_space<semaphore_mem>>) {add = true}
        %dma_wait3A_102 = arith.constant 0 : i32
        %dma_wait3A_103 = tpu.memref_slice %arg7[%add3A_95, %dma_wait3A_102] : memref<40x128xi32, #tpu.memory_space<vmem>> -> memref<1x128xi32, #tpu.memory_space<vmem>>
        %dma_wait3A_104 = tpu.memref_squeeze %dma_wait3A_103 : memref<1x128xi32, #tpu.memory_space<vmem>> -> memref<128xi32, #tpu.memory_space<vmem>>
        %dma_wait3A_105 = arith.constant 0 : i32
        %dma_wait3A_106 = arith.constant 0 : i32
        %dma_wait3A_107 = tpu.memref_slice %arg10[%dma_wait3A_105, %dma_wait3A_106] : memref<10240x128xf32, #tpu.memory_space<vmem_shared>> -> memref<10240x128xf32, #tpu.memory_space<vmem_shared>>
        tpu.wait_indirect_dma semaphore(%run_scoped3A : memref<!tpu.dma_semaphore, #tpu.memory_space<semaphore_mem>>) src(%arg9 : memref<128x128xf32, #tpu.memory_space<vmem>>) dst(%dma_wait3A_107 : memref<10240x128xf32, #tpu.memory_space<vmem_shared>>)
        tpu.yield
      }) : () -> ()
    }
    %scan3A_42 = arith.constant 20 : i32
    %add3A_43 = arith.constant 40 : i32
    %add3A_44 = arith.addi %add3A, %add3A_43 : i32
    "tpu.region"() ({
      %run_scoped3A = tpu.sem_alloc : memref<!tpu.dma_semaphore, #tpu.memory_space<semaphore_mem>>
      %dma_start3A_64 = arith.constant 0 : i32
      %dma_start3A_65 = tpu.memref_slice %arg3[%add3A_44, %dma_start3A_64] : memref<2560x128xi32, #tpu.memory_space<hbm>> -> memref<40x128xi32, #tpu.memory_space<hbm>>
      %dma_start3A_66 = arith.constant 0 : i32
      %dma_start3A_67 = tpu.memref_slice %arg3[%add3A_44, %dma_start3A_66] : memref<2560x128xi32, #tpu.memory_space<hbm>> -> memref<40x128xi32, #tpu.memory_space<hbm>>
      tpu.enqueue_dma source(%dma_start3A_67 : memref<40x128xi32, #tpu.memory_space<hbm>>) target(%arg6 : memref<40x128xi32, #tpu.memory_space<vmem>>) target_semaphore(%run_scoped3A : memref<!tpu.dma_semaphore, #tpu.memory_space<semaphore_mem>>)
      %dma_wait3A = arith.constant 0 : i32
      %dma_wait3A_68 = tpu.memref_slice %arg3[%add3A_44, %dma_wait3A] : memref<2560x128xi32, #tpu.memory_space<hbm>> -> memref<40x128xi32, #tpu.memory_space<hbm>>
      %dma_wait3A_69 = arith.constant 0 : i32
      %dma_wait3A_70 = tpu.memref_slice %arg3[%add3A_44, %dma_wait3A_69] : memref<2560x128xi32, #tpu.memory_space<hbm>> -> memref<40x128xi32, #tpu.memory_space<hbm>>
      tpu.wait_dma2 semaphore(%run_scoped3A : memref<!tpu.dma_semaphore, #tpu.memory_space<semaphore_mem>>) src(%dma_wait3A_70 : memref<40x128xi32, #tpu.memory_space<hbm>>) dst(%arg6 : memref<40x128xi32, #tpu.memory_space<vmem>>)
      tpu.yield
    }) : () -> ()
    %add3A_45 = arith.constant 40 : i32
    %add3A_46 = arith.addi %add3A, %add3A_45 : i32
    "tpu.region"() ({
      %run_scoped3A = tpu.sem_alloc : memref<!tpu.dma_semaphore, #tpu.memory_space<semaphore_mem>>
      %dma_start3A_64 = arith.constant 0 : i32
      %dma_start3A_65 = tpu.memref_slice %arg4[%add3A_46, %dma_start3A_64] : memref<2560x128xi32, #tpu.memory_space<hbm>> -> memref<40x128xi32, #tpu.memory_space<hbm>>
      %dma_start3A_66 = arith.constant 0 : i32
      %dma_start3A_67 = tpu.memref_slice %arg4[%add3A_46, %dma_start3A_66] : memref<2560x128xi32, #tpu.memory_space<hbm>> -> memref<40x128xi32, #tpu.memory_space<hbm>>
      tpu.enqueue_dma source(%dma_start3A_67 : memref<40x128xi32, #tpu.memory_space<hbm>>) target(%arg7 : memref<40x128xi32, #tpu.memory_space<vmem>>) target_semaphore(%run_scoped3A : memref<!tpu.dma_semaphore, #tpu.memory_space<semaphore_mem>>)
      %dma_wait3A = arith.constant 0 : i32
      %dma_wait3A_68 = tpu.memref_slice %arg4[%add3A_46, %dma_wait3A] : memref<2560x128xi32, #tpu.memory_space<hbm>> -> memref<40x128xi32, #tpu.memory_space<hbm>>
      %dma_wait3A_69 = arith.constant 0 : i32
      %dma_wait3A_70 = tpu.memref_slice %arg4[%add3A_46, %dma_wait3A_69] : memref<2560x128xi32, #tpu.memory_space<hbm>> -> memref<40x128xi32, #tpu.memory_space<hbm>>
      tpu.wait_dma2 semaphore(%run_scoped3A : memref<!tpu.dma_semaphore, #tpu.memory_space<semaphore_mem>>) src(%dma_wait3A_70 : memref<40x128xi32, #tpu.memory_space<hbm>>) dst(%arg7 : memref<40x128xi32, #tpu.memory_space<vmem>>)
      tpu.yield
    }) : () -> ()
    %dma_start3A_47 = arith.constant 0 : i32
    %dma_start3A_48 = arith.constant 0 : i32
    %dma_start3A_49 = tpu.memref_slice %arg6[%dma_start3A_47, %dma_start3A_48] : memref<40x128xi32, #tpu.memory_space<vmem>> -> memref<1x128xi32, #tpu.memory_space<vmem>>
    %dma_start3A_50 = tpu.memref_squeeze %dma_start3A_49 : memref<1x128xi32, #tpu.memory_space<vmem>> -> memref<128xi32, #tpu.memory_space<vmem>>
    %dma_start3A_51 = arith.constant 0 : i32
    %dma_start3A_52 = arith.constant 0 : i32
    %dma_start3A_53 = tpu.memref_slice %arg2[%dma_start3A_51, %dma_start3A_52] : memref<10000x128xf32, #tpu.memory_space<hbm>> -> memref<10000x128xf32, #tpu.memory_space<hbm>>
    tpu.enqueue_indirect_dma source(%dma_start3A_53 : memref<10000x128xf32, #tpu.memory_space<hbm>>) target(%arg8 : memref<128x128xf32, #tpu.memory_space<vmem>>) offsets(%dma_start3A_50 : memref<128xi32, #tpu.memory_space<vmem>>) semaphore(%arg11 : memref<!tpu.dma_semaphore, #tpu.memory_space<semaphore_mem>>)
    %scan3A_54 = arith.constant 0 : i32
    %scan3A_55 = arith.constant 20 : i32
    %scan3A_56 = arith.addi %scan3A_54, %scan3A_55 : i32
    %scan3A_57 = arith.constant 1 : i32
    scf.for %scan3A_64 = %scan3A_54 to %scan3A_56 step %scan3A_57  : i32 {
      %mul3A_65 = arith.constant 2 : i32
      %mul3A_66 = arith.muli %scan3A_64, %mul3A_65 : i32
      %add3A_67 = arith.constant 0 : i32
      %add3A_68 = arith.addi %add3A_67, %mul3A_66 : i32
      %add3A_69 = arith.constant 1 : i32
      %add3A_70 = arith.addi %add3A_68, %add3A_69 : i32
      %dma_start3A_71 = arith.constant 0 : i32
      %dma_start3A_72 = tpu.memref_slice %arg6[%add3A_70, %dma_start3A_71] : memref<40x128xi32, #tpu.memory_space<vmem>> -> memref<1x128xi32, #tpu.memory_space<vmem>>
      %dma_start3A_73 = tpu.memref_squeeze %dma_start3A_72 : memref<1x128xi32, #tpu.memory_space<vmem>> -> memref<128xi32, #tpu.memory_space<vmem>>
      %dma_start3A_74 = arith.constant 0 : i32
      %dma_start3A_75 = arith.constant 0 : i32
      %dma_start3A_76 = tpu.memref_slice %arg2[%dma_start3A_74, %dma_start3A_75] : memref<10000x128xf32, #tpu.memory_space<hbm>> -> memref<10000x128xf32, #tpu.memory_space<hbm>>
      tpu.enqueue_indirect_dma source(%dma_start3A_76 : memref<10000x128xf32, #tpu.memory_space<hbm>>) target(%arg9 : memref<128x128xf32, #tpu.memory_space<vmem>>) offsets(%dma_start3A_73 : memref<128xi32, #tpu.memory_space<vmem>>) semaphore(%arg12 : memref<!tpu.dma_semaphore, #tpu.memory_space<semaphore_mem>>)
      %dma_wait3A = arith.constant 0 : i32
      %dma_wait3A_77 = tpu.memref_slice %arg6[%add3A_68, %dma_wait3A] : memref<40x128xi32, #tpu.memory_space<vmem>> -> memref<1x128xi32, #tpu.memory_space<vmem>>
      %dma_wait3A_78 = tpu.memref_squeeze %dma_wait3A_77 : memref<1x128xi32, #tpu.memory_space<vmem>> -> memref<128xi32, #tpu.memory_space<vmem>>
      %dma_wait3A_79 = arith.constant 0 : i32
      %dma_wait3A_80 = arith.constant 0 : i32
      %dma_wait3A_81 = tpu.memref_slice %arg2[%dma_wait3A_79, %dma_wait3A_80] : memref<10000x128xf32, #tpu.memory_space<hbm>> -> memref<10000x128xf32, #tpu.memory_space<hbm>>
      tpu.wait_indirect_dma semaphore(%arg11 : memref<!tpu.dma_semaphore, #tpu.memory_space<semaphore_mem>>) src(%dma_wait3A_81 : memref<10000x128xf32, #tpu.memory_space<hbm>>) dst(%arg8 : memref<128x128xf32, #tpu.memory_space<vmem>>)
      "tpu.region"() ({
        %run_scoped3A = tpu.sem_alloc : memref<!tpu.dma_semaphore, #tpu.memory_space<semaphore_mem>>
        %dma_start3A_96 = arith.constant 0 : i32
        %dma_start3A_97 = tpu.memref_slice %arg7[%add3A_68, %dma_start3A_96] : memref<40x128xi32, #tpu.memory_space<vmem>> -> memref<1x128xi32, #tpu.memory_space<vmem>>
        %dma_start3A_98 = tpu.memref_squeeze %dma_start3A_97 : memref<1x128xi32, #tpu.memory_space<vmem>> -> memref<128xi32, #tpu.memory_space<vmem>>
        %dma_start3A_99 = arith.constant 0 : i32
        %dma_start3A_100 = arith.constant 0 : i32
        %dma_start3A_101 = tpu.memref_slice %arg10[%dma_start3A_99, %dma_start3A_100] : memref<10240x128xf32, #tpu.memory_space<vmem_shared>> -> memref<10240x128xf32, #tpu.memory_space<vmem_shared>>
        tpu.enqueue_indirect_dma source(%arg8 : memref<128x128xf32, #tpu.memory_space<vmem>>) target(%dma_start3A_101 : memref<10240x128xf32, #tpu.memory_space<vmem_shared>>) offsets(%dma_start3A_98 : memref<128xi32, #tpu.memory_space<vmem>>) semaphore(%run_scoped3A : memref<!tpu.dma_semaphore, #tpu.memory_space<semaphore_mem>>) {add = true}
        %dma_wait3A_102 = arith.constant 0 : i32
        %dma_wait3A_103 = tpu.memref_slice %arg7[%add3A_68, %dma_wait3A_102] : memref<40x128xi32, #tpu.memory_space<vmem>> -> memref<1x128xi32, #tpu.memory_space<vmem>>
        %dma_wait3A_104 = tpu.memref_squeeze %dma_wait3A_103 : memref<1x128xi32, #tpu.memory_space<vmem>> -> memref<128xi32, #tpu.memory_space<vmem>>
        %dma_wait3A_105 = arith.constant 0 : i32
        %dma_wait3A_106 = arith.constant 0 : i32
        %dma_wait3A_107 = tpu.memref_slice %arg10[%dma_wait3A_105, %dma_wait3A_106] : memref<10240x128xf32, #tpu.memory_space<vmem_shared>> -> memref<10240x128xf32, #tpu.memory_space<vmem_shared>>
        tpu.wait_indirect_dma semaphore(%run_scoped3A : memref<!tpu.dma_semaphore, #tpu.memory_space<semaphore_mem>>) src(%arg8 : memref<128x128xf32, #tpu.memory_space<vmem>>) dst(%dma_wait3A_107 : memref<10240x128xf32, #tpu.memory_space<vmem_shared>>)
        tpu.yield
      }) : () -> ()
      %add3A_82 = arith.constant 2 : i32
      %add3A_83 = arith.addi %add3A_68, %add3A_82 : i32
      %lt3A = arith.constant 40 : i32
      %lt3A_84 = arith.cmpi slt, %add3A_83, %lt3A : i32
      %convert_element_type3A = arith.extui %lt3A_84 : i1 to i32
      %cond3A = arith.constant 0 : i32
      %cond3A_85 = arith.cmpi ne, %convert_element_type3A, %cond3A : i32
      scf.if %cond3A_85 {
        %add3A_96 = arith.constant 2 : i32
        %add3A_97 = arith.addi %add3A_68, %add3A_96 : i32
        %dma_start3A_98 = arith.constant 0 : i32
        %dma_start3A_99 = tpu.memref_slice %arg6[%add3A_97, %dma_start3A_98] : memref<40x128xi32, #tpu.memory_space<vmem>> -> memref<1x128xi32, #tpu.memory_space<vmem>>
        %dma_start3A_100 = tpu.memref_squeeze %dma_start3A_99 : memref<1x128xi32, #tpu.memory_space<vmem>> -> memref<128xi32, #tpu.memory_space<vmem>>
        %dma_start3A_101 = arith.constant 0 : i32
        %dma_start3A_102 = arith.constant 0 : i32
        %dma_start3A_103 = tpu.memref_slice %arg2[%dma_start3A_101, %dma_start3A_102] : memref<10000x128xf32, #tpu.memory_space<hbm>> -> memref<10000x128xf32, #tpu.memory_space<hbm>>
        tpu.enqueue_indirect_dma source(%dma_start3A_103 : memref<10000x128xf32, #tpu.memory_space<hbm>>) target(%arg8 : memref<128x128xf32, #tpu.memory_space<vmem>>) offsets(%dma_start3A_100 : memref<128xi32, #tpu.memory_space<vmem>>) semaphore(%arg11 : memref<!tpu.dma_semaphore, #tpu.memory_space<semaphore_mem>>)
      } else {
      }
      %add3A_86 = arith.constant 1 : i32
      %add3A_87 = arith.addi %add3A_68, %add3A_86 : i32
      %dma_wait3A_88 = arith.constant 0 : i32
      %dma_wait3A_89 = tpu.memref_slice %arg6[%add3A_87, %dma_wait3A_88] : memref<40x128xi32, #tpu.memory_space<vmem>> -> memref<1x128xi32, #tpu.memory_space<vmem>>
      %dma_wait3A_90 = tpu.memref_squeeze %dma_wait3A_89 : memref<1x128xi32, #tpu.memory_space<vmem>> -> memref<128xi32, #tpu.memory_space<vmem>>
      %dma_wait3A_91 = arith.constant 0 : i32
      %dma_wait3A_92 = arith.constant 0 : i32
      %dma_wait3A_93 = tpu.memref_slice %arg2[%dma_wait3A_91, %dma_wait3A_92] : memref<10000x128xf32, #tpu.memory_space<hbm>> -> memref<10000x128xf32, #tpu.memory_space<hbm>>
      tpu.wait_indirect_dma semaphore(%arg12 : memref<!tpu.dma_semaphore, #tpu.memory_space<semaphore_mem>>) src(%dma_wait3A_93 : memref<10000x128xf32, #tpu.memory_space<hbm>>) dst(%arg9 : memref<128x128xf32, #tpu.memory_space<vmem>>)
      %add3A_94 = arith.constant 1 : i32
      %add3A_95 = arith.addi %add3A_68, %add3A_94 : i32
      "tpu.region"() ({
        %run_scoped3A = tpu.sem_alloc : memref<!tpu.dma_semaphore, #tpu.memory_space<semaphore_mem>>
        %dma_start3A_96 = arith.constant 0 : i32
        %dma_start3A_97 = tpu.memref_slice %arg7[%add3A_95, %dma_start3A_96] : memref<40x128xi32, #tpu.memory_space<vmem>> -> memref<1x128xi32, #tpu.memory_space<vmem>>
        %dma_start3A_98 = tpu.memref_squeeze %dma_start3A_97 : memref<1x128xi32, #tpu.memory_space<vmem>> -> memref<128xi32, #tpu.memory_space<vmem>>
        %dma_start3A_99 = arith.constant 0 : i32
        %dma_start3A_100 = arith.constant 0 : i32
        %dma_start3A_101 = tpu.memref_slice %arg10[%dma_start3A_99, %dma_start3A_100] : memref<10240x128xf32, #tpu.memory_space<vmem_shared>> -> memref<10240x128xf32, #tpu.memory_space<vmem_shared>>
        tpu.enqueue_indirect_dma source(%arg9 : memref<128x128xf32, #tpu.memory_space<vmem>>) target(%dma_start3A_101 : memref<10240x128xf32, #tpu.memory_space<vmem_shared>>) offsets(%dma_start3A_98 : memref<128xi32, #tpu.memory_space<vmem>>) semaphore(%run_scoped3A : memref<!tpu.dma_semaphore, #tpu.memory_space<semaphore_mem>>) {add = true}
        %dma_wait3A_102 = arith.constant 0 : i32
        %dma_wait3A_103 = tpu.memref_slice %arg7[%add3A_95, %dma_wait3A_102] : memref<40x128xi32, #tpu.memory_space<vmem>> -> memref<1x128xi32, #tpu.memory_space<vmem>>
        %dma_wait3A_104 = tpu.memref_squeeze %dma_wait3A_103 : memref<1x128xi32, #tpu.memory_space<vmem>> -> memref<128xi32, #tpu.memory_space<vmem>>
        %dma_wait3A_105 = arith.constant 0 : i32
        %dma_wait3A_106 = arith.constant 0 : i32
        %dma_wait3A_107 = tpu.memref_slice %arg10[%dma_wait3A_105, %dma_wait3A_106] : memref<10240x128xf32, #tpu.memory_space<vmem_shared>> -> memref<10240x128xf32, #tpu.memory_space<vmem_shared>>
        tpu.wait_indirect_dma semaphore(%run_scoped3A : memref<!tpu.dma_semaphore, #tpu.memory_space<semaphore_mem>>) src(%arg9 : memref<128x128xf32, #tpu.memory_space<vmem>>) dst(%dma_wait3A_107 : memref<10240x128xf32, #tpu.memory_space<vmem_shared>>)
        tpu.yield
      }) : () -> ()
    }
    %scan3A_58 = arith.constant 20 : i32
    %barrier3A_59 = arith.constant 0 : index
    tpu.barrier barrier_id(%barrier3A_59)
    %mul3A_60 = arith.constant 640 : i32
    %mul3A_61 = arith.muli %arg1, %mul3A_60 : i32
    %mul3A_62 = arith.constant 640 : i32
    %mul3A_63 = arith.muli %arg1, %mul3A_62 : i32
    "tpu.region"() ({
      %run_scoped3A = tpu.sem_alloc : memref<!tpu.dma_semaphore, #tpu.memory_space<semaphore_mem>>
      %dma_start3A_64 = arith.constant 0 : i32
      %dma_start3A_65 = tpu.memref_slice %arg5[%arg0, %mul3A_63, %dma_start3A_64] : memref<2x10240x128xf32, #tpu.memory_space<hbm>> -> memref<1x640x128xf32, #tpu.memory_space<hbm>>
      %dma_start3A_66 = tpu.memref_squeeze %dma_start3A_65 : memref<1x640x128xf32, #tpu.memory_space<hbm>> -> memref<640x128xf32, #tpu.memory_space<hbm>>
      %dma_start3A_67 = arith.constant 0 : i32
      %dma_start3A_68 = tpu.memref_slice %arg10[%mul3A_61, %dma_start3A_67] : memref<10240x128xf32, #tpu.memory_space<vmem_shared>> -> memref<640x128xf32, #tpu.memory_space<vmem_shared>>
      tpu.enqueue_dma source(%dma_start3A_68 : memref<640x128xf32, #tpu.memory_space<vmem_shared>>) target(%dma_start3A_66 : memref<640x128xf32, #tpu.memory_space<hbm>>) target_semaphore(%run_scoped3A : memref<!tpu.dma_semaphore, #tpu.memory_space<semaphore_mem>>)
      %dma_wait3A = arith.constant 0 : i32
      %dma_wait3A_69 = tpu.memref_slice %arg5[%arg0, %mul3A_63, %dma_wait3A] : memref<2x10240x128xf32, #tpu.memory_space<hbm>> -> memref<1x640x128xf32, #tpu.memory_space<hbm>>
      %dma_wait3A_70 = tpu.memref_squeeze %dma_wait3A_69 : memref<1x640x128xf32, #tpu.memory_space<hbm>> -> memref<640x128xf32, #tpu.memory_space<hbm>>
      %dma_wait3A_71 = arith.constant 0 : i32
      %dma_wait3A_72 = tpu.memref_slice %arg10[%mul3A_61, %dma_wait3A_71] : memref<10240x128xf32, #tpu.memory_space<vmem_shared>> -> memref<640x128xf32, #tpu.memory_space<vmem_shared>>
      tpu.wait_dma2 semaphore(%run_scoped3A : memref<!tpu.dma_semaphore, #tpu.memory_space<semaphore_mem>>) src(%dma_wait3A_72 : memref<640x128xf32, #tpu.memory_space<vmem_shared>>) dst(%dma_wait3A_70 : memref<640x128xf32, #tpu.memory_space<hbm>>)
      tpu.yield
    }) : () -> ()
    return
  }
}

module attributes {stable_mosaic.version = 14 : i64} {
  func.func @_scale_mm_body(%arg0: i32, %arg1: memref<2000x128xf32, #tpu.memory_space<vmem>>, %arg2: memref<128x128xf32, #tpu.memory_space<vmem>>, %arg3: memref<2x2000x128xf32, #tpu.memory_space<vmem>>, %arg4: memref<2000x128xf32, #tpu.memory_space<vmem>>, %arg5: memref<2000x16xf32, #tpu.memory_space<vmem>>) attributes {dimension_semantics = [#tpu.dimension_semantics<arbitrary>], iteration_bounds = array<i64: 5>, scalar_prefetch = 0 : i64, scratch_operands = 0 : i64, tpu.core_type = #tpu.core_type<tc>, window_params = [{transform_indices = @transform_0, window_bounds = array<i64: 2000, 128>}, {pipeline_mode = #tpu.pipeline_mode<synchronous>, transform_indices = @transform_1, window_bounds = array<i64: 128, 128>}, {transform_indices = @transform_2, window_bounds = array<i64: 2, 2000, 128>}, {transform_indices = @transform_3, window_bounds = array<i64: 2000, 128>}, {transform_indices = @transform_4, window_bounds = array<i64: 2000, 16>}]} {
    %get3A = arith.constant 0 : index
    %get3A_0 = arith.constant 0 : index
    %get3A_1 = arith.constant 0 : index
    %get3A_2 = vector.load %arg3[%get3A, %get3A_0, %get3A_1] : memref<2x2000x128xf32, #tpu.memory_space<vmem>>, vector<1x2000x1xf32>
    %get3A_3 = vector.shape_cast %get3A_2 : vector<1x2000x1xf32> to vector<2000x1xf32>
    %get3A_4 = arith.constant 1 : index
    %get3A_5 = arith.constant 0 : index
    %get3A_6 = arith.constant 0 : index
    %get3A_7 = vector.load %arg3[%get3A_4, %get3A_5, %get3A_6] : memref<2x2000x128xf32, #tpu.memory_space<vmem>>, vector<1x2000x1xf32>
    %get3A_8 = vector.shape_cast %get3A_7 : vector<1x2000x1xf32> to vector<2000x1xf32>
    %add3A = arith.addf %get3A_3, %get3A_8 : vector<2000x1xf32>
    %add3A_9 = arith.constant 1.000000e+00 : f32
    %add3A_10 = vector.broadcast %add3A_9 : f32 to vector<2000x1xf32>
    %add3A_11 = arith.addf %add3A, %add3A_10 : vector<2000x1xf32>
    %rsqrt3A = math.rsqrt %add3A_11 : vector<2000x1xf32>
    %get3A_12 = arith.constant 0 : index
    %get3A_13 = arith.constant 0 : index
    %get3A_14 = vector.load %arg1[%get3A_12, %get3A_13] : memref<2000x128xf32, #tpu.memory_space<vmem>>, vector<2000x128xf32>
    %get3A_15 = arith.constant 0 : index
    %get3A_16 = arith.constant 0 : index
    %get3A_17 = vector.load %arg2[%get3A_15, %get3A_16] : memref<128x128xf32, #tpu.memory_space<vmem>>, vector<128x128xf32>
    %dot_general3A = arith.constant dense<0.000000e+00> : vector<2000x128xf32>
    %dot_general3A_18 = tpu.matmul %get3A_14, %get3A_17, %dot_general3A {dimension_numbers = #tpu.dot_dimension_numbers<[1], [0], [0], [1], [0, 0, 1, 1], [], []>, transpose_lhs_hint = false} : vector<2000x128xf32>, vector<128x128xf32>, vector<2000x128xf32> -> vector<2000x128xf32>
    %mul3A = vector.broadcast %rsqrt3A : vector<2000x1xf32> to vector<2000x128xf32>
    %mul3A_19 = arith.mulf %dot_general3A_18, %mul3A : vector<2000x128xf32>
    %swap3A = arith.constant 0 : index
    %swap3A_20 = arith.constant 0 : index
    %swap3A_21 = vector.load %arg4[%swap3A, %swap3A_20] : memref<2000x128xf32, #tpu.memory_space<vmem>>, vector<2000x128xf32>
    tpu.vector_store %arg4[%swap3A, %swap3A_20], %mul3A_19 {strides = array<i32>} : memref<2000x128xf32, #tpu.memory_space<vmem>>, vector<2000x128xf32>,
    %broadcast_in_dim3A = vector.shape_cast %rsqrt3A : vector<2000x1xf32> to vector<2000x1xf32>
    %broadcast_in_dim3A_22 = vector.broadcast %broadcast_in_dim3A : vector<2000x1xf32> to vector<2000x16xf32>
    %swap3A_23 = arith.constant 0 : index
    %swap3A_24 = arith.constant 0 : index
    %swap3A_25 = vector.load %arg5[%swap3A_23, %swap3A_24] : memref<2000x16xf32, #tpu.memory_space<vmem>>, vector<2000x16xf32>
    tpu.vector_store %arg5[%swap3A_23, %swap3A_24], %broadcast_in_dim3A_22 {strides = array<i32>} : memref<2000x16xf32, #tpu.memory_space<vmem>>, vector<2000x16xf32>,
    return
  }
  func.func @transform_0(%arg0: i32) -> (i32, i32) {
    %c0_i32 = arith.constant 0 : i32
    %c0_i32_0 = arith.constant 0 : i32
    return %arg0, %c0_i32 : i32, i32
  }
  func.func @transform_1(%arg0: i32) -> (i32, i32) {
    %c0_i32 = arith.constant 0 : i32
    %c0_i32_0 = arith.constant 0 : i32
    %c0_i32_1 = arith.constant 0 : i32
    return %c0_i32, %c0_i32_0 : i32, i32
  }
  func.func @transform_2(%arg0: i32) -> (i32, i32, i32) {
    %c0_i32 = arith.constant 0 : i32
    %c0_i32_0 = arith.constant 0 : i32
    %c0_i32_1 = arith.constant 0 : i32
    return %c0_i32, %arg0, %c0_i32_0 : i32, i32, i32
  }
  func.func @transform_3(%arg0: i32) -> (i32, i32) {
    %c0_i32 = arith.constant 0 : i32
    %c0_i32_0 = arith.constant 0 : i32
    return %arg0, %c0_i32 : i32, i32
  }
  func.func @transform_4(%arg0: i32) -> (i32, i32) {
    %c0_i32 = arith.constant 0 : i32
    %c0_i32_0 = arith.constant 0 : i32
    return %arg0, %c0_i32 : i32, i32
  }
}

module attributes {stable_mosaic.version = 14 : i64} {
  func.func @_mid_body(%arg0: i32, %arg1: memref<2x2000x128xf32, #tpu.memory_space<vmem>>, %arg2: memref<2000x128xf32, #tpu.memory_space<vmem>>, %arg3: memref<2000x16xf32, #tpu.memory_space<vmem>>, %arg4: memref<1x128xf32, #tpu.memory_space<vmem>>, %arg5: memref<128x128xf32, #tpu.memory_space<vmem>>, %arg6: memref<2000x128xf32, #tpu.memory_space<vmem>>) attributes {dimension_semantics = [#tpu.dimension_semantics<arbitrary>], iteration_bounds = array<i64: 5>, scalar_prefetch = 0 : i64, scratch_operands = 0 : i64, tpu.core_type = #tpu.core_type<tc>, window_params = [{transform_indices = @transform_0, window_bounds = array<i64: 2, 2000, 128>}, {transform_indices = @transform_1, window_bounds = array<i64: 2000, 128>}, {transform_indices = @transform_2, window_bounds = array<i64: 2000, 16>}, {pipeline_mode = #tpu.pipeline_mode<synchronous>, transform_indices = @transform_3, window_bounds = array<i64: 1, 128>}, {pipeline_mode = #tpu.pipeline_mode<synchronous>, transform_indices = @transform_4, window_bounds = array<i64: 128, 128>}, {transform_indices = @transform_5, window_bounds = array<i64: 2000, 128>}]} {
    %get3A = arith.constant 0 : index
    %get3A_0 = arith.constant 0 : index
    %get3A_1 = vector.load %arg3[%get3A, %get3A_0] : memref<2000x16xf32, #tpu.memory_space<vmem>>, vector<2000x1xf32>
    %get3A_2 = arith.constant 0 : index
    %get3A_3 = arith.constant 0 : index
    %get3A_4 = arith.constant 0 : index
    %get3A_5 = vector.load %arg1[%get3A_2, %get3A_3, %get3A_4] : memref<2x2000x128xf32, #tpu.memory_space<vmem>>, vector<1x2000x128xf32>
    %get3A_6 = vector.shape_cast %get3A_5 : vector<1x2000x128xf32> to vector<2000x128xf32>
    %get3A_7 = arith.constant 1 : index
    %get3A_8 = arith.constant 0 : index
    %get3A_9 = arith.constant 0 : index
    %get3A_10 = vector.load %arg1[%get3A_7, %get3A_8, %get3A_9] : memref<2x2000x128xf32, #tpu.memory_space<vmem>>, vector<1x2000x128xf32>
    %get3A_11 = vector.shape_cast %get3A_10 : vector<1x2000x128xf32> to vector<2000x128xf32>
    %add3A = arith.addf %get3A_6, %get3A_11 : vector<2000x128xf32>
    %get3A_12 = arith.constant 0 : index
    %get3A_13 = arith.constant 0 : index
    %get3A_14 = vector.load %arg2[%get3A_12, %get3A_13] : memref<2000x128xf32, #tpu.memory_space<vmem>>, vector<2000x128xf32>
    %add3A_15 = arith.addf %add3A, %get3A_14 : vector<2000x128xf32>
    %mul3A = vector.broadcast %get3A_1 : vector<2000x1xf32> to vector<2000x128xf32>
    %mul3A_16 = arith.mulf %add3A_15, %mul3A : vector<2000x128xf32>
    %get3A_17 = arith.constant 0 : index
    %get3A_18 = arith.constant 0 : index
    %get3A_19 = vector.load %arg4[%get3A_17, %get3A_18] : memref<1x128xf32, #tpu.memory_space<vmem>>, vector<1x128xf32>
    %add3A_20 = vector.broadcast %get3A_19 : vector<1x128xf32> to vector<2000x128xf32>
    %add3A_21 = arith.addf %mul3A_16, %add3A_20 : vector<2000x128xf32>
    %max3A = arith.constant 0.000000e+00 : f32
    %max3A_22 = vector.broadcast %max3A : f32 to vector<2000x128xf32>
    %max3A_23 = arith.maximumf %add3A_21, %max3A_22 : vector<2000x128xf32>
    %get3A_24 = arith.constant 0 : index
    %get3A_25 = arith.constant 0 : index
    %get3A_26 = vector.load %arg5[%get3A_24, %get3A_25] : memref<128x128xf32, #tpu.memory_space<vmem>>, vector<128x128xf32>
    %dot_general3A = arith.constant dense<0.000000e+00> : vector<2000x128xf32>
    %dot_general3A_27 = tpu.matmul %max3A_23, %get3A_26, %dot_general3A {dimension_numbers = #tpu.dot_dimension_numbers<[1], [0], [0], [1], [0, 0, 1, 1], [], []>, transpose_lhs_hint = false} : vector<2000x128xf32>, vector<128x128xf32>, vector<2000x128xf32> -> vector<2000x128xf32>
    %mul3A_28 = vector.broadcast %get3A_1 : vector<2000x1xf32> to vector<2000x128xf32>
    %mul3A_29 = arith.mulf %dot_general3A_27, %mul3A_28 : vector<2000x128xf32>
    %swap3A = arith.constant 0 : index
    %swap3A_30 = arith.constant 0 : index
    %swap3A_31 = vector.load %arg6[%swap3A, %swap3A_30] : memref<2000x128xf32, #tpu.memory_space<vmem>>, vector<2000x128xf32>
    tpu.vector_store %arg6[%swap3A, %swap3A_30], %mul3A_29 {strides = array<i32>} : memref<2000x128xf32, #tpu.memory_space<vmem>>, vector<2000x128xf32>,
    return
  }
  func.func @transform_0(%arg0: i32) -> (i32, i32, i32) {
    %c0_i32 = arith.constant 0 : i32
    %c0_i32_0 = arith.constant 0 : i32
    %c0_i32_1 = arith.constant 0 : i32
    return %c0_i32, %arg0, %c0_i32_0 : i32, i32, i32
  }
  func.func @transform_1(%arg0: i32) -> (i32, i32) {
    %c0_i32 = arith.constant 0 : i32
    %c0_i32_0 = arith.constant 0 : i32
    return %arg0, %c0_i32 : i32, i32
  }
  func.func @transform_2(%arg0: i32) -> (i32, i32) {
    %c0_i32 = arith.constant 0 : i32
    %c0_i32_0 = arith.constant 0 : i32
    return %arg0, %c0_i32 : i32, i32
  }
  func.func @transform_3(%arg0: i32) -> (i32, i32) {
    %c0_i32 = arith.constant 0 : i32
    %c0_i32_0 = arith.constant 0 : i32
    %c0_i32_1 = arith.constant 0 : i32
    return %c0_i32, %c0_i32_0 : i32, i32
  }
  func.func @transform_4(%arg0: i32) -> (i32, i32) {
    %c0_i32 = arith.constant 0 : i32
    %c0_i32_0 = arith.constant 0 : i32
    %c0_i32_1 = arith.constant 0 : i32
    return %c0_i32, %c0_i32_0 : i32, i32
  }
  func.func @transform_5(%arg0: i32) -> (i32, i32) {
    %c0_i32 = arith.constant 0 : i32
    %c0_i32_0 = arith.constant 0 : i32
    return %arg0, %c0_i32 : i32, i32
  }
}

module attributes {stable_mosaic.version = 14 : i64} {
  func.func @_last_body(%arg0: i32, %arg1: memref<2x2000x128xf32, #tpu.memory_space<vmem>>, %arg2: memref<2000x128xf32, #tpu.memory_space<vmem>>, %arg3: memref<2000x16xf32, #tpu.memory_space<vmem>>, %arg4: memref<1x128xf32, #tpu.memory_space<vmem>>, %arg5: memref<2000x128xf32, #tpu.memory_space<vmem>>) attributes {dimension_semantics = [#tpu.dimension_semantics<arbitrary>], iteration_bounds = array<i64: 5>, scalar_prefetch = 0 : i64, scratch_operands = 0 : i64, tpu.core_type = #tpu.core_type<tc>, window_params = [{transform_indices = @transform_0, window_bounds = array<i64: 2, 2000, 128>}, {transform_indices = @transform_1, window_bounds = array<i64: 2000, 128>}, {transform_indices = @transform_2, window_bounds = array<i64: 2000, 16>}, {pipeline_mode = #tpu.pipeline_mode<synchronous>, transform_indices = @transform_3, window_bounds = array<i64: 1, 128>}, {transform_indices = @transform_4, window_bounds = array<i64: 2000, 128>}]} {
    %get3A = arith.constant 0 : index
    %get3A_0 = arith.constant 0 : index
    %get3A_1 = vector.load %arg3[%get3A, %get3A_0] : memref<2000x16xf32, #tpu.memory_space<vmem>>, vector<2000x1xf32>
    %get3A_2 = arith.constant 0 : index
    %get3A_3 = arith.constant 0 : index
    %get3A_4 = arith.constant 0 : index
    %get3A_5 = vector.load %arg1[%get3A_2, %get3A_3, %get3A_4] : memref<2x2000x128xf32, #tpu.memory_space<vmem>>, vector<1x2000x128xf32>
    %get3A_6 = vector.shape_cast %get3A_5 : vector<1x2000x128xf32> to vector<2000x128xf32>
    %get3A_7 = arith.constant 1 : index
    %get3A_8 = arith.constant 0 : index
    %get3A_9 = arith.constant 0 : index
    %get3A_10 = vector.load %arg1[%get3A_7, %get3A_8, %get3A_9] : memref<2x2000x128xf32, #tpu.memory_space<vmem>>, vector<1x2000x128xf32>
    %get3A_11 = vector.shape_cast %get3A_10 : vector<1x2000x128xf32> to vector<2000x128xf32>
    %add3A = arith.addf %get3A_6, %get3A_11 : vector<2000x128xf32>
    %get3A_12 = arith.constant 0 : index
    %get3A_13 = arith.constant 0 : index
    %get3A_14 = vector.load %arg2[%get3A_12, %get3A_13] : memref<2000x128xf32, #tpu.memory_space<vmem>>, vector<2000x128xf32>
    %add3A_15 = arith.addf %add3A, %get3A_14 : vector<2000x128xf32>
    %mul3A = vector.broadcast %get3A_1 : vector<2000x1xf32> to vector<2000x128xf32>
    %mul3A_16 = arith.mulf %add3A_15, %mul3A : vector<2000x128xf32>
    %get3A_17 = arith.constant 0 : index
    %get3A_18 = arith.constant 0 : index
    %get3A_19 = vector.load %arg4[%get3A_17, %get3A_18] : memref<1x128xf32, #tpu.memory_space<vmem>>, vector<1x128xf32>
    %add3A_20 = vector.broadcast %get3A_19 : vector<1x128xf32> to vector<2000x128xf32>
    %add3A_21 = arith.addf %mul3A_16, %add3A_20 : vector<2000x128xf32>
    %max3A = arith.constant 0.000000e+00 : f32
    %max3A_22 = vector.broadcast %max3A : f32 to vector<2000x128xf32>
    %max3A_23 = arith.maximumf %add3A_21, %max3A_22 : vector<2000x128xf32>
    %swap3A = arith.constant 0 : index
    %swap3A_24 = arith.constant 0 : index
    %swap3A_25 = vector.load %arg5[%swap3A, %swap3A_24] : memref<2000x128xf32, #tpu.memory_space<vmem>>, vector<2000x128xf32>
    tpu.vector_store %arg5[%swap3A, %swap3A_24], %max3A_23 {strides = array<i32>} : memref<2000x128xf32, #tpu.memory_space<vmem>>, vector<2000x128xf32>,
    return
  }
  func.func @transform_0(%arg0: i32) -> (i32, i32, i32) {
    %c0_i32 = arith.constant 0 : i32
    %c0_i32_0 = arith.constant 0 : i32
    %c0_i32_1 = arith.constant 0 : i32
    return %c0_i32, %arg0, %c0_i32_0 : i32, i32, i32
  }
  func.func @transform_1(%arg0: i32) -> (i32, i32) {
    %c0_i32 = arith.constant 0 : i32
    %c0_i32_0 = arith.constant 0 : i32
    return %arg0, %c0_i32 : i32, i32
  }
  func.func @transform_2(%arg0: i32) -> (i32, i32) {
    %c0_i32 = arith.constant 0 : i32
    %c0_i32_0 = arith.constant 0 : i32
    return %arg0, %c0_i32 : i32, i32
  }
  func.func @transform_3(%arg0: i32) -> (i32, i32) {
    %c0_i32 = arith.constant 0 : i32
    %c0_i32_0 = arith.constant 0 : i32
    %c0_i32_1 = arith.constant 0 : i32
    return %c0_i32, %c0_i32_0 : i32, i32
  }
  func.func @transform_4(%arg0: i32) -> (i32, i32) {
    %c0_i32 = arith.constant 0 : i32
    %c0_i32_0 = arith.constant 0 : i32
    return %arg0, %c0_i32 : i32, i32
  }
}

module attributes {stable_mosaic.version = 14 : i64} {
  func.func @_lstm_body(%arg0: memref<100x100x128xf32, #tpu.memory_space<vmem>>, %arg1: memref<128x512xf32, #tpu.memory_space<vmem>>, %arg2: memref<128x512xf32, #tpu.memory_space<vmem>>, %arg3: memref<1x512xf32, #tpu.memory_space<vmem>>, %arg4: memref<128x128xf32, #tpu.memory_space<vmem>>, %arg5: memref<1x128xf32, #tpu.memory_space<vmem>>, %arg6: memref<100x128xf32, #tpu.memory_space<vmem>>) attributes {dimension_semantics = [], scalar_prefetch = 0 : i64, scratch_operands = 0 : i64, tpu.core_type = #tpu.core_type<tc>} {
    %get3A = arith.constant 0 : index
    %get3A_0 = arith.constant 0 : index
    %get3A_1 = vector.load %arg1[%get3A, %get3A_0] : memref<128x512xf32, #tpu.memory_space<vmem>>, vector<128x512xf32>
    %get3A_2 = arith.constant 0 : index
    %get3A_3 = arith.constant 0 : index
    %get3A_4 = vector.load %arg2[%get3A_2, %get3A_3] : memref<128x512xf32, #tpu.memory_space<vmem>>, vector<128x512xf32>
    %get3A_5 = arith.constant 0 : index
    %get3A_6 = arith.constant 0 : index
    %get3A_7 = vector.load %arg3[%get3A_5, %get3A_6] : memref<1x512xf32, #tpu.memory_space<vmem>>, vector<1x512xf32>
    %broadcast_in_dim3A = arith.constant 0.000000e+00 : f32
    %broadcast_in_dim3A_8 = vector.broadcast %broadcast_in_dim3A : f32 to vector<100x128xf32>
    %broadcast_in_dim3A_9 = arith.constant 0.000000e+00 : f32
    %broadcast_in_dim3A_10 = vector.broadcast %broadcast_in_dim3A_9 : f32 to vector<100x128xf32>
    %scan3A = arith.constant 0 : i32
    %scan3A_11 = arith.constant 100 : i32
    %scan3A_12 = arith.addi %scan3A, %scan3A_11 : i32
    %scan3A_13 = arith.constant 1 : i32
    %scan3A_14:2 = scf.for %scan3A_26 = %scan3A to %scan3A_12 step %scan3A_13 iter_args(%scan3A_27 = %broadcast_in_dim3A_8, %scan3A_28 = %broadcast_in_dim3A_10) -> (vector<100x128xf32>, vector<100x128xf32>)  : i32 {
      %get3A_29 = arith.constant 0 : index
      %get3A_30 = arith.index_cast %scan3A_26 : i32 to index
      %get3A_31 = arith.constant 0 : index
      %get3A_32 = vector.load %arg0[%get3A_29, %get3A_30, %get3A_31] : memref<100x100x128xf32, #tpu.memory_space<vmem>>, vector<100x1x128xf32>
      %get3A_33 = vector.shape_cast %get3A_32 : vector<100x1x128xf32> to vector<100x128xf32>
      %dot_general3A_34 = arith.constant dense<0.000000e+00> : vector<100x512xf32>
      %dot_general3A_35 = tpu.matmul %get3A_33, %get3A_1, %dot_general3A_34 {dimension_numbers = #tpu.dot_dimension_numbers<[1], [0], [0], [1], [0, 0, 1, 1], [], []>, transpose_lhs_hint = false} : vector<100x128xf32>, vector<128x512xf32>, vector<100x512xf32> -> vector<100x512xf32>
      %add3A_36 = vector.broadcast %get3A_7 : vector<1x512xf32> to vector<100x512xf32>
      %add3A_37 = arith.addf %dot_general3A_35, %add3A_36 : vector<100x512xf32>
      %dot_general3A_38 = arith.constant dense<0.000000e+00> : vector<100x512xf32>
      %dot_general3A_39 = tpu.matmul %scan3A_27, %get3A_4, %dot_general3A_38 {dimension_numbers = #tpu.dot_dimension_numbers<[1], [0], [0], [1], [0, 0, 1, 1], [], []>, transpose_lhs_hint = false} : vector<100x128xf32>, vector<128x512xf32>, vector<100x512xf32> -> vector<100x512xf32>
      %add3A_40 = arith.addf %add3A_37, %dot_general3A_39 : vector<100x512xf32>
      %slice3A = vector.extract_strided_slice %add3A_40 {offsets = [0, 0], sizes = [100, 128], strides = [1, 1]} : vector<100x512xf32> to vector<100x128xf32>
      %logistic3A = arith.negf %slice3A : vector<100x128xf32>
      %logistic3A_41 = math.exp %logistic3A : vector<100x128xf32>
      %logistic3A_42 = arith.constant 1.000000e+00 : f32
      %logistic3A_43 = vector.broadcast %logistic3A_42 : f32 to vector<100x128xf32>
      %logistic3A_44 = arith.addf %logistic3A_43, %logistic3A_41 : vector<100x128xf32>
      %logistic3A_45 = arith.divf %logistic3A_43, %logistic3A_44 : vector<100x128xf32>
      %slice3A_46 = vector.extract_strided_slice %add3A_40 {offsets = [0, 128], sizes = [100, 128], strides = [1, 1]} : vector<100x512xf32> to vector<100x128xf32>
      %logistic3A_47 = arith.negf %slice3A_46 : vector<100x128xf32>
      %logistic3A_48 = math.exp %logistic3A_47 : vector<100x128xf32>
      %logistic3A_49 = arith.constant 1.000000e+00 : f32
      %logistic3A_50 = vector.broadcast %logistic3A_49 : f32 to vector<100x128xf32>
      %logistic3A_51 = arith.addf %logistic3A_50, %logistic3A_48 : vector<100x128xf32>
      %logistic3A_52 = arith.divf %logistic3A_50, %logistic3A_51 : vector<100x128xf32>
      %slice3A_53 = vector.extract_strided_slice %add3A_40 {offsets = [0, 256], sizes = [100, 128], strides = [1, 1]} : vector<100x512xf32> to vector<100x128xf32>
      %tanh3A = math.tanh %slice3A_53 : vector<100x128xf32>
      %slice3A_54 = vector.extract_strided_slice %add3A_40 {offsets = [0, 384], sizes = [100, 128], strides = [1, 1]} : vector<100x512xf32> to vector<100x128xf32>
      %logistic3A_55 = arith.negf %slice3A_54 : vector<100x128xf32>
      %logistic3A_56 = math.exp %logistic3A_55 : vector<100x128xf32>
      %logistic3A_57 = arith.constant 1.000000e+00 : f32
      %logistic3A_58 = vector.broadcast %logistic3A_57 : f32 to vector<100x128xf32>
      %logistic3A_59 = arith.addf %logistic3A_58, %logistic3A_56 : vector<100x128xf32>
      %logistic3A_60 = arith.divf %logistic3A_58, %logistic3A_59 : vector<100x128xf32>
      %mul3A = arith.mulf %logistic3A_52, %scan3A_28 : vector<100x128xf32>
      %mul3A_61 = arith.mulf %logistic3A_45, %tanh3A : vector<100x128xf32>
      %add3A_62 = arith.addf %mul3A, %mul3A_61 : vector<100x128xf32>
      %tanh3A_63 = math.tanh %add3A_62 : vector<100x128xf32>
      %mul3A_64 = arith.mulf %logistic3A_60, %tanh3A_63 : vector<100x128xf32>
      scf.yield %mul3A_64, %add3A_62 : vector<100x128xf32>, vector<100x128xf32>
    }
    %scan3A_15 = arith.constant 100 : i32
    %get3A_16 = arith.constant 0 : index
    %get3A_17 = arith.constant 0 : index
    %get3A_18 = vector.load %arg4[%get3A_16, %get3A_17] : memref<128x128xf32, #tpu.memory_space<vmem>>, vector<128x128xf32>
    %dot_general3A = arith.constant dense<0.000000e+00> : vector<100x128xf32>
    %dot_general3A_19 = tpu.matmul %scan3A_14#0, %get3A_18, %dot_general3A {dimension_numbers = #tpu.dot_dimension_numbers<[1], [0], [0], [1], [0, 0, 1, 1], [], []>, transpose_lhs_hint = false} : vector<100x128xf32>, vector<128x128xf32>, vector<100x128xf32> -> vector<100x128xf32>
    %get3A_20 = arith.constant 0 : index
    %get3A_21 = arith.constant 0 : index
    %get3A_22 = vector.load %arg5[%get3A_20, %get3A_21] : memref<1x128xf32, #tpu.memory_space<vmem>>, vector<1x128xf32>
    %add3A = vector.broadcast %get3A_22 : vector<1x128xf32> to vector<100x128xf32>
    %add3A_23 = arith.addf %dot_general3A_19, %add3A : vector<100x128xf32>
    %swap3A = arith.constant 0 : index
    %swap3A_24 = arith.constant 0 : index
    %swap3A_25 = vector.load %arg6[%swap3A, %swap3A_24] : memref<100x128xf32, #tpu.memory_space<vmem>>, vector<100x128xf32>
    tpu.vector_store %arg6[%swap3A, %swap3A_24], %add3A_23 {strides = array<i32>} : memref<100x128xf32, #tpu.memory_space<vmem>>, vector<100x128xf32>,
    return
  }
}

</mosaic_0001>

<sc_bundles>
// kernel: kernel.12.cloned.1.call-start
scs
__scs_entry_jumppad:
0x0: {  	(pc) =	sbr.rel $0x88, $3  }
0x1: {  	(tag) =	ssettag $0x0;
	lr =	simm.s32 $0x1  }
0x2: {  	[smem:$0x3F95] =	sst lr;
	_ =	strace $0xD0000000  }
0x3: {  	_ = 	snop  }
0x4: {  	_ = 	snop  }
0x5: {  	_ = 	snop  }
0x6: {  	_ = 	snop  }
0x7: {  	_ = 	snop  }
__scs_overlays_trampoline_lowered:
0x8: {  	[smem:$0x3FA4] =	sst s0  }
0x9: {  	[smem:$0x3FA5] =	sst s1  }
0xa: {  	[smem:$0x3FA6] =	sst s2  }
0xb: {  	[smem:$0x3FA7] =	sst s3  }
0xc: {  	[smem:$0x3FA8] =	sst s4  }
0xd: {  	[smem:$0x3FA9] =	sst s5  }
0xe: {  	[smem:$0x3FAA] =	sst s6  }
0xf: {  	[smem:$0x3FAB] =	sst s7  }
0x10: {  	[smem:$0x3FAC] =	sst s8  }
0x11: {  	[smem:$0x3FAD] =	sst s9;
	s0 =	simm.s32 @!p0 $0x0  }
0x12: {  	s1 =	sld [smem:$0x3F93];
	s0 =	simm.s32 @p0 $0x1  }
0x13: {  	[smem:$0x3FAE] =	sst s0;
	s0 =	simm.s32 @!p1 $0x0  }
0x14: {  	s2 =	sld [smem:$0x3F92];
	s0 =	simm.s32 @p1 $0x1  }
0x15: {  	[smem:$0x3FAF] =	sst s0;
	s0 =	simm.s32 @!p2 $0x0  }
0x16: {  	s3 =	sld [smem:$0x3FDB];
	s0 =	simm.s32 @p2 $0x1  }
0x17: {  	s4 =	simm.s32 $0x1BF5;
	[smem:$0x3FB1] =	sst s0  }
0x18: {  	s0 =	sld [smem:$0x3F94];
	_ =	swait.ge [sflag:s4], $0x0  }
0x19: {  	s7 =	sld [smem:$0x3F95]  }
0x1a: {  	s8 =	sadd.s32 $0xFFFFE003, lr  }
0x1b: {  	s9 =	sadd.s32 $0xFFFFFEF7, lr;
	s5 =	simm.s32 $0xFFFFFFFF;
	p2 =	slt.u32 s8, $0xFFFFF086  }
0x1c: {  	p1 =	slt.u32 s9, $0xF7A;
	s5 =	simm.s32 @!p2 $0x0  }
0x1d: {  	s5 =	simm.s32 @p1 $0x1;
	p0 =	seq.s32 s7, s2  }
0x1e: {  	s7 =	smul.u32 @!p0 $0xF7A, s2;
	p2 =	seq.s32 @!p0 s5, $0x0  }
0x1f: {  	s9 =	smul.u32 $0xF7A, s1;
	s8 =	simm.s32 @!p0 $0x1BF5;
	p2 =	por !p2, p0  }
0x20: {  	[sflag:s8] =	ssyncset.s32 @!p0 $0xFFFFF086;
	s6 =	sadd.s32 @!p0 s3, s7;
	s7 =	simm.s32 @!p0 $0x108  }
0x21: {  	s3 =	sadd.s32 s3, s9;
	s6 =	sadd.s32 @!p0 $0x88, s6;
	s7 =	simm.s32 @p2 $0x1082  }
0x22: {  	[simem:s7], [sflag:s8] =	dma.local @!p0 [hbm:s6], $0xF7A  }
0x23: {  	s9 =	sor.u32 $0xD0000000, s2;
	s6 =	simm.s32 $0x108;
	_ =	swait.ge @!p0 [sflag:s8], $0x0  }
0x24: {  	s3 =	sadd.s32 $0x88, s3;
	s6 =	simm.s32 @!p1 $0x1082;
	[sflag:s4] =	ssyncset.s32 $0xFFFFF086  }
0x25: {  	[simem:s6], [sflag:s4] =	dma.local [hbm:s3], $0xF7A  }
0x26: {  	[smem:$0x3F95] =	sst s1;
	(tag) =	ssettag s2;
	_ =	strace s9  }
0x27: {  	s1 =	sld [smem:$0x3FA5]  }
0x28: {  	s2 =	sld [smem:$0x3FA6]  }
0x29: {  	s4 =	sld [smem:$0x3FA8]  }
0x2a: {  	p0 =	seq.s32 s5, $0x0;
	s5 =	sld [smem:$0x3FA9]  }
0x2b: {  	s6 =	sld [smem:$0x3FAA]  }
0x2c: {  	s7 =	sld [smem:$0x3FAB]  }
0x2d: {  	s3 =	simm.s32 $0x108;
	s8 =	sld [smem:$0x3FAC]  }
0x2e: {  	s3 =	simm.s32 @!p0 $0x1082;
	s9 =	sld [smem:$0x3FAD]  }
0x2f: {  	lr =	sadd.s32 s0, s3;
	s0 =	sld [smem:$0x3FA4]  }
0x30: {  	s3 =	sld [smem:$0x3FA7]  }
0x31: {  	[smem:$0x3FB0] =	sst s10  }
0x32: {  	s10 =	sld [smem:$0x3FAE];
	_ =	sdelay $0x3  }
0x33: {  	p0 =	seq.s32 s10, $0x1;
	s10 =	sld [smem:$0x3FB0];
	_ =	sdelay $0x3  }
0x34: {  	[smem:$0x3FB0] =	sst s10  }
0x35: {  	s10 =	sld [smem:$0x3FAF];
	_ =	sdelay $0x3  }
0x36: {  	p1 =	seq.s32 s10, $0x1;
	s10 =	sld [smem:$0x3FB0];
	_ =	sdelay $0x3  }
0x37: {  	[smem:$0x3FB0] =	sst s10  }
0x38: {  	s10 =	sld [smem:$0x3FB1]  }
0x39: {  	_ = 	snop;
	(pc) =	sbr.ind lr, $3  }
0x3a: {  	_ = 	snop  }
0x3b: {  	_ = 	snop  }
0x3c: {  	p2 =	seq.s32 s10, $0x1;
	s10 =	sld [smem:$0x3FB0]  }
0x3d: {  	_ =	shalt  }
0x3e: {  	_ =	shalt  }
0x3f: {  	_ =	shalt  }
0x40: {  	_ =	shalt  }
0x41: {  	_ =	shalt  }
0x42: {  	_ =	shalt  }
0x43: {  	_ =	shalt  }
0x44: {  	_ =	shalt  }
0x45: {  	_ =	shalt  }
0x46: {  	_ =	shalt  }
0x47: {  	_ =	shalt  }
0x48: {  	_ =	shalt  }
0x49: {  	_ =	shalt  }
0x4a: {  	_ =	shalt  }
0x4b: {  	_ =	shalt  }
0x4c: {  	_ =	shalt  }
0x4d: {  	_ =	shalt  }
0x4e: {  	_ =	shalt  }
0x4f: {  	_ =	shalt  }
0x50: {  	_ =	shalt  }
0x51: {  	_ =	shalt  }
0x52: {  	_ =	shalt  }
0x53: {  	_ =	shalt  }
0x54: {  	_ =	shalt  }
0x55: {  	_ =	shalt  }
0x56: {  	_ =	shalt  }
0x57: {  	_ =	shalt  }
0x58: {  	_ =	shalt  }
0x59: {  	_ =	shalt  }
0x5a: {  	_ =	shalt  }
0x5b: {  	_ =	shalt  }
0x5c: {  	_ =	shalt  }
0x5d: {  	_ =	shalt  }
0x5e: {  	_ =	shalt  }
0x5f: {  	_ =	shalt  }
0x60: {  	_ =	shalt  }
0x61: {  	_ =	shalt  }
0x62: {  	_ =	shalt  }
0x63: {  	_ =	shalt  }
0x64: {  	_ =	shalt  }
0x65: {  	_ =	shalt  }
0x66: {  	_ =	shalt  }
0x67: {  	_ =	shalt  }
0x68: {  	_ =	shalt  }
0x69: {  	_ =	shalt  }
0x6a: {  	_ =	shalt  }
0x6b: {  	_ =	shalt  }
0x6c: {  	_ =	shalt  }
0x6d: {  	_ =	shalt  }
0x6e: {  	_ =	shalt  }
0x6f: {  	_ =	shalt  }
0x70: {  	_ =	shalt  }
0x71: {  	_ =	shalt  }
0x72: {  	_ =	shalt  }
0x73: {  	_ =	shalt  }
0x74: {  	_ =	shalt  }
0x75: {  	_ =	shalt  }
0x76: {  	_ =	shalt  }
0x77: {  	_ =	shalt  }
0x78: {  	_ =	shalt  }
0x79: {  	_ =	shalt  }
0x7a: {  	_ =	shalt  }
0x7b: {  	_ =	shalt  }
0x7c: {  	_ =	shalt  }
0x7d: {  	_ =	shalt  }
0x7e: {  	_ =	shalt  }
0x7f: {  	_ =	shalt  }
0x80: {  	_ =	shalt  }
0x81: {  	_ =	shalt  }
0x82: {  	_ =	shalt  }
0x83: {  	_ =	shalt  }
0x84: {  	_ =	shalt  }
0x85: {  	_ =	shalt  }
0x86: {  	_ =	shalt  }
0x87: {  	_ =	shalt  }
.Lfunc_end0:
.L_simem_size_0:
called_computation.1_lowered:
.L_overlay_start_0:
0x88: {  	s2 =	sld [smem:$0x3FD9]  }
0x89: {  	s3 =	sld [smem:$0x3FFE];
	_ =	sdelay $0x1  }
0x8a: {  	s1 =	srdreg.scid  }
0x8b: {  	s0 =	sand.u32 $0x1, s1  }
0x8c: {  	s16 =	sshll.u32 s0, $0xA;
	s2 =	sadd.s32 s3, s2  }
0x8d: {  	s2 =	sadd.s32 s2, s16  }
0x8e: {  	[smem:$0x3FBC] =	sst s2  }
0x8f: {  	_ = 	snop  }
0x90: {  	(tm) =	ssettm $0x1  }
0x91: {  	s17 =	sld [smem:$0x3FFB];
	_ =	sdelay $0x3  }
0x92: {  	_ =	strace s17  }
0x93: {  	s2 =	sld [smem:$0x3FFC];
	_ =	sdelay $0x3  }
0x94: {  	_ =	strace s2  }
0x95: {  	s2 =	sld [smem:$0x3FFD];
	_ =	sdelay $0x3  }
0x96: {  	_ =	strace s2  }
0x97: {  	_ =	strace $0x8FFFFFFF  }
0x98: {  	s18 =	sld [smem:$0x3FDB];
	_ =	sdelay $0x1  }
0x99: {  	s19 =	simm.s32 $_scs_section_size  }
0x9a: {  	s4 =	simm.s32 $_size__tile_overlayer_lowered;
	s5 =	simm.s32 $_tile_overlayer_lowered  }
0x9b: {  	s22 =	simm.s32 $0x1BFF;
	s21 =	sshll.u32 s5, $0x1;
	s2 =	sadd.s32 s19, s18  }
0x9c: {  	s6 =	simm.s32 $0x0;
	s20 =	sshll.u32 s4, $0x1;
	s4 =	sadd.s32 s21, s2  }
0x9d: {  	[timem:s6], [sflag:s22] =	dma.local [hbm:s4], s20  }
0x9e: {  	_ =	swait.ge [sflag:s22], s20  }
0x9f: {  	s3 =	ssub.s32 $0x0, s20;
	[sflag:s22] =	ssyncset.done $0x0  }
0xa0: {  	[sflag:s22] =	ssyncadd.s32 s3;
	_ =	sdelay $0x1  }
0xa1: {  	s23 =	simm.s32 $0x1B8B  }
0xa2: {  	_ =	swait.ge [sflag:s23], $0x1  }
0xa3: {  	[sflag:s23] =	ssyncset.done $0x0  }
0xa4: {  	s25 =	simm.s32 $0x1B8E;
	s24 =	sld [smem:$0x3FFE];
	[sflag:s23] =	ssyncadd.s32 $0xFFFFFFFF  }
0xa5: {  	s26 =	simm.s32 $execute0_lowered;
	[smem:$0x3FD2] =	sst s25  }
0xa6: {  	s4 =	sshll.u32 s26, $0x1;
	_ =	strace $0x80000049;
	[dreg:$0x1] =	wrdreg $0xFFFFFFFF  }
0xa7: {  	s28 =	simm.s32 $_size_execute0_lowered;
	s2 =	sadd.s32 s2, s4;
	[dreg:$0x0] =	wrdreg $0x0  }
0xa8: {  	s4 =	sshll.u32 s28, $0x1;
	[dreg:$0x2] =	wrdreg s2  }
0xa9: {  	[dreg:$0x3] =	wrdreg s4  }
0xaa: {  	[dreg:$0x4] =	wrdreg $0xC0  }
0xab: {  	_ =	task [dreg:s6], $0x5FFFF  }
0xac: {  	[dreg:$0x1] =	wrdreg $0xFFFFFFFF  }
0xad: {  	[dreg:$0x0] =	wrdreg $0x60  }
0xae: {  	[dreg:$0x2] =	wrdreg s24  }
0xaf: {  	[dreg:$0x3] =	wrdreg $0xA8000  }
0xb0: {  	[dreg:$0x4] =	wrdreg $0x9  }
0xb1: {  	_ =	task.clear_ibuf [dreg:s6], $0x5FFFF;
	_ =	strace $0x90000049  }
0xb2: {  	s29 =	simm.s32 $0x9;
	_ =	strace $0x8000004B  }
0xb3: {  	_ =	swait.ge [sflag:s29], $0x1  }
0xb4: {  	[sflag:s29] =	ssyncadd.s32 $0xFFFFFFFF  }
0xb5: {  	_ =	strace $0x9000004B  }
0xb6: {  	_ =	sfence  }
0xb7: {  	s30 =	sld [smem:$0x0];
	_ =	sdelay $0x2  }
0xb8: {  	s31 =	sshll.u32 s1, $0xD;
	s1 =	sshrl.u32 s1, $0x2  }
0xb9: {  	s3 =	sand.u32 $0x4000, s31;
	s1 =	sadd.s32 s1, s30  }
0xba: {  	s0 =	sor.u32 s3, s0;
	s1 =	sshll.u32 s1, $0x11  }
0xbb: {  	s0 =	sor.u32 s1, s0  }
0xbc: {  	s0 =	sadd.s32 $0x8F2B, s0  }
0xbd: {  	[sflag:s0] =	ssyncadd.remote.s32 $0x1  }
0xbe: {  	_ =	sfence.sel $0xFFFF  }
0xbf: {  	[dreg:$0x0] =	wrdreg $0xFFFFFFFF;
	(pc) =	sbr.abs _section_cstart, $3  }
0xc0: {  	[dreg:$0x1] =	wrdreg $0xFFFFFFFF  }
0xc1: {  	_ =	task.clear_ibuf [dreg:s6], $0x2FFFF;
	_ =	strace $0x9FFFFFFF  }
0xc2: {  	(tm) =	ssettm $0x7FFFFFFF  }
0xc3: {  	_ =	shalt  }
tec
execute0_lowered:
.L_overlay_start_1:
0x0: {  	(tag) =	ssettag $0x1  }
0x1: {  	s5 =	rddreg [dreg:$0x0]  }
0x2: {  	s1 =	rddreg [dreg:$0x1];
	s2 =	srdreg.scid  }
0x3: {  	s0 =	rddreg [dreg:$0x2];
	s3 =	simm.s32 $0x0;
	s17 =	simm.s32 $0x3  }
0x4: {  	s18 =	simm.s32 $0x1400;
	s19 =	simm.s32 $0x80;
	s20 =	simm.s32 $0x6800  }
0x5: {  	s21 =	simm.s32 $0x1;
	s22 =	simm.s32 $0x2;
	s6 =	sand.u32 $0x1, s2  }
0x6: {  	s23 =	simm.s32 $0x1380;
	s2 =	stileid.u32;
	s7 =	smul.u32 $0x140000, s6  }
0x7: {  	s24 =	simm.s32 $0x2700;
	s25 =	simm.s32 $0x2780;
	s8 =	smul.u32 $0x14000, s2  }
0x8: {  	[smem:$0x7FF] =	sst s3;
	s4 =	sadd.s32 $0x17200, s5;
	s30 =	smul.u32 $0x50000, s2  }
0x9: {  	s12 =	sadd.s32 $0xD200, s5;
	s13 =	sadd.s32 $0x3200, s5;
	s9 =	smul.u32 $0x500, s6  }
0xa: {  	_ =	strace $0x8000004A;
	s6 =	ssub.s32 $0x2, s6;
	s10 =	smul.u32 $0x50, s2  }
0xb: {  	s31 =	sshrl.u32 s6, $0x1;
	s7 =	sadd.s32 s8, s7;
	s8 =	sshrl.u32 s30, $0x2  }
0xc: {  	s15 =	ssub.s32 s6, s31;
	s9 =	sadd.s32 s10, s9;
	s7 =	sshrl.u32 s7, $0x3  }
0xd: {  	s11 =	sshll.u32 s9, $0x4;
	s15 =	smax.u32 s15, $0x1;
	s14 =	sadd.s32 s7, s5  }
0xe: {  	s5 =	sadd.s32 s8, s1;
	s10 =	sadd.s32 s12, s11;
	s16 =	sadd.s32 $0x280, s11  }
0xf: {  	s11 =	sadd.s32 s13, s11;
	s6 =	sadd.s32 $0x4000, s5;
	s7 =	sadd.s32 $0x8000, s5  }
0x10: {  	s8 =	sadd.s32 $0xC000, s5;
	s9 =	sadd.s32 $0x10000, s5;
	s12 =	sadd.s32 s12, s16  }
0x11: {  	v0 =	vimm.f32 $0.0e+00;
	s13 =	sadd.s32 s13, s16;
	s14 =	sadd.s32 $0x3E400, s14;
	s16 =	simm.s32 $0x2800  }
.LBB2_1:
0x12: {  	s26 =	simm.s32 $0x0;
	s28 =	simm.s32 $0x200  }
.LBB2_2:
0x13: {  	p0 =	sne.s32 s28, $0xFE00;
	[tilespmem:s26+$0x2870] =	vst v0  }
0x14: {  	[tilespmem:s26+$0x2800] =	vst v0  }
0x15: {  	[tilespmem:s26+$0x2810] =	vst v0  }
.Ltmp0:
0x16: {  	[tilespmem:s26+$0x2820] =	vst v0;
	(pc) =	sbr.rel @p0 .LBB2_2-.Ltmp0, $4  }
0x17: {  	[tilespmem:s26+$0x2830] =	vst v0  }
0x18: {  	[tilespmem:s26+$0x2840] =	vst v0  }
0x19: {  	[tilespmem:s26+$0x2850] =	vst v0  }
0x1a: {  	[tilespmem:s26+$0x2860] =	vst v0;
	s26 =	sshra.s32 s28, $0x2;
	s28 =	sadd.s32 $0x200, s28  }
0x1b: {  	[tilespmem:s26+$0x2870] =	vst v0  }
0x1c: {  	[tilespmem:s26+$0x2800] =	vst v0  }
0x1d: {  	[tilespmem:s26+$0x2810] =	vst v0  }
0x1e: {  	[tilespmem:s26+$0x2820] =	vst v0  }
0x1f: {  	[tilespmem:s26+$0x2830] =	vst v0  }
0x20: {  	[tilespmem:s26+$0x2840] =	vst v0  }
0x21: {  	[tilespmem:s26+$0x2850] =	vst v0  }
0x22: {  	[tilespmem:s26+$0x2860] =	vst v0  }
0x23: {  	[spmem:s5] =	stream.linear.scatter [tilespmem:s16], [sflag:$0x3], $0x4000, $0x38;
	[tilespmem:$0x1E800] =	vst v63  }
0x24: {  	_ =	swait.ge [sflag:s17], $0x4000  }
0x25: {  	[sflag:s17] =	ssyncset.done $0x0  }
0x26: {  	[sflag:s17] =	ssyncadd.s32 $0xFFFFC000  }
0x27: {  	[spmem:s6] =	stream.linear.scatter [tilespmem:s16], [sflag:$0x3], $0x4000, $0x38;
	[tilespmem:$0x1E800] =	vst v63  }
0x28: {  	_ =	swait.ge [sflag:s17], $0x4000  }
0x29: {  	[sflag:s17] =	ssyncset.done $0x0  }
0x2a: {  	[sflag:s17] =	ssyncadd.s32 $0xFFFFC000  }
0x2b: {  	[spmem:s7] =	stream.linear.scatter [tilespmem:s16], [sflag:$0x3], $0x4000, $0x38;
	[tilespmem:$0x1E800] =	vst v63  }
0x2c: {  	_ =	swait.ge [sflag:s17], $0x4000  }
0x2d: {  	[sflag:s17] =	ssyncset.done $0x0  }
0x2e: {  	[sflag:s17] =	ssyncadd.s32 $0xFFFFC000  }
0x2f: {  	[spmem:s8] =	stream.linear.scatter [tilespmem:s16], [sflag:$0x3], $0x4000, $0x38;
	[tilespmem:$0x1E800] =	vst v63  }
0x30: {  	_ =	swait.ge [sflag:s17], $0x4000  }
0x31: {  	[sflag:s17] =	ssyncset.done $0x0  }
0x32: {  	[sflag:s17] =	ssyncadd.s32 $0xFFFFC000  }
0x33: {  	[spmem:s9] =	stream.linear.scatter [tilespmem:s16], [sflag:$0x3], $0x4000, $0x38;
	[tilespmem:$0x1E800] =	vst v63  }
0x34: {  	_ =	swait.ge [sflag:s17], $0x4000  }
0x35: {  	[sflag:s17] =	ssyncset.done $0x0  }
0x36: {  	[sflag:s17] =	ssyncadd.s32 $0xFFFFC000  }
0x37: {  	s30 =	simm.s32 $0x0;
	[bflag:$0x0] =	sbarrier.arrive $0xFFFF  }
0x38: {  	[tilespmem:s30], [sflag:$0x3] =	stream.linear.gather [hbm4b:s10+s30], $0x1400, $0x38;
	[tilespmem:$0x1E800] =	vst v63  }
0x39: {  	_ =	swait.ge [sflag:s17], $0x1400  }
0x3a: {  	[sflag:s17] =	ssyncset.done $0x0  }
0x3b: {  	[sflag:s17] =	ssyncadd.s32 $0xFFFFEC00  }
0x3c: {  	[tilespmem:s18], [sflag:$0x3] =	stream.linear.gather [hbm4b:s11+s30], $0x1400, $0x38;
	[tilespmem:$0x1E800] =	vst v63  }
0x3d: {  	_ =	swait.ge [sflag:s17], $0x1400  }
0x3e: {  	[sflag:s17] =	ssyncset.done $0x0  }
0x3f: {  	[sflag:s17] =	ssyncadd.s32 $0xFFFFEC00  }
0x40: {  	[tilespmem:s16], [sflag:$0x1] =	stream.indirect.gather [hbm4b:s4+s19], $0x80, s30, s19, $0xb8;
	[tilespmem:$0x1E800] =	vst v63  }
0x41: {  	s31 =	simm.s32 $0x80  }
0x42: {  	[tilespmem:s20], [sflag:$0x2] =	stream.indirect.gather [hbm4b:s4+s19], $0x80, s31, s19, $0xb8;
	[tilespmem:$0x1E800] =	vst v63  }
0x43: {  	_ =	swait.ge [sflag:s21], $0x4000  }
0x44: {  	[sflag:s21] =	ssyncset.done $0x0  }
0x45: {  	s29 =	simm.s32 $0x1400;
	[sflag:s21] =	ssyncadd.s32 $0xFFFFC000  }
0x46: {  	[spmem:s1] =	stream.indirect.scatter.add.f32 [tilespmem:s16], [sflag:$0x3], $0x80, s29, s19, $0xb8;
	[tilespmem:$0x1E800] =	vst v63  }
0x47: {  	_ =	swait.ge [sflag:s17], $0x4000  }
0x48: {  	[sflag:s17] =	ssyncset.done $0x0  }
0x49: {  	s30 =	simm.s32 $0x100;
	[sflag:s17] =	ssyncadd.s32 $0xFFFFC000  }
0x4a: {  	[tilespmem:s16], [sflag:$0x1] =	stream.indirect.gather [hbm4b:s4+s19], $0x80, s30, s19, $0xb8;
	[tilespmem:$0x1E800] =	vst v63  }
0x4b: {  	_ =	swait.ge [sflag:s22], $0x4000  }
0x4c: {  	[sflag:s22] =	ssyncset.done $0x0  }
0x4d: {  	s31 =	simm.s32 $0x1480;
	[sflag:s22] =	ssyncadd.s32 $0xFFFFC000  }
0x4e: {  	[spmem:s1] =	stream.indirect.scatter.add.f32 [tilespmem:s20], [sflag:$0x3], $0x80, s31, s19, $0xb8;
	[tilespmem:$0x1E800] =	vst v63  }
0x4f: {  	_ =	swait.ge [sflag:s17], $0x4000  }
0x50: {  	s28 =	simm.s32 $0x800;
	s26 =	simm.s32 $0x100;
	[sflag:s17] =	ssyncset.done $0x0  }
.LBB2_4:
0x51: {  	s29 =	sadd.s32 $0x80, s26  }
0x52: {  	[sflag:s17] =	ssyncadd.s32 $0xFFFFC000;
	s30 =	smov.u32 s28;
	s31 =	sadd.s32 $0x400, s28  }
0x53: {  	[tilespmem:s20], [sflag:$0x2] =	stream.indirect.gather [hbm4b:s4+s19], $0x80, s29, s19, $0xb8;
	[tilespmem:$0x1E800] =	vst v63  }
0x54: {  	p0 =	sne.s32 s28, $0x4800;
	_ =	swait.ge [sflag:s21], $0x4000  }
0x55: {  	[sflag:s21] =	ssyncset.done $0x0  }
0x56: {  	s28 =	sadd.s32 $0x1400, s26;
	[sflag:s21] =	ssyncadd.s32 $0xFFFFC000  }
0x57: {  	[spmem:s1] =	stream.indirect.scatter.add.f32 [tilespmem:s16], [sflag:$0x3], $0x80, s28, s19, $0xb8;
	[tilespmem:$0x1E800] =	vst v63  }
0x58: {  	_ =	swait.ge [sflag:s17], $0x4000  }
0x59: {  	[sflag:s17] =	ssyncset.done $0x0  }
0x5a: {  	s28 =	sadd.s32 $0x100, s26;
	[sflag:s17] =	ssyncadd.s32 $0xFFFFC000  }
0x5b: {  	[tilespmem:s16], [sflag:$0x1] =	stream.indirect.gather [hbm4b:s4+s19], $0x80, s28, s19, $0xb8;
	[tilespmem:$0x1E800] =	vst v63  }
0x5c: {  	_ =	swait.ge [sflag:s22], $0x4000  }
.Ltmp1:
0x5d: {  	[sflag:s22] =	ssyncset.done $0x0;
	(pc) =	sbr.rel @p0 .LBB2_4-.Ltmp1, $4  }
0x5e: {  	s26 =	sadd.s32 $0x1480, s26;
	[sflag:s22] =	ssyncadd.s32 $0xFFFFC000  }
0x5f: {  	[spmem:s1] =	stream.indirect.scatter.add.f32 [tilespmem:s20], [sflag:$0x3], $0x80, s26, s19, $0xb8;
	[tilespmem:$0x1E800] =	vst v63  }
0x60: {  	_ =	swait.ge [sflag:s17], $0x4000  }
0x61: {  	s28 =	smov.u32 s31;
	s26 =	sshra.s32 s30, $0x2;
	[sflag:s17] =	ssyncset.done $0x0  }
0x62: {  	s28 =	sadd.s32 $0x80, s26;
	[sflag:s17] =	ssyncadd.s32 $0xFFFFC000  }
0x63: {  	[tilespmem:s20], [sflag:$0x2] =	stream.indirect.gather [hbm4b:s4+s19], $0x80, s28, s19, $0xb8;
	[tilespmem:$0x1E800] =	vst v63  }
0x64: {  	_ =	swait.ge [sflag:s21], $0x4000  }
0x65: {  	[sflag:s21] =	ssyncset.done $0x0  }
0x66: {  	s28 =	sadd.s32 $0x1400, s26;
	[sflag:s21] =	ssyncadd.s32 $0xFFFFC000  }
0x67: {  	[spmem:s1] =	stream.indirect.scatter.add.f32 [tilespmem:s16], [sflag:$0x3], $0x80, s28, s19, $0xb8;
	[tilespmem:$0x1E800] =	vst v63  }
0x68: {  	_ =	swait.ge [sflag:s17], $0x4000  }
0x69: {  	[sflag:s17] =	ssyncset.done $0x0  }
0x6a: {  	s28 =	sadd.s32 $0x100, s26;
	[sflag:s17] =	ssyncadd.s32 $0xFFFFC000  }
0x6b: {  	[tilespmem:s16], [sflag:$0x1] =	stream.indirect.gather [hbm4b:s4+s19], $0x80, s28, s19, $0xb8;
	[tilespmem:$0x1E800] =	vst v63  }
0x6c: {  	_ =	swait.ge [sflag:s22], $0x4000  }
0x6d: {  	[sflag:s22] =	ssyncset.done $0x0  }
0x6e: {  	s29 =	sadd.s32 $0x1480, s26;
	[sflag:s22] =	ssyncadd.s32 $0xFFFFC000  }
0x6f: {  	[spmem:s1] =	stream.indirect.scatter.add.f32 [tilespmem:s20], [sflag:$0x3], $0x80, s29, s19, $0xb8;
	[tilespmem:$0x1E800] =	vst v63  }
0x70: {  	_ =	swait.ge [sflag:s17], $0x4000  }
0x71: {  	[sflag:s17] =	ssyncset.done $0x0  }
0x72: {  	[sflag:s17] =	ssyncadd.s32 $0xFFFFC000  }
0x73: {  	[tilespmem:s20], [sflag:$0x2] =	stream.indirect.gather [hbm4b:s4+s19], $0x80, s23, s19, $0xb8;
	[tilespmem:$0x1E800] =	vst v63  }
0x74: {  	_ =	swait.ge [sflag:s21], $0x4000  }
0x75: {  	[sflag:s21] =	ssyncset.done $0x0  }
0x76: {  	[sflag:s21] =	ssyncadd.s32 $0xFFFFC000  }
0x77: {  	[spmem:s1] =	stream.indirect.scatter.add.f32 [tilespmem:s16], [sflag:$0x3], $0x80, s24, s19, $0xb8;
	[tilespmem:$0x1E800] =	vst v63  }
0x78: {  	_ =	swait.ge [sflag:s17], $0x4000  }
0x79: {  	[sflag:s17] =	ssyncset.done $0x0  }
0x7a: {  	[sflag:s17] =	ssyncadd.s32 $0xFFFFC000  }
0x7b: {  	_ =	swait.ge [sflag:s22], $0x4000  }
0x7c: {  	[sflag:s22] =	ssyncset.done $0x0  }
0x7d: {  	[sflag:s22] =	ssyncadd.s32 $0xFFFFC000  }
0x7e: {  	[spmem:s1] =	stream.indirect.scatter.add.f32 [tilespmem:s20], [sflag:$0x3], $0x80, s25, s19, $0xb8;
	[tilespmem:$0x1E800] =	vst v63  }
0x7f: {  	_ =	swait.ge [sflag:s17], $0x4000  }
0x80: {  	[sflag:s17] =	ssyncset.done $0x0  }
0x81: {  	s30 =	simm.s32 $0x0;
	[sflag:s17] =	ssyncadd.s32 $0xFFFFC000  }
0x82: {  	[tilespmem:s30], [sflag:$0x3] =	stream.linear.gather [hbm4b:s12+s30], $0x1400, $0x38;
	[tilespmem:$0x1E800] =	vst v63  }
0x83: {  	_ =	swait.ge [sflag:s17], $0x1400  }
0x84: {  	[sflag:s17] =	ssyncset.done $0x0  }
0x85: {  	[sflag:s17] =	ssyncadd.s32 $0xFFFFEC00  }
0x86: {  	[tilespmem:s18], [sflag:$0x3] =	stream.linear.gather [hbm4b:s13+s30], $0x1400, $0x38;
	[tilespmem:$0x1E800] =	vst v63  }
0x87: {  	_ =	swait.ge [sflag:s17], $0x1400  }
0x88: {  	[sflag:s17] =	ssyncset.done $0x0  }
0x89: {  	[sflag:s17] =	ssyncadd.s32 $0xFFFFEC00  }
0x8a: {  	[tilespmem:s16], [sflag:$0x1] =	stream.indirect.gather [hbm4b:s4+s19], $0x80, s30, s19, $0xb8;
	[tilespmem:$0x1E800] =	vst v63  }
0x8b: {  	s31 =	simm.s32 $0x80  }
0x8c: {  	[tilespmem:s20], [sflag:$0x2] =	stream.indirect.gather [hbm4b:s4+s19], $0x80, s31, s19, $0xb8;
	[tilespmem:$0x1E800] =	vst v63  }
0x8d: {  	_ =	swait.ge [sflag:s21], $0x4000  }
0x8e: {  	[sflag:s21] =	ssyncset.done $0x0  }
0x8f: {  	s29 =	simm.s32 $0x1400;
	[sflag:s21] =	ssyncadd.s32 $0xFFFFC000  }
0x90: {  	[spmem:s1] =	stream.indirect.scatter.add.f32 [tilespmem:s16], [sflag:$0x3], $0x80, s29, s19, $0xb8;
	[tilespmem:$0x1E800] =	vst v63  }
0x91: {  	_ =	swait.ge [sflag:s17], $0x4000  }
0x92: {  	[sflag:s17] =	ssyncset.done $0x0  }
0x93: {  	s30 =	simm.s32 $0x100;
	[sflag:s17] =	ssyncadd.s32 $0xFFFFC000  }
0x94: {  	[tilespmem:s16], [sflag:$0x1] =	stream.indirect.gather [hbm4b:s4+s19], $0x80, s30, s19, $0xb8;
	[tilespmem:$0x1E800] =	vst v63  }
0x95: {  	_ =	swait.ge [sflag:s22], $0x4000  }
0x96: {  	[sflag:s22] =	ssyncset.done $0x0  }
0x97: {  	s31 =	simm.s32 $0x1480;
	[sflag:s22] =	ssyncadd.s32 $0xFFFFC000  }
0x98: {  	[spmem:s1] =	stream.indirect.scatter.add.f32 [tilespmem:s20], [sflag:$0x3], $0x80, s31, s19, $0xb8;
	[tilespmem:$0x1E800] =	vst v63  }
0x99: {  	_ =	swait.ge [sflag:s17], $0x4000  }
0x9a: {  	s26 =	simm.s32 $0x100;
	s28 =	simm.s32 $0x800;
	[sflag:s17] =	ssyncset.done $0x0  }
.LBB2_6:
0x9b: {  	s29 =	sadd.s32 $0x80, s26  }
0x9c: {  	[sflag:s17] =	ssyncadd.s32 $0xFFFFC000;
	s30 =	smov.u32 s28;
	s31 =	sadd.s32 $0x400, s28  }
0x9d: {  	[tilespmem:s20], [sflag:$0x2] =	stream.indirect.gather [hbm4b:s4+s19], $0x80, s29, s19, $0xb8;
	[tilespmem:$0x1E800] =	vst v63  }
0x9e: {  	p0 =	sne.s32 s28, $0x4800;
	_ =	swait.ge [sflag:s21], $0x4000  }
0x9f: {  	[sflag:s21] =	ssyncset.done $0x0  }
0xa0: {  	s28 =	sadd.s32 $0x1400, s26;
	[sflag:s21] =	ssyncadd.s32 $0xFFFFC000  }
0xa1: {  	[spmem:s1] =	stream.indirect.scatter.add.f32 [tilespmem:s16], [sflag:$0x3], $0x80, s28, s19, $0xb8;
	[tilespmem:$0x1E800] =	vst v63  }
0xa2: {  	_ =	swait.ge [sflag:s17], $0x4000  }
0xa3: {  	[sflag:s17] =	ssyncset.done $0x0  }
0xa4: {  	s28 =	sadd.s32 $0x100, s26;
	[sflag:s17] =	ssyncadd.s32 $0xFFFFC000  }
0xa5: {  	[tilespmem:s16], [sflag:$0x1] =	stream.indirect.gather [hbm4b:s4+s19], $0x80, s28, s19, $0xb8;
	[tilespmem:$0x1E800] =	vst v63  }
0xa6: {  	_ =	swait.ge [sflag:s22], $0x4000  }
.Ltmp2:
0xa7: {  	[sflag:s22] =	ssyncset.done $0x0;
	(pc) =	sbr.rel @p0 .LBB2_6-.Ltmp2, $4  }
0xa8: {  	s26 =	sadd.s32 $0x1480, s26;
	[sflag:s22] =	ssyncadd.s32 $0xFFFFC000  }
0xa9: {  	[spmem:s1] =	stream.indirect.scatter.add.f32 [tilespmem:s20], [sflag:$0x3], $0x80, s26, s19, $0xb8;
	[tilespmem:$0x1E800] =	vst v63  }
0xaa: {  	_ =	swait.ge [sflag:s17], $0x4000  }
0xab: {  	s28 =	smov.u32 s31;
	s26 =	sshra.s32 s30, $0x2;
	[sflag:s17] =	ssyncset.done $0x0  }
0xac: {  	s28 =	sadd.s32 $0x80, s26;
	[sflag:s17] =	ssyncadd.s32 $0xFFFFC000  }
0xad: {  	[tilespmem:s20], [sflag:$0x2] =	stream.indirect.gather [hbm4b:s4+s19], $0x80, s28, s19, $0xb8;
	[tilespmem:$0x1E800] =	vst v63  }
0xae: {  	_ =	swait.ge [sflag:s21], $0x4000  }
0xaf: {  	[sflag:s21] =	ssyncset.done $0x0  }
0xb0: {  	s30 =	sadd.s32 $0x1400, s26;
	[sflag:s21] =	ssyncadd.s32 $0xFFFFC000  }
0xb1: {  	[spmem:s1] =	stream.indirect.scatter.add.f32 [tilespmem:s16], [sflag:$0x3], $0x80, s30, s19, $0xb8;
	[tilespmem:$0x1E800] =	vst v63  }
0xb2: {  	_ =	swait.ge [sflag:s17], $0x4000  }
0xb3: {  	[sflag:s17] =	ssyncset.done $0x0  }
0xb4: {  	s31 =	sadd.s32 $0x100, s26;
	[sflag:s17] =	ssyncadd.s32 $0xFFFFC000  }
0xb5: {  	[tilespmem:s16], [sflag:$0x1] =	stream.indirect.gather [hbm4b:s4+s19], $0x80, s31, s19, $0xb8;
	[tilespmem:$0x1E800] =	vst v63  }
0xb6: {  	_ =	swait.ge [sflag:s22], $0x4000  }
0xb7: {  	[sflag:s22] =	ssyncset.done $0x0  }
0xb8: {  	s29 =	sadd.s32 $0x1480, s26;
	[sflag:s22] =	ssyncadd.s32 $0xFFFFC000  }
0xb9: {  	[spmem:s1] =	stream.indirect.scatter.add.f32 [tilespmem:s20], [sflag:$0x3], $0x80, s29, s19, $0xb8;
	[tilespmem:$0x1E800] =	vst v63  }
0xba: {  	_ =	swait.ge [sflag:s17], $0x4000  }
0xbb: {  	[sflag:s17] =	ssyncset.done $0x0  }
0xbc: {  	[sflag:s17] =	ssyncadd.s32 $0xFFFFC000  }
0xbd: {  	[tilespmem:s20], [sflag:$0x2] =	stream.indirect.gather [hbm4b:s4+s19], $0x80, s23, s19, $0xb8;
	[tilespmem:$0x1E800] =	vst v63  }
0xbe: {  	_ =	swait.ge [sflag:s21], $0x4000  }
0xbf: {  	[sflag:s21] =	ssyncset.done $0x0  }
0xc0: {  	[sflag:s21] =	ssyncadd.s32 $0xFFFFC000  }
0xc1: {  	[spmem:s1] =	stream.indirect.scatter.add.f32 [tilespmem:s16], [sflag:$0x3], $0x80, s24, s19, $0xb8;
	[tilespmem:$0x1E800] =	vst v63  }
0xc2: {  	_ =	swait.ge [sflag:s17], $0x4000  }
0xc3: {  	[sflag:s17] =	ssyncset.done $0x0  }
0xc4: {  	[sflag:s17] =	ssyncadd.s32 $0xFFFFC000  }
0xc5: {  	_ =	swait.ge [sflag:s22], $0x4000  }
0xc6: {  	[sflag:s22] =	ssyncset.done $0x0  }
0xc7: {  	[sflag:s22] =	ssyncadd.s32 $0xFFFFC000  }
0xc8: {  	[spmem:s1] =	stream.indirect.scatter.add.f32 [tilespmem:s20], [sflag:$0x3], $0x80, s25, s19, $0xb8;
	[tilespmem:$0x1E800] =	vst v63  }
0xc9: {  	_ =	swait.ge [sflag:s17], $0x4000  }
0xca: {  	s3 =	sadd.s32 $0x1, s3;
	s30 =	sshll.u32 s2, $0x6;
	[sflag:s17] =	ssyncset.done $0x0  }
0xcb: {  	p0 =	sne.s32 s3, s15;
	s26 =	sor.u32 $0x1C03, s30;
	[sflag:s17] =	ssyncadd.s32 $0xFFFFC000  }
.Ltmp3:
0xcc: {  	s31 =	sshrl.u32 s5, $0x3;
	[bflag:$0x0] =	sbarrier.arrive $0xFFFF;
	(pc) =	sbr.rel @p0 .LBB2_1-.Ltmp3, $4  }
0xcd: {  	[hbm:s14], [sflag:s26] =	dma.local [spmem:s31], $0x2800  }
0xce: {  	_ =	swait.ge [sflag:s17], $0x2800  }
0xcf: {  	[sflag:s17] =	ssyncset.done $0x0  }
0xd0: {  	[sflag:s17] =	ssyncadd.s32 $0xFFFFD800  }
0xd1: {  	_ =	sfence.sel $0x180000  }
0xd2: {  	[bflag:$0x0] =	sbarrier.arrive $0xFFFF  }
0xd3: {  	p0 =	sne.s32 s2, $0x0;
	_ =	strace $0x9000004A  }
0xd4: {  	s0 =	sadd.s32 @!p0 $0x100000, s0;
	[bflag:$0x2] =	sbarrier.arrive $0xFFFF  }
0xd5: {  	[sflag:s0] =	ssyncadd.tile.s32 @!p0 $0x1;
	_ =	shalt  }
.Lfunc_end2:
_tile_overlayer_lowered:
.L_overlay_start_2:
0xd6: {  	(tag) =	ssettag $0x2  }
0xd7: {  	s0 =	rddreg [dreg:$0x0];
	s2 =	stileid.u32  }
0xd8: {  	s1 =	rddreg [dreg:$0x1];
	p0 =	sne.s32 s2, $0x0  }
0xd9: {  	s3 =	rddreg [dreg:$0x2];
	[bflag:$0x3] =	sbarrier.arrive $0xFFFF;
	s2 =	simm.s32 @!p0 $0x1C03  }
0xda: {  	[timem:s3], [sflag:s2] =	dma.local @!p0 [hbm:s0], s1  }
0xdb: {  	s0 =	simm.s32 @!p0 $0x3  }
0xdc: {  	_ =	swait.ge @!p0 [sflag:s0], s1  }
0xdd: {  	s1 =	ssub.s32 @!p0 $0x0, s1;
	[sflag:s0] =	ssyncset.done @!p0 $0x0  }
0xde: {  	[sflag:s0] =	ssyncadd.s32 @!p0 s1  }
0xdf: {  	[bflag:$0x3] =	sbarrier.arrive $0xFFFF  }
0xe0: {  	_ =	shalt  }

// kernel: kernel.15.cloned.1.call-start
scs
__scs_entry_jumppad:
0x0: {  	(pc) =	sbr.rel $0x88, $3  }
0x1: {  	(tag) =	ssettag $0x0;
	lr =	simm.s32 $0x1  }
0x2: {  	[smem:$0x3F95] =	sst lr;
	_ =	strace $0xD0000000  }
0x3: {  	_ = 	snop  }
0x4: {  	_ = 	snop  }
0x5: {  	_ = 	snop  }
0x6: {  	_ = 	snop  }
0x7: {  	_ = 	snop  }
__scs_overlays_trampoline_lowered:
0x8: {  	[smem:$0x3FA4] =	sst s0  }
0x9: {  	[smem:$0x3FA5] =	sst s1  }
0xa: {  	[smem:$0x3FA6] =	sst s2  }
0xb: {  	[smem:$0x3FA7] =	sst s3  }
0xc: {  	[smem:$0x3FA8] =	sst s4  }
0xd: {  	[smem:$0x3FA9] =	sst s5  }
0xe: {  	[smem:$0x3FAA] =	sst s6  }
0xf: {  	[smem:$0x3FAB] =	sst s7  }
0x10: {  	[smem:$0x3FAC] =	sst s8  }
0x11: {  	[smem:$0x3FAD] =	sst s9;
	s0 =	simm.s32 @!p0 $0x0  }
0x12: {  	s1 =	sld [smem:$0x3F93];
	s0 =	simm.s32 @p0 $0x1  }
0x13: {  	[smem:$0x3FAE] =	sst s0;
	s0 =	simm.s32 @!p1 $0x0  }
0x14: {  	s2 =	sld [smem:$0x3F92];
	s0 =	simm.s32 @p1 $0x1  }
0x15: {  	[smem:$0x3FAF] =	sst s0;
	s0 =	simm.s32 @!p2 $0x0  }
0x16: {  	s3 =	sld [smem:$0x3FDB];
	s0 =	simm.s32 @p2 $0x1  }
0x17: {  	s4 =	simm.s32 $0x1BF5;
	[smem:$0x3FB1] =	sst s0  }
0x18: {  	s0 =	sld [smem:$0x3F94];
	_ =	swait.ge [sflag:s4], $0x0  }
0x19: {  	s7 =	sld [smem:$0x3F95]  }
0x1a: {  	s8 =	sadd.s32 $0xFFFFE003, lr  }
0x1b: {  	s9 =	sadd.s32 $0xFFFFFEF7, lr;
	s5 =	simm.s32 $0xFFFFFFFF;
	p2 =	slt.u32 s8, $0xFFFFF086  }
0x1c: {  	p1 =	slt.u32 s9, $0xF7A;
	s5 =	simm.s32 @!p2 $0x0  }
0x1d: {  	s5 =	simm.s32 @p1 $0x1;
	p0 =	seq.s32 s7, s2  }
0x1e: {  	s7 =	smul.u32 @!p0 $0xF7A, s2;
	p2 =	seq.s32 @!p0 s5, $0x0  }
0x1f: {  	s9 =	smul.u32 $0xF7A, s1;
	s8 =	simm.s32 @!p0 $0x1BF5;
	p2 =	por !p2, p0  }
0x20: {  	[sflag:s8] =	ssyncset.s32 @!p0 $0xFFFFF086;
	s6 =	sadd.s32 @!p0 s3, s7;
	s7 =	simm.s32 @!p0 $0x108  }
0x21: {  	s3 =	sadd.s32 s3, s9;
	s6 =	sadd.s32 @!p0 $0x88, s6;
	s7 =	simm.s32 @p2 $0x1082  }
0x22: {  	[simem:s7], [sflag:s8] =	dma.local @!p0 [hbm:s6], $0xF7A  }
0x23: {  	s9 =	sor.u32 $0xD0000000, s2;
	s6 =	simm.s32 $0x108;
	_ =	swait.ge @!p0 [sflag:s8], $0x0  }
0x24: {  	s3 =	sadd.s32 $0x88, s3;
	s6 =	simm.s32 @!p1 $0x1082;
	[sflag:s4] =	ssyncset.s32 $0xFFFFF086  }
0x25: {  	[simem:s6], [sflag:s4] =	dma.local [hbm:s3], $0xF7A  }
0x26: {  	[smem:$0x3F95] =	sst s1;
	(tag) =	ssettag s2;
	_ =	strace s9  }
0x27: {  	s1 =	sld [smem:$0x3FA5]  }
0x28: {  	s2 =	sld [smem:$0x3FA6]  }
0x29: {  	s4 =	sld [smem:$0x3FA8]  }
0x2a: {  	p0 =	seq.s32 s5, $0x0;
	s5 =	sld [smem:$0x3FA9]  }
0x2b: {  	s6 =	sld [smem:$0x3FAA]  }
0x2c: {  	s7 =	sld [smem:$0x3FAB]  }
0x2d: {  	s3 =	simm.s32 $0x108;
	s8 =	sld [smem:$0x3FAC]  }
0x2e: {  	s3 =	simm.s32 @!p0 $0x1082;
	s9 =	sld [smem:$0x3FAD]  }
0x2f: {  	lr =	sadd.s32 s0, s3;
	s0 =	sld [smem:$0x3FA4]  }
0x30: {  	s3 =	sld [smem:$0x3FA7]  }
0x31: {  	[smem:$0x3FB0] =	sst s10  }
0x32: {  	s10 =	sld [smem:$0x3FAE];
	_ =	sdelay $0x3  }
0x33: {  	p0 =	seq.s32 s10, $0x1;
	s10 =	sld [smem:$0x3FB0];
	_ =	sdelay $0x3  }
0x34: {  	[smem:$0x3FB0] =	sst s10  }
0x35: {  	s10 =	sld [smem:$0x3FAF];
	_ =	sdelay $0x3  }
0x36: {  	p1 =	seq.s32 s10, $0x1;
	s10 =	sld [smem:$0x3FB0];
	_ =	sdelay $0x3  }
0x37: {  	[smem:$0x3FB0] =	sst s10  }
0x38: {  	s10 =	sld [smem:$0x3FB1]  }
0x39: {  	_ = 	snop;
	(pc) =	sbr.ind lr, $3  }
0x3a: {  	_ = 	snop  }
0x3b: {  	_ = 	snop  }
0x3c: {  	p2 =	seq.s32 s10, $0x1;
	s10 =	sld [smem:$0x3FB0]  }
0x3d: {  	_ =	shalt  }
0x3e: {  	_ =	shalt  }
0x3f: {  	_ =	shalt  }
0x40: {  	_ =	shalt  }
0x41: {  	_ =	shalt  }
0x42: {  	_ =	shalt  }
0x43: {  	_ =	shalt  }
0x44: {  	_ =	shalt  }
0x45: {  	_ =	shalt  }
0x46: {  	_ =	shalt  }
0x47: {  	_ =	shalt  }
0x48: {  	_ =	shalt  }
0x49: {  	_ =	shalt  }
0x4a: {  	_ =	shalt  }
0x4b: {  	_ =	shalt  }
0x4c: {  	_ =	shalt  }
0x4d: {  	_ =	shalt  }
0x4e: {  	_ =	shalt  }
0x4f: {  	_ =	shalt  }
0x50: {  	_ =	shalt  }
0x51: {  	_ =	shalt  }
0x52: {  	_ =	shalt  }
0x53: {  	_ =	shalt  }
0x54: {  	_ =	shalt  }
0x55: {  	_ =	shalt  }
0x56: {  	_ =	shalt  }
0x57: {  	_ =	shalt  }
0x58: {  	_ =	shalt  }
0x59: {  	_ =	shalt  }
0x5a: {  	_ =	shalt  }
0x5b: {  	_ =	shalt  }
0x5c: {  	_ =	shalt  }
0x5d: {  	_ =	shalt  }
0x5e: {  	_ =	shalt  }
0x5f: {  	_ =	shalt  }
0x60: {  	_ =	shalt  }
0x61: {  	_ =	shalt  }
0x62: {  	_ =	shalt  }
0x63: {  	_ =	shalt  }
0x64: {  	_ =	shalt  }
0x65: {  	_ =	shalt  }
0x66: {  	_ =	shalt  }
0x67: {  	_ =	shalt  }
0x68: {  	_ =	shalt  }
0x69: {  	_ =	shalt  }
0x6a: {  	_ =	shalt  }
0x6b: {  	_ =	shalt  }
0x6c: {  	_ =	shalt  }
0x6d: {  	_ =	shalt  }
0x6e: {  	_ =	shalt  }
0x6f: {  	_ =	shalt  }
0x70: {  	_ =	shalt  }
0x71: {  	_ =	shalt  }
0x72: {  	_ =	shalt  }
0x73: {  	_ =	shalt  }
0x74: {  	_ =	shalt  }
0x75: {  	_ =	shalt  }
0x76: {  	_ =	shalt  }
0x77: {  	_ =	shalt  }
0x78: {  	_ =	shalt  }
0x79: {  	_ =	shalt  }
0x7a: {  	_ =	shalt  }
0x7b: {  	_ =	shalt  }
0x7c: {  	_ =	shalt  }
0x7d: {  	_ =	shalt  }
0x7e: {  	_ =	shalt  }
0x7f: {  	_ =	shalt  }
0x80: {  	_ =	shalt  }
0x81: {  	_ =	shalt  }
0x82: {  	_ =	shalt  }
0x83: {  	_ =	shalt  }
0x84: {  	_ =	shalt  }
0x85: {  	_ =	shalt  }
0x86: {  	_ =	shalt  }
0x87: {  	_ =	shalt  }
.Lfunc_end0:
.L_simem_size_0:
called_computation.2_lowered:
.L_overlay_start_0:
0x88: {  	s2 =	sld [smem:$0x3FD9]  }
0x89: {  	s3 =	sld [smem:$0x3FFE];
	_ =	sdelay $0x1  }
0x8a: {  	s1 =	srdreg.scid  }
0x8b: {  	s0 =	sand.u32 $0x1, s1  }
0x8c: {  	s16 =	sshll.u32 s0, $0xA;
	s2 =	sadd.s32 s3, s2  }
0x8d: {  	s2 =	sadd.s32 s2, s16  }
0x8e: {  	[smem:$0x3FBC] =	sst s2  }
0x8f: {  	_ = 	snop  }
0x90: {  	(tm) =	ssettm $0x1  }
0x91: {  	s17 =	sld [smem:$0x3FFB];
	_ =	sdelay $0x3  }
0x92: {  	_ =	strace s17  }
0x93: {  	s2 =	sld [smem:$0x3FFC];
	_ =	sdelay $0x3  }
0x94: {  	_ =	strace s2  }
0x95: {  	s2 =	sld [smem:$0x3FFD];
	_ =	sdelay $0x3  }
0x96: {  	_ =	strace s2  }
0x97: {  	_ =	strace $0x8FFFFFFF  }
0x98: {  	s18 =	sld [smem:$0x3FDB];
	_ =	sdelay $0x1  }
0x99: {  	s19 =	simm.s32 $_scs_section_size  }
0x9a: {  	s4 =	simm.s32 $_size__tile_overlayer_lowered;
	s5 =	simm.s32 $_tile_overlayer_lowered  }
0x9b: {  	s22 =	simm.s32 $0x1BFF;
	s21 =	sshll.u32 s5, $0x1;
	s2 =	sadd.s32 s19, s18  }
0x9c: {  	s6 =	simm.s32 $0x0;
	s20 =	sshll.u32 s4, $0x1;
	s4 =	sadd.s32 s21, s2  }
0x9d: {  	[timem:s6], [sflag:s22] =	dma.local [hbm:s4], s20  }
0x9e: {  	_ =	swait.ge [sflag:s22], s20  }
0x9f: {  	s3 =	ssub.s32 $0x0, s20;
	[sflag:s22] =	ssyncset.done $0x0  }
0xa0: {  	[sflag:s22] =	ssyncadd.s32 s3;
	_ =	sdelay $0x1  }
0xa1: {  	s23 =	simm.s32 $0x1B8B  }
0xa2: {  	_ =	swait.ge [sflag:s23], $0x1  }
0xa3: {  	[sflag:s23] =	ssyncset.done $0x0  }
0xa4: {  	s25 =	simm.s32 $0x1B8E;
	s24 =	sld [smem:$0x3FFE];
	[sflag:s23] =	ssyncadd.s32 $0xFFFFFFFF  }
0xa5: {  	s26 =	simm.s32 $execute0_lowered;
	[smem:$0x3FD2] =	sst s25  }
0xa6: {  	s4 =	sshll.u32 s26, $0x1;
	_ =	strace $0x8000004C;
	[dreg:$0x1] =	wrdreg $0xFFFFFFFF  }
0xa7: {  	s28 =	simm.s32 $_size_execute0_lowered;
	s2 =	sadd.s32 s2, s4;
	[dreg:$0x0] =	wrdreg $0x0  }
0xa8: {  	s4 =	sshll.u32 s28, $0x1;
	[dreg:$0x2] =	wrdreg s2  }
0xa9: {  	[dreg:$0x3] =	wrdreg s4  }
0xaa: {  	[dreg:$0x4] =	wrdreg $0xC0  }
0xab: {  	_ =	task [dreg:s6], $0x5FFFF  }
0xac: {  	[dreg:$0x1] =	wrdreg $0xFFFFFFFF  }
0xad: {  	[dreg:$0x0] =	wrdreg $0x60  }
0xae: {  	[dreg:$0x2] =	wrdreg s24  }
0xaf: {  	[dreg:$0x3] =	wrdreg $0xA8000  }
0xb0: {  	[dreg:$0x4] =	wrdreg $0x9  }
0xb1: {  	_ =	task.clear_ibuf [dreg:s6], $0x5FFFF;
	_ =	strace $0x9000004C  }
0xb2: {  	s29 =	simm.s32 $0x9;
	_ =	strace $0x8000004E  }
0xb3: {  	_ =	swait.ge [sflag:s29], $0x1  }
0xb4: {  	[sflag:s29] =	ssyncadd.s32 $0xFFFFFFFF  }
0xb5: {  	_ =	strace $0x9000004E  }
0xb6: {  	_ =	sfence  }
0xb7: {  	s30 =	sld [smem:$0x0];
	_ =	sdelay $0x2  }
0xb8: {  	s31 =	sshll.u32 s1, $0xD;
	s1 =	sshrl.u32 s1, $0x2  }
0xb9: {  	s3 =	sand.u32 $0x4000, s31;
	s1 =	sadd.s32 s1, s30  }
0xba: {  	s0 =	sor.u32 s3, s0;
	s1 =	sshll.u32 s1, $0x11  }
0xbb: {  	s0 =	sor.u32 s1, s0  }
0xbc: {  	s0 =	sadd.s32 $0x8F2B, s0  }
0xbd: {  	[sflag:s0] =	ssyncadd.remote.s32 $0x1  }
0xbe: {  	_ =	sfence.sel $0xFFFF  }
0xbf: {  	[dreg:$0x0] =	wrdreg $0xFFFFFFFF;
	(pc) =	sbr.abs _section_cstart, $3  }
0xc0: {  	[dreg:$0x1] =	wrdreg $0xFFFFFFFF  }
0xc1: {  	_ =	task.clear_ibuf [dreg:s6], $0x2FFFF;
	_ =	strace $0x9FFFFFFF  }
0xc2: {  	(tm) =	ssettm $0x7FFFFFFF  }
0xc3: {  	_ =	shalt  }
tec
execute0_lowered:
.L_overlay_start_1:
0x0: {  	(tag) =	ssettag $0x1  }
0x1: {  	s5 =	rddreg [dreg:$0x0]  }
0x2: {  	s1 =	rddreg [dreg:$0x1];
	s2 =	srdreg.scid  }
0x3: {  	s0 =	rddreg [dreg:$0x2];
	s3 =	simm.s32 $0x0;
	s17 =	simm.s32 $0x3  }
0x4: {  	s18 =	simm.s32 $0x1400;
	s19 =	simm.s32 $0x80;
	s20 =	simm.s32 $0x6800  }
0x5: {  	s21 =	simm.s32 $0x1;
	s22 =	simm.s32 $0x2;
	s6 =	sand.u32 $0x1, s2  }
0x6: {  	s23 =	simm.s32 $0x1380;
	s2 =	stileid.u32;
	s7 =	smul.u32 $0x140000, s6  }
0x7: {  	s24 =	simm.s32 $0x2700;
	s25 =	simm.s32 $0x2780;
	s8 =	smul.u32 $0x14000, s2  }
0x8: {  	[smem:$0x7FF] =	sst s3;
	s4 =	sadd.s32 $0x17200, s5;
	s30 =	smul.u32 $0x50000, s2  }
0x9: {  	s12 =	sadd.s32 $0xD200, s5;
	s13 =	sadd.s32 $0x3200, s5;
	s9 =	smul.u32 $0x500, s6  }
0xa: {  	_ =	strace $0x8000004D;
	s6 =	ssub.s32 $0x2, s6;
	s10 =	smul.u32 $0x50, s2  }
0xb: {  	s31 =	sshrl.u32 s6, $0x1;
	s7 =	sadd.s32 s8, s7;
	s8 =	sshrl.u32 s30, $0x2  }
0xc: {  	s15 =	ssub.s32 s6, s31;
	s9 =	sadd.s32 s10, s9;
	s7 =	sshrl.u32 s7, $0x3  }
0xd: {  	s11 =	sshll.u32 s9, $0x4;
	s15 =	smax.u32 s15, $0x1;
	s14 =	sadd.s32 s7, s5  }
0xe: {  	s5 =	sadd.s32 s8, s1;
	s10 =	sadd.s32 s12, s11;
	s16 =	sadd.s32 $0x280, s11  }
0xf: {  	s11 =	sadd.s32 s13, s11;
	s6 =	sadd.s32 $0x4000, s5;
	s7 =	sadd.s32 $0x8000, s5  }
0x10: {  	s8 =	sadd.s32 $0xC000, s5;
	s9 =	sadd.s32 $0x10000, s5;
	s12 =	sadd.s32 s12, s16  }
0x11: {  	v0 =	vimm.f32 $0.0e+00;
	s13 =	sadd.s32 s13, s16;
	s14 =	sadd.s32 $0x3E400, s14;
	s16 =	simm.s32 $0x2800  }
.LBB2_1:
0x12: {  	s26 =	simm.s32 $0x0;
	s28 =	simm.s32 $0x200  }
.LBB2_2:
0x13: {  	p0 =	sne.s32 s28, $0xFE00;
	[tilespmem:s26+$0x2870] =	vst v0  }
0x14: {  	[tilespmem:s26+$0x2800] =	vst v0  }
0x15: {  	[tilespmem:s26+$0x2810] =	vst v0  }
.Ltmp0:
0x16: {  	[tilespmem:s26+$0x2820] =	vst v0;
	(pc) =	sbr.rel @p0 .LBB2_2-.Ltmp0, $4  }
0x17: {  	[tilespmem:s26+$0x2830] =	vst v0  }
0x18: {  	[tilespmem:s26+$0x2840] =	vst v0  }
0x19: {  	[tilespmem:s26+$0x2850] =	vst v0  }
0x1a: {  	[tilespmem:s26+$0x2860] =	vst v0;
	s26 =	sshra.s32 s28, $0x2;
	s28 =	sadd.s32 $0x200, s28  }
0x1b: {  	[tilespmem:s26+$0x2870] =	vst v0  }
0x1c: {  	[tilespmem:s26+$0x2800] =	vst v0  }
0x1d: {  	[tilespmem:s26+$0x2810] =	vst v0  }
0x1e: {  	[tilespmem:s26+$0x2820] =	vst v0  }
0x1f: {  	[tilespmem:s26+$0x2830] =	vst v0  }
0x20: {  	[tilespmem:s26+$0x2840] =	vst v0  }
0x21: {  	[tilespmem:s26+$0x2850] =	vst v0  }
0x22: {  	[tilespmem:s26+$0x2860] =	vst v0  }
0x23: {  	[spmem:s5] =	stream.linear.scatter [tilespmem:s16], [sflag:$0x3], $0x4000, $0x38;
	[tilespmem:$0x1E800] =	vst v63  }
0x24: {  	_ =	swait.ge [sflag:s17], $0x4000  }
0x25: {  	[sflag:s17] =	ssyncset.done $0x0  }
0x26: {  	[sflag:s17] =	ssyncadd.s32 $0xFFFFC000  }
0x27: {  	[spmem:s6] =	stream.linear.scatter [tilespmem:s16], [sflag:$0x3], $0x4000, $0x38;
	[tilespmem:$0x1E800] =	vst v63  }
0x28: {  	_ =	swait.ge [sflag:s17], $0x4000  }
0x29: {  	[sflag:s17] =	ssyncset.done $0x0  }
0x2a: {  	[sflag:s17] =	ssyncadd.s32 $0xFFFFC000  }
0x2b: {  	[spmem:s7] =	stream.linear.scatter [tilespmem:s16], [sflag:$0x3], $0x4000, $0x38;
	[tilespmem:$0x1E800] =	vst v63  }
0x2c: {  	_ =	swait.ge [sflag:s17], $0x4000  }
0x2d: {  	[sflag:s17] =	ssyncset.done $0x0  }
0x2e: {  	[sflag:s17] =	ssyncadd.s32 $0xFFFFC000  }
0x2f: {  	[spmem:s8] =	stream.linear.scatter [tilespmem:s16], [sflag:$0x3], $0x4000, $0x38;
	[tilespmem:$0x1E800] =	vst v63  }
0x30: {  	_ =	swait.ge [sflag:s17], $0x4000  }
0x31: {  	[sflag:s17] =	ssyncset.done $0x0  }
0x32: {  	[sflag:s17] =	ssyncadd.s32 $0xFFFFC000  }
0x33: {  	[spmem:s9] =	stream.linear.scatter [tilespmem:s16], [sflag:$0x3], $0x4000, $0x38;
	[tilespmem:$0x1E800] =	vst v63  }
0x34: {  	_ =	swait.ge [sflag:s17], $0x4000  }
0x35: {  	[sflag:s17] =	ssyncset.done $0x0  }
0x36: {  	[sflag:s17] =	ssyncadd.s32 $0xFFFFC000  }
0x37: {  	s30 =	simm.s32 $0x0;
	[bflag:$0x0] =	sbarrier.arrive $0xFFFF  }
0x38: {  	[tilespmem:s30], [sflag:$0x3] =	stream.linear.gather [hbm4b:s10+s30], $0x1400, $0x38;
	[tilespmem:$0x1E800] =	vst v63  }
0x39: {  	_ =	swait.ge [sflag:s17], $0x1400  }
0x3a: {  	[sflag:s17] =	ssyncset.done $0x0  }
0x3b: {  	[sflag:s17] =	ssyncadd.s32 $0xFFFFEC00  }
0x3c: {  	[tilespmem:s18], [sflag:$0x3] =	stream.linear.gather [hbm4b:s11+s30], $0x1400, $0x38;
	[tilespmem:$0x1E800] =	vst v63  }
0x3d: {  	_ =	swait.ge [sflag:s17], $0x1400  }
0x3e: {  	[sflag:s17] =	ssyncset.done $0x0  }
0x3f: {  	[sflag:s17] =	ssyncadd.s32 $0xFFFFEC00  }
0x40: {  	[tilespmem:s16], [sflag:$0x1] =	stream.indirect.gather [hbm4b:s4+s19], $0x80, s30, s19, $0xb8;
	[tilespmem:$0x1E800] =	vst v63  }
0x41: {  	s31 =	simm.s32 $0x80  }
0x42: {  	[tilespmem:s20], [sflag:$0x2] =	stream.indirect.gather [hbm4b:s4+s19], $0x80, s31, s19, $0xb8;
	[tilespmem:$0x1E800] =	vst v63  }
0x43: {  	_ =	swait.ge [sflag:s21], $0x4000  }
0x44: {  	[sflag:s21] =	ssyncset.done $0x0  }
0x45: {  	s29 =	simm.s32 $0x1400;
	[sflag:s21] =	ssyncadd.s32 $0xFFFFC000  }
0x46: {  	[spmem:s1] =	stream.indirect.scatter.add.f32 [tilespmem:s16], [sflag:$0x3], $0x80, s29, s19, $0xb8;
	[tilespmem:$0x1E800] =	vst v63  }
0x47: {  	_ =	swait.ge [sflag:s17], $0x4000  }
0x48: {  	[sflag:s17] =	ssyncset.done $0x0  }
0x49: {  	s30 =	simm.s32 $0x100;
	[sflag:s17] =	ssyncadd.s32 $0xFFFFC000  }
0x4a: {  	[tilespmem:s16], [sflag:$0x1] =	stream.indirect.gather [hbm4b:s4+s19], $0x80, s30, s19, $0xb8;
	[tilespmem:$0x1E800] =	vst v63  }
0x4b: {  	_ =	swait.ge [sflag:s22], $0x4000  }
0x4c: {  	[sflag:s22] =	ssyncset.done $0x0  }
0x4d: {  	s31 =	simm.s32 $0x1480;
	[sflag:s22] =	ssyncadd.s32 $0xFFFFC000  }
0x4e: {  	[spmem:s1] =	stream.indirect.scatter.add.f32 [tilespmem:s20], [sflag:$0x3], $0x80, s31, s19, $0xb8;
	[tilespmem:$0x1E800] =	vst v63  }
0x4f: {  	_ =	swait.ge [sflag:s17], $0x4000  }
0x50: {  	s28 =	simm.s32 $0x800;
	s26 =	simm.s32 $0x100;
	[sflag:s17] =	ssyncset.done $0x0  }
.LBB2_4:
0x51: {  	s29 =	sadd.s32 $0x80, s26  }
0x52: {  	[sflag:s17] =	ssyncadd.s32 $0xFFFFC000;
	s30 =	smov.u32 s28;
	s31 =	sadd.s32 $0x400, s28  }
0x53: {  	[tilespmem:s20], [sflag:$0x2] =	stream.indirect.gather [hbm4b:s4+s19], $0x80, s29, s19, $0xb8;
	[tilespmem:$0x1E800] =	vst v63  }
0x54: {  	p0 =	sne.s32 s28, $0x4800;
	_ =	swait.ge [sflag:s21], $0x4000  }
0x55: {  	[sflag:s21] =	ssyncset.done $0x0  }
0x56: {  	s28 =	sadd.s32 $0x1400, s26;
	[sflag:s21] =	ssyncadd.s32 $0xFFFFC000  }
0x57: {  	[spmem:s1] =	stream.indirect.scatter.add.f32 [tilespmem:s16], [sflag:$0x3], $0x80, s28, s19, $0xb8;
	[tilespmem:$0x1E800] =	vst v63  }
0x58: {  	_ =	swait.ge [sflag:s17], $0x4000  }
0x59: {  	[sflag:s17] =	ssyncset.done $0x0  }
0x5a: {  	s28 =	sadd.s32 $0x100, s26;
	[sflag:s17] =	ssyncadd.s32 $0xFFFFC000  }
0x5b: {  	[tilespmem:s16], [sflag:$0x1] =	stream.indirect.gather [hbm4b:s4+s19], $0x80, s28, s19, $0xb8;
	[tilespmem:$0x1E800] =	vst v63  }
0x5c: {  	_ =	swait.ge [sflag:s22], $0x4000  }
.Ltmp1:
0x5d: {  	[sflag:s22] =	ssyncset.done $0x0;
	(pc) =	sbr.rel @p0 .LBB2_4-.Ltmp1, $4  }
0x5e: {  	s26 =	sadd.s32 $0x1480, s26;
	[sflag:s22] =	ssyncadd.s32 $0xFFFFC000  }
0x5f: {  	[spmem:s1] =	stream.indirect.scatter.add.f32 [tilespmem:s20], [sflag:$0x3], $0x80, s26, s19, $0xb8;
	[tilespmem:$0x1E800] =	vst v63  }
0x60: {  	_ =	swait.ge [sflag:s17], $0x4000  }
0x61: {  	s28 =	smov.u32 s31;
	s26 =	sshra.s32 s30, $0x2;
	[sflag:s17] =	ssyncset.done $0x0  }
0x62: {  	s28 =	sadd.s32 $0x80, s26;
	[sflag:s17] =	ssyncadd.s32 $0xFFFFC000  }
0x63: {  	[tilespmem:s20], [sflag:$0x2] =	stream.indirect.gather [hbm4b:s4+s19], $0x80, s28, s19, $0xb8;
	[tilespmem:$0x1E800] =	vst v63  }
0x64: {  	_ =	swait.ge [sflag:s21], $0x4000  }
0x65: {  	[sflag:s21] =	ssyncset.done $0x0  }
0x66: {  	s28 =	sadd.s32 $0x1400, s26;
	[sflag:s21] =	ssyncadd.s32 $0xFFFFC000  }
0x67: {  	[spmem:s1] =	stream.indirect.scatter.add.f32 [tilespmem:s16], [sflag:$0x3], $0x80, s28, s19, $0xb8;
	[tilespmem:$0x1E800] =	vst v63  }
0x68: {  	_ =	swait.ge [sflag:s17], $0x4000  }
0x69: {  	[sflag:s17] =	ssyncset.done $0x0  }
0x6a: {  	s28 =	sadd.s32 $0x100, s26;
	[sflag:s17] =	ssyncadd.s32 $0xFFFFC000  }
0x6b: {  	[tilespmem:s16], [sflag:$0x1] =	stream.indirect.gather [hbm4b:s4+s19], $0x80, s28, s19, $0xb8;
	[tilespmem:$0x1E800] =	vst v63  }
0x6c: {  	_ =	swait.ge [sflag:s22], $0x4000  }
0x6d: {  	[sflag:s22] =	ssyncset.done $0x0  }
0x6e: {  	s29 =	sadd.s32 $0x1480, s26;
	[sflag:s22] =	ssyncadd.s32 $0xFFFFC000  }
0x6f: {  	[spmem:s1] =	stream.indirect.scatter.add.f32 [tilespmem:s20], [sflag:$0x3], $0x80, s29, s19, $0xb8;
	[tilespmem:$0x1E800] =	vst v63  }
0x70: {  	_ =	swait.ge [sflag:s17], $0x4000  }
0x71: {  	[sflag:s17] =	ssyncset.done $0x0  }
0x72: {  	[sflag:s17] =	ssyncadd.s32 $0xFFFFC000  }
0x73: {  	[tilespmem:s20], [sflag:$0x2] =	stream.indirect.gather [hbm4b:s4+s19], $0x80, s23, s19, $0xb8;
	[tilespmem:$0x1E800] =	vst v63  }
0x74: {  	_ =	swait.ge [sflag:s21], $0x4000  }
0x75: {  	[sflag:s21] =	ssyncset.done $0x0  }
0x76: {  	[sflag:s21] =	ssyncadd.s32 $0xFFFFC000  }
0x77: {  	[spmem:s1] =	stream.indirect.scatter.add.f32 [tilespmem:s16], [sflag:$0x3], $0x80, s24, s19, $0xb8;
	[tilespmem:$0x1E800] =	vst v63  }
0x78: {  	_ =	swait.ge [sflag:s17], $0x4000  }
0x79: {  	[sflag:s17] =	ssyncset.done $0x0  }
0x7a: {  	[sflag:s17] =	ssyncadd.s32 $0xFFFFC000  }
0x7b: {  	_ =	swait.ge [sflag:s22], $0x4000  }
0x7c: {  	[sflag:s22] =	ssyncset.done $0x0  }
0x7d: {  	[sflag:s22] =	ssyncadd.s32 $0xFFFFC000  }
0x7e: {  	[spmem:s1] =	stream.indirect.scatter.add.f32 [tilespmem:s20], [sflag:$0x3], $0x80, s25, s19, $0xb8;
	[tilespmem:$0x1E800] =	vst v63  }
0x7f: {  	_ =	swait.ge [sflag:s17], $0x4000  }
0x80: {  	[sflag:s17] =	ssyncset.done $0x0  }
0x81: {  	s30 =	simm.s32 $0x0;
	[sflag:s17] =	ssyncadd.s32 $0xFFFFC000  }
0x82: {  	[tilespmem:s30], [sflag:$0x3] =	stream.linear.gather [hbm4b:s12+s30], $0x1400, $0x38;
	[tilespmem:$0x1E800] =	vst v63  }
0x83: {  	_ =	swait.ge [sflag:s17], $0x1400  }
0x84: {  	[sflag:s17] =	ssyncset.done $0x0  }
0x85: {  	[sflag:s17] =	ssyncadd.s32 $0xFFFFEC00  }
0x86: {  	[tilespmem:s18], [sflag:$0x3] =	stream.linear.gather [hbm4b:s13+s30], $0x1400, $0x38;
	[tilespmem:$0x1E800] =	vst v63  }
0x87: {  	_ =	swait.ge [sflag:s17], $0x1400  }
0x88: {  	[sflag:s17] =	ssyncset.done $0x0  }
0x89: {  	[sflag:s17] =	ssyncadd.s32 $0xFFFFEC00  }
0x8a: {  	[tilespmem:s16], [sflag:$0x1] =	stream.indirect.gather [hbm4b:s4+s19], $0x80, s30, s19, $0xb8;
	[tilespmem:$0x1E800] =	vst v63  }
0x8b: {  	s31 =	simm.s32 $0x80  }
0x8c: {  	[tilespmem:s20], [sflag:$0x2] =	stream.indirect.gather [hbm4b:s4+s19], $0x80, s31, s19, $0xb8;
	[tilespmem:$0x1E800] =	vst v63  }
0x8d: {  	_ =	swait.ge [sflag:s21], $0x4000  }
0x8e: {  	[sflag:s21] =	ssyncset.done $0x0  }
0x8f: {  	s29 =	simm.s32 $0x1400;
	[sflag:s21] =	ssyncadd.s32 $0xFFFFC000  }
0x90: {  	[spmem:s1] =	stream.indirect.scatter.add.f32 [tilespmem:s16], [sflag:$0x3], $0x80, s29, s19, $0xb8;
	[tilespmem:$0x1E800] =	vst v63  }
0x91: {  	_ =	swait.ge [sflag:s17], $0x4000  }
0x92: {  	[sflag:s17] =	ssyncset.done $0x0  }
0x93: {  	s30 =	simm.s32 $0x100;
	[sflag:s17] =	ssyncadd.s32 $0xFFFFC000  }
0x94: {  	[tilespmem:s16], [sflag:$0x1] =	stream.indirect.gather [hbm4b:s4+s19], $0x80, s30, s19, $0xb8;
	[tilespmem:$0x1E800] =	vst v63  }
0x95: {  	_ =	swait.ge [sflag:s22], $0x4000  }
0x96: {  	[sflag:s22] =	ssyncset.done $0x0  }
0x97: {  	s31 =	simm.s32 $0x1480;
	[sflag:s22] =	ssyncadd.s32 $0xFFFFC000  }
0x98: {  	[spmem:s1] =	stream.indirect.scatter.add.f32 [tilespmem:s20], [sflag:$0x3], $0x80, s31, s19, $0xb8;
	[tilespmem:$0x1E800] =	vst v63  }
0x99: {  	_ =	swait.ge [sflag:s17], $0x4000  }
0x9a: {  	s26 =	simm.s32 $0x100;
	s28 =	simm.s32 $0x800;
	[sflag:s17] =	ssyncset.done $0x0  }
.LBB2_6:
0x9b: {  	s29 =	sadd.s32 $0x80, s26  }
0x9c: {  	[sflag:s17] =	ssyncadd.s32 $0xFFFFC000;
	s30 =	smov.u32 s28;
	s31 =	sadd.s32 $0x400, s28  }
0x9d: {  	[tilespmem:s20], [sflag:$0x2] =	stream.indirect.gather [hbm4b:s4+s19], $0x80, s29, s19, $0xb8;
	[tilespmem:$0x1E800] =	vst v63  }
0x9e: {  	p0 =	sne.s32 s28, $0x4800;
	_ =	swait.ge [sflag:s21], $0x4000  }
0x9f: {  	[sflag:s21] =	ssyncset.done $0x0  }
0xa0: {  	s28 =	sadd.s32 $0x1400, s26;
	[sflag:s21] =	ssyncadd.s32 $0xFFFFC000  }
0xa1: {  	[spmem:s1] =	stream.indirect.scatter.add.f32 [tilespmem:s16], [sflag:$0x3], $0x80, s28, s19, $0xb8;
	[tilespmem:$0x1E800] =	vst v63  }
0xa2: {  	_ =	swait.ge [sflag:s17], $0x4000  }
0xa3: {  	[sflag:s17] =	ssyncset.done $0x0  }
0xa4: {  	s28 =	sadd.s32 $0x100, s26;
	[sflag:s17] =	ssyncadd.s32 $0xFFFFC000  }
0xa5: {  	[tilespmem:s16], [sflag:$0x1] =	stream.indirect.gather [hbm4b:s4+s19], $0x80, s28, s19, $0xb8;
	[tilespmem:$0x1E800] =	vst v63  }
0xa6: {  	_ =	swait.ge [sflag:s22], $0x4000  }
.Ltmp2:
0xa7: {  	[sflag:s22] =	ssyncset.done $0x0;
	(pc) =	sbr.rel @p0 .LBB2_6-.Ltmp2, $4  }
0xa8: {  	s26 =	sadd.s32 $0x1480, s26;
	[sflag:s22] =	ssyncadd.s32 $0xFFFFC000  }
0xa9: {  	[spmem:s1] =	stream.indirect.scatter.add.f32 [tilespmem:s20], [sflag:$0x3], $0x80, s26, s19, $0xb8;
	[tilespmem:$0x1E800] =	vst v63  }
0xaa: {  	_ =	swait.ge [sflag:s17], $0x4000  }
0xab: {  	s28 =	smov.u32 s31;
	s26 =	sshra.s32 s30, $0x2;
	[sflag:s17] =	ssyncset.done $0x0  }
0xac: {  	s28 =	sadd.s32 $0x80, s26;
	[sflag:s17] =	ssyncadd.s32 $0xFFFFC000  }
0xad: {  	[tilespmem:s20], [sflag:$0x2] =	stream.indirect.gather [hbm4b:s4+s19], $0x80, s28, s19, $0xb8;
	[tilespmem:$0x1E800] =	vst v63  }
0xae: {  	_ =	swait.ge [sflag:s21], $0x4000  }
0xaf: {  	[sflag:s21] =	ssyncset.done $0x0  }
0xb0: {  	s30 =	sadd.s32 $0x1400, s26;
	[sflag:s21] =	ssyncadd.s32 $0xFFFFC000  }
0xb1: {  	[spmem:s1] =	stream.indirect.scatter.add.f32 [tilespmem:s16], [sflag:$0x3], $0x80, s30, s19, $0xb8;
	[tilespmem:$0x1E800] =	vst v63  }
0xb2: {  	_ =	swait.ge [sflag:s17], $0x4000  }
0xb3: {  	[sflag:s17] =	ssyncset.done $0x0  }
0xb4: {  	s31 =	sadd.s32 $0x100, s26;
	[sflag:s17] =	ssyncadd.s32 $0xFFFFC000  }
0xb5: {  	[tilespmem:s16], [sflag:$0x1] =	stream.indirect.gather [hbm4b:s4+s19], $0x80, s31, s19, $0xb8;
	[tilespmem:$0x1E800] =	vst v63  }
0xb6: {  	_ =	swait.ge [sflag:s22], $0x4000  }
0xb7: {  	[sflag:s22] =	ssyncset.done $0x0  }
0xb8: {  	s29 =	sadd.s32 $0x1480, s26;
	[sflag:s22] =	ssyncadd.s32 $0xFFFFC000  }
0xb9: {  	[spmem:s1] =	stream.indirect.scatter.add.f32 [tilespmem:s20], [sflag:$0x3], $0x80, s29, s19, $0xb8;
	[tilespmem:$0x1E800] =	vst v63  }
0xba: {  	_ =	swait.ge [sflag:s17], $0x4000  }
0xbb: {  	[sflag:s17] =	ssyncset.done $0x0  }
0xbc: {  	[sflag:s17] =	ssyncadd.s32 $0xFFFFC000  }
0xbd: {  	[tilespmem:s20], [sflag:$0x2] =	stream.indirect.gather [hbm4b:s4+s19], $0x80, s23, s19, $0xb8;
	[tilespmem:$0x1E800] =	vst v63  }
0xbe: {  	_ =	swait.ge [sflag:s21], $0x4000  }
0xbf: {  	[sflag:s21] =	ssyncset.done $0x0  }
0xc0: {  	[sflag:s21] =	ssyncadd.s32 $0xFFFFC000  }
0xc1: {  	[spmem:s1] =	stream.indirect.scatter.add.f32 [tilespmem:s16], [sflag:$0x3], $0x80, s24, s19, $0xb8;
	[tilespmem:$0x1E800] =	vst v63  }
0xc2: {  	_ =	swait.ge [sflag:s17], $0x4000  }
0xc3: {  	[sflag:s17] =	ssyncset.done $0x0  }
0xc4: {  	[sflag:s17] =	ssyncadd.s32 $0xFFFFC000  }
0xc5: {  	_ =	swait.ge [sflag:s22], $0x4000  }
0xc6: {  	[sflag:s22] =	ssyncset.done $0x0  }
0xc7: {  	[sflag:s22] =	ssyncadd.s32 $0xFFFFC000  }
0xc8: {  	[spmem:s1] =	stream.indirect.scatter.add.f32 [tilespmem:s20], [sflag:$0x3], $0x80, s25, s19, $0xb8;
	[tilespmem:$0x1E800] =	vst v63  }
0xc9: {  	_ =	swait.ge [sflag:s17], $0x4000  }
0xca: {  	s3 =	sadd.s32 $0x1, s3;
	s30 =	sshll.u32 s2, $0x6;
	[sflag:s17] =	ssyncset.done $0x0  }
0xcb: {  	p0 =	sne.s32 s3, s15;
	s26 =	sor.u32 $0x1C03, s30;
	[sflag:s17] =	ssyncadd.s32 $0xFFFFC000  }
.Ltmp3:
0xcc: {  	s31 =	sshrl.u32 s5, $0x3;
	[bflag:$0x0] =	sbarrier.arrive $0xFFFF;
	(pc) =	sbr.rel @p0 .LBB2_1-.Ltmp3, $4  }
0xcd: {  	[hbm:s14], [sflag:s26] =	dma.local [spmem:s31], $0x2800  }
0xce: {  	_ =	swait.ge [sflag:s17], $0x2800  }
0xcf: {  	[sflag:s17] =	ssyncset.done $0x0  }
0xd0: {  	[sflag:s17] =	ssyncadd.s32 $0xFFFFD800  }
0xd1: {  	_ =	sfence.sel $0x180000  }
0xd2: {  	[bflag:$0x0] =	sbarrier.arrive $0xFFFF  }
0xd3: {  	p0 =	sne.s32 s2, $0x0;
	_ =	strace $0x9000004D  }
0xd4: {  	s0 =	sadd.s32 @!p0 $0x100000, s0;
	[bflag:$0x2] =	sbarrier.arrive $0xFFFF  }
0xd5: {  	[sflag:s0] =	ssyncadd.tile.s32 @!p0 $0x1;
	_ =	shalt  }
.Lfunc_end2:
_tile_overlayer_lowered:
.L_overlay_start_2:
0xd6: {  	(tag) =	ssettag $0x2  }
0xd7: {  	s0 =	rddreg [dreg:$0x0];
	s2 =	stileid.u32  }
0xd8: {  	s1 =	rddreg [dreg:$0x1];
	p0 =	sne.s32 s2, $0x0  }
0xd9: {  	s3 =	rddreg [dreg:$0x2];
	[bflag:$0x3] =	sbarrier.arrive $0xFFFF;
	s2 =	simm.s32 @!p0 $0x1C03  }
0xda: {  	[timem:s3], [sflag:s2] =	dma.local @!p0 [hbm:s0], s1  }
0xdb: {  	s0 =	simm.s32 @!p0 $0x3  }
0xdc: {  	_ =	swait.ge @!p0 [sflag:s0], s1  }
0xdd: {  	s1 =	ssub.s32 @!p0 $0x0, s1;
	[sflag:s0] =	ssyncset.done @!p0 $0x0  }
0xde: {  	[sflag:s0] =	ssyncadd.s32 @!p0 s1  }
0xdf: {  	[bflag:$0x3] =	sbarrier.arrive $0xFFFF  }
0xe0: {  	_ =	shalt  }

// kernel: kernel.9.cloned.1.call-start
scs
__scs_entry_jumppad:
0x0: {  	(pc) =	sbr.rel $0x88, $3  }
0x1: {  	(tag) =	ssettag $0x0;
	lr =	simm.s32 $0x1  }
0x2: {  	[smem:$0x3F95] =	sst lr;
	_ =	strace $0xD0000000  }
0x3: {  	_ = 	snop  }
0x4: {  	_ = 	snop  }
0x5: {  	_ = 	snop  }
0x6: {  	_ = 	snop  }
0x7: {  	_ = 	snop  }
__scs_overlays_trampoline_lowered:
0x8: {  	[smem:$0x3FA4] =	sst s0  }
0x9: {  	[smem:$0x3FA5] =	sst s1  }
0xa: {  	[smem:$0x3FA6] =	sst s2  }
0xb: {  	[smem:$0x3FA7] =	sst s3  }
0xc: {  	[smem:$0x3FA8] =	sst s4  }
0xd: {  	[smem:$0x3FA9] =	sst s5  }
0xe: {  	[smem:$0x3FAA] =	sst s6  }
0xf: {  	[smem:$0x3FAB] =	sst s7  }
0x10: {  	[smem:$0x3FAC] =	sst s8  }
0x11: {  	[smem:$0x3FAD] =	sst s9;
	s0 =	simm.s32 @!p0 $0x0  }
0x12: {  	s1 =	sld [smem:$0x3F93];
	s0 =	simm.s32 @p0 $0x1  }
0x13: {  	[smem:$0x3FAE] =	sst s0;
	s0 =	simm.s32 @!p1 $0x0  }
0x14: {  	s2 =	sld [smem:$0x3F92];
	s0 =	simm.s32 @p1 $0x1  }
0x15: {  	[smem:$0x3FAF] =	sst s0;
	s0 =	simm.s32 @!p2 $0x0  }
0x16: {  	s3 =	sld [smem:$0x3FDB];
	s0 =	simm.s32 @p2 $0x1  }
0x17: {  	s4 =	simm.s32 $0x1BF5;
	[smem:$0x3FB1] =	sst s0  }
0x18: {  	s0 =	sld [smem:$0x3F94];
	_ =	swait.ge [sflag:s4], $0x0  }
0x19: {  	s7 =	sld [smem:$0x3F95]  }
0x1a: {  	s8 =	sadd.s32 $0xFFFFE003, lr  }
0x1b: {  	s9 =	sadd.s32 $0xFFFFFEF7, lr;
	s5 =	simm.s32 $0xFFFFFFFF;
	p2 =	slt.u32 s8, $0xFFFFF086  }
0x1c: {  	p1 =	slt.u32 s9, $0xF7A;
	s5 =	simm.s32 @!p2 $0x0  }
0x1d: {  	s5 =	simm.s32 @p1 $0x1;
	p0 =	seq.s32 s7, s2  }
0x1e: {  	s7 =	smul.u32 @!p0 $0xF7A, s2;
	p2 =	seq.s32 @!p0 s5, $0x0  }
0x1f: {  	s9 =	smul.u32 $0xF7A, s1;
	s8 =	simm.s32 @!p0 $0x1BF5;
	p2 =	por !p2, p0  }
0x20: {  	[sflag:s8] =	ssyncset.s32 @!p0 $0xFFFFF086;
	s6 =	sadd.s32 @!p0 s3, s7;
	s7 =	simm.s32 @!p0 $0x108  }
0x21: {  	s3 =	sadd.s32 s3, s9;
	s6 =	sadd.s32 @!p0 $0x88, s6;
	s7 =	simm.s32 @p2 $0x1082  }
0x22: {  	[simem:s7], [sflag:s8] =	dma.local @!p0 [hbm:s6], $0xF7A  }
0x23: {  	s9 =	sor.u32 $0xD0000000, s2;
	s6 =	simm.s32 $0x108;
	_ =	swait.ge @!p0 [sflag:s8], $0x0  }
0x24: {  	s3 =	sadd.s32 $0x88, s3;
	s6 =	simm.s32 @!p1 $0x1082;
	[sflag:s4] =	ssyncset.s32 $0xFFFFF086  }
0x25: {  	[simem:s6], [sflag:s4] =	dma.local [hbm:s3], $0xF7A  }
0x26: {  	[smem:$0x3F95] =	sst s1;
	(tag) =	ssettag s2;
	_ =	strace s9  }
0x27: {  	s1 =	sld [smem:$0x3FA5]  }
0x28: {  	s2 =	sld [smem:$0x3FA6]  }
0x29: {  	s4 =	sld [smem:$0x3FA8]  }
0x2a: {  	p0 =	seq.s32 s5, $0x0;
	s5 =	sld [smem:$0x3FA9]  }
0x2b: {  	s6 =	sld [smem:$0x3FAA]  }
0x2c: {  	s7 =	sld [smem:$0x3FAB]  }
0x2d: {  	s3 =	simm.s32 $0x108;
	s8 =	sld [smem:$0x3FAC]  }
0x2e: {  	s3 =	simm.s32 @!p0 $0x1082;
	s9 =	sld [smem:$0x3FAD]  }
0x2f: {  	lr =	sadd.s32 s0, s3;
	s0 =	sld [smem:$0x3FA4]  }
0x30: {  	s3 =	sld [smem:$0x3FA7]  }
0x31: {  	[smem:$0x3FB0] =	sst s10  }
0x32: {  	s10 =	sld [smem:$0x3FAE];
	_ =	sdelay $0x3  }
0x33: {  	p0 =	seq.s32 s10, $0x1;
	s10 =	sld [smem:$0x3FB0];
	_ =	sdelay $0x3  }
0x34: {  	[smem:$0x3FB0] =	sst s10  }
0x35: {  	s10 =	sld [smem:$0x3FAF];
	_ =	sdelay $0x3  }
0x36: {  	p1 =	seq.s32 s10, $0x1;
	s10 =	sld [smem:$0x3FB0];
	_ =	sdelay $0x3  }
0x37: {  	[smem:$0x3FB0] =	sst s10  }
0x38: {  	s10 =	sld [smem:$0x3FB1]  }
0x39: {  	_ = 	snop;
	(pc) =	sbr.ind lr, $3  }
0x3a: {  	_ = 	snop  }
0x3b: {  	_ = 	snop  }
0x3c: {  	p2 =	seq.s32 s10, $0x1;
	s10 =	sld [smem:$0x3FB0]  }
0x3d: {  	_ =	shalt  }
0x3e: {  	_ =	shalt  }
0x3f: {  	_ =	shalt  }
0x40: {  	_ =	shalt  }
0x41: {  	_ =	shalt  }
0x42: {  	_ =	shalt  }
0x43: {  	_ =	shalt  }
0x44: {  	_ =	shalt  }
0x45: {  	_ =	shalt  }
0x46: {  	_ =	shalt  }
0x47: {  	_ =	shalt  }
0x48: {  	_ =	shalt  }
0x49: {  	_ =	shalt  }
0x4a: {  	_ =	shalt  }
0x4b: {  	_ =	shalt  }
0x4c: {  	_ =	shalt  }
0x4d: {  	_ =	shalt  }
0x4e: {  	_ =	shalt  }
0x4f: {  	_ =	shalt  }
0x50: {  	_ =	shalt  }
0x51: {  	_ =	shalt  }
0x52: {  	_ =	shalt  }
0x53: {  	_ =	shalt  }
0x54: {  	_ =	shalt  }
0x55: {  	_ =	shalt  }
0x56: {  	_ =	shalt  }
0x57: {  	_ =	shalt  }
0x58: {  	_ =	shalt  }
0x59: {  	_ =	shalt  }
0x5a: {  	_ =	shalt  }
0x5b: {  	_ =	shalt  }
0x5c: {  	_ =	shalt  }
0x5d: {  	_ =	shalt  }
0x5e: {  	_ =	shalt  }
0x5f: {  	_ =	shalt  }
0x60: {  	_ =	shalt  }
0x61: {  	_ =	shalt  }
0x62: {  	_ =	shalt  }
0x63: {  	_ =	shalt  }
0x64: {  	_ =	shalt  }
0x65: {  	_ =	shalt  }
0x66: {  	_ =	shalt  }
0x67: {  	_ =	shalt  }
0x68: {  	_ =	shalt  }
0x69: {  	_ =	shalt  }
0x6a: {  	_ =	shalt  }
0x6b: {  	_ =	shalt  }
0x6c: {  	_ =	shalt  }
0x6d: {  	_ =	shalt  }
0x6e: {  	_ =	shalt  }
0x6f: {  	_ =	shalt  }
0x70: {  	_ =	shalt  }
0x71: {  	_ =	shalt  }
0x72: {  	_ =	shalt  }
0x73: {  	_ =	shalt  }
0x74: {  	_ =	shalt  }
0x75: {  	_ =	shalt  }
0x76: {  	_ =	shalt  }
0x77: {  	_ =	shalt  }
0x78: {  	_ =	shalt  }
0x79: {  	_ =	shalt  }
0x7a: {  	_ =	shalt  }
0x7b: {  	_ =	shalt  }
0x7c: {  	_ =	shalt  }
0x7d: {  	_ =	shalt  }
0x7e: {  	_ =	shalt  }
0x7f: {  	_ =	shalt  }
0x80: {  	_ =	shalt  }
0x81: {  	_ =	shalt  }
0x82: {  	_ =	shalt  }
0x83: {  	_ =	shalt  }
0x84: {  	_ =	shalt  }
0x85: {  	_ =	shalt  }
0x86: {  	_ =	shalt  }
0x87: {  	_ =	shalt  }
.Lfunc_end0:
.L_simem_size_0:
called_computation_lowered:
.L_overlay_start_0:
0x88: {  	s2 =	sld [smem:$0x3FD9]  }
0x89: {  	s3 =	sld [smem:$0x3FFE];
	_ =	sdelay $0x1  }
0x8a: {  	s1 =	srdreg.scid  }
0x8b: {  	s0 =	sand.u32 $0x1, s1  }
0x8c: {  	s16 =	sshll.u32 s0, $0xA;
	s2 =	sadd.s32 s3, s2  }
0x8d: {  	s2 =	sadd.s32 s2, s16  }
0x8e: {  	[smem:$0x3FBC] =	sst s2  }
0x8f: {  	_ = 	snop  }
0x90: {  	(tm) =	ssettm $0x1  }
0x91: {  	s17 =	sld [smem:$0x3FFB];
	_ =	sdelay $0x3  }
0x92: {  	_ =	strace s17  }
0x93: {  	s2 =	sld [smem:$0x3FFC];
	_ =	sdelay $0x3  }
0x94: {  	_ =	strace s2  }
0x95: {  	s2 =	sld [smem:$0x3FFD];
	_ =	sdelay $0x3  }
0x96: {  	_ =	strace s2  }
0x97: {  	_ =	strace $0x8FFFFFFF  }
0x98: {  	s18 =	sld [smem:$0x3FDB];
	_ =	sdelay $0x1  }
0x99: {  	s19 =	simm.s32 $_scs_section_size  }
0x9a: {  	s4 =	simm.s32 $_size__tile_overlayer_lowered;
	s5 =	simm.s32 $_tile_overlayer_lowered  }
0x9b: {  	s22 =	simm.s32 $0x1BFF;
	s21 =	sshll.u32 s5, $0x1;
	s2 =	sadd.s32 s19, s18  }
0x9c: {  	s6 =	simm.s32 $0x0;
	s20 =	sshll.u32 s4, $0x1;
	s4 =	sadd.s32 s21, s2  }
0x9d: {  	[timem:s6], [sflag:s22] =	dma.local [hbm:s4], s20  }
0x9e: {  	_ =	swait.ge [sflag:s22], s20  }
0x9f: {  	s3 =	ssub.s32 $0x0, s20;
	[sflag:s22] =	ssyncset.done $0x0  }
0xa0: {  	[sflag:s22] =	ssyncadd.s32 s3;
	_ =	sdelay $0x1  }
0xa1: {  	s23 =	simm.s32 $0x1B8B  }
0xa2: {  	_ =	swait.ge [sflag:s23], $0x1  }
0xa3: {  	[sflag:s23] =	ssyncset.done $0x0  }
0xa4: {  	s25 =	simm.s32 $0x1B8E;
	s24 =	sld [smem:$0x3FFE];
	[sflag:s23] =	ssyncadd.s32 $0xFFFFFFFF  }
0xa5: {  	s26 =	simm.s32 $execute0_lowered;
	[smem:$0x3FD2] =	sst s25  }
0xa6: {  	s4 =	sshll.u32 s26, $0x1;
	_ =	strace $0x80000046;
	[dreg:$0x1] =	wrdreg $0xFFFFFFFF  }
0xa7: {  	s28 =	simm.s32 $_size_execute0_lowered;
	s2 =	sadd.s32 s2, s4;
	[dreg:$0x0] =	wrdreg $0x0  }
0xa8: {  	s4 =	sshll.u32 s28, $0x1;
	[dreg:$0x2] =	wrdreg s2  }
0xa9: {  	[dreg:$0x3] =	wrdreg s4  }
0xaa: {  	[dreg:$0x4] =	wrdreg $0xC0  }
0xab: {  	_ =	task [dreg:s6], $0x5FFFF  }
0xac: {  	[dreg:$0x1] =	wrdreg $0xFFFFFFFF  }
0xad: {  	[dreg:$0x0] =	wrdreg $0x60  }
0xae: {  	[dreg:$0x2] =	wrdreg s24  }
0xaf: {  	[dreg:$0x3] =	wrdreg $0x68000  }
0xb0: {  	[dreg:$0x4] =	wrdreg $0x9  }
0xb1: {  	_ =	task.clear_ibuf [dreg:s6], $0x5FFFF;
	_ =	strace $0x90000046  }
0xb2: {  	s29 =	simm.s32 $0x9;
	_ =	strace $0x80000048  }
0xb3: {  	_ =	swait.ge [sflag:s29], $0x1  }
0xb4: {  	[sflag:s29] =	ssyncadd.s32 $0xFFFFFFFF  }
0xb5: {  	_ =	strace $0x90000048  }
0xb6: {  	_ =	sfence  }
0xb7: {  	s30 =	sld [smem:$0x0];
	_ =	sdelay $0x2  }
0xb8: {  	s31 =	sshll.u32 s1, $0xD;
	s1 =	sshrl.u32 s1, $0x2  }
0xb9: {  	s3 =	sand.u32 $0x4000, s31;
	s1 =	sadd.s32 s1, s30  }
0xba: {  	s0 =	sor.u32 s3, s0;
	s1 =	sshll.u32 s1, $0x11  }
0xbb: {  	s0 =	sor.u32 s1, s0  }
0xbc: {  	s0 =	sadd.s32 $0x8F2B, s0  }
0xbd: {  	[sflag:s0] =	ssyncadd.remote.s32 $0x1  }
0xbe: {  	_ =	sfence.sel $0xFFFF  }
0xbf: {  	[dreg:$0x0] =	wrdreg $0xFFFFFFFF;
	(pc) =	sbr.abs _section_cstart, $3  }
0xc0: {  	[dreg:$0x1] =	wrdreg $0xFFFFFFFF  }
0xc1: {  	_ =	task.clear_ibuf [dreg:s6], $0x2FFFF;
	_ =	strace $0x9FFFFFFF  }
0xc2: {  	(tm) =	ssettm $0x7FFFFFFF  }
0xc3: {  	_ =	shalt  }
tec
execute0_lowered:
.L_overlay_start_1:
0x0: {  	(tag) =	ssettag $0x1  }
0x1: {  	s0 =	srdreg.scid;
	s6 =	rddreg [dreg:$0x0]  }
0x2: {  	s2 =	rddreg [dreg:$0x1];
	s4 =	sand.u32 $0x1, s0  }
0x3: {  	s0 =	stileid.u32;
	s5 =	smul.u32 $0x5000, s4  }
0x4: {  	s1 =	rddreg [dreg:$0x2];
	s7 =	smul.u32 $0x500, s0  }
0x5: {  	s3 =	simm.s32 $0x0;
	s12 =	simm.s32 $0x1;
	s8 =	smul.u32 $0x140000, s4  }
0x6: {  	s13 =	simm.s32 $0x2800;
	s14 =	simm.s32 $0x80;
	s9 =	smul.u32 $0x14000, s0  }
0x7: {  	s17 =	simm.s32 $0x0;
	[smem:$0x7FF] =	sst s3;
	s28 =	smul.u32 $0x50000, s0  }
0x8: {  	_ =	strace $0x80000047;
	s29 =	ssub.s32 $0x2, s4;
	s15 =	sshll.u32 s0, $0x6  }
0x9: {  	s31 =	sshrl.u32 s29, $0x1;
	s15 =	sor.u32 $0x1C01, s15;
	s5 =	sadd.s32 s7, s5  }
0xa: {  	s8 =	sadd.s32 s9, s8;
	s30 =	sshrl.u32 s28, $0x2;
	s11 =	ssub.s32 s29, s31  }
0xb: {  	s5 =	sadd.s32 s5, s6;
	s8 =	sshrl.u32 s8, $0x3;
	s4 =	sadd.s32 s30, s2  }
0xc: {  	s11 =	smax.u32 s11, $0x1;
	s10 =	sadd.s32 s8, s6;
	s5 =	sadd.s32 $0x3200, s5  }
0xd: {  	s6 =	sadd.s32 $0x4000, s4;
	s7 =	sadd.s32 $0x8000, s4;
	s8 =	sadd.s32 $0xC000, s4  }
0xe: {  	v0 =	vimm.f32 $0.0e+00;
	v1 =	vimm.f32 $1.000000000e+00;
	s9 =	sadd.s32 $0x10000, s4;
	s16 =	sshrl.u32 s4, $0x3;
	s10 =	sadd.s32 $0x17200, s10  }
.LBB2_1:
0xf: {  	[tilespmem:s3], [sflag:$0x1] =	stream.linear.gather [hbm4b:s5+s3], $0x2800, $0x38;
	[tilespmem:$0x1A800] =	vst v63  }
0x10: {  	_ =	swait.ge [sflag:s12], $0x2800  }
0x11: {  	[sflag:s12] =	ssyncset.done $0x0  }
0x12: {  	s18 =	simm.s32 $0x0;
	s19 =	simm.s32 $0x200;
	[sflag:s12] =	ssyncadd.s32 $0xFFFFD800  }
.LBB2_2:
0x13: {  	p0 =	sne.s32 s19, $0xFE00;
	[tilespmem:s18+$0x2870] =	vst v0  }
0x14: {  	[tilespmem:s18+$0x2800] =	vst v0  }
0x15: {  	[tilespmem:s18+$0x2810] =	vst v0  }
.Ltmp0:
0x16: {  	[tilespmem:s18+$0x2820] =	vst v0;
	(pc) =	sbr.rel @p0 .LBB2_2-.Ltmp0, $4  }
0x17: {  	[tilespmem:s18+$0x2830] =	vst v0  }
0x18: {  	[tilespmem:s18+$0x2840] =	vst v0  }
0x19: {  	[tilespmem:s18+$0x2850] =	vst v0  }
0x1a: {  	[tilespmem:s18+$0x2860] =	vst v0;
	s18 =	sshra.s32 s19, $0x2;
	s19 =	sadd.s32 $0x200, s19  }
0x1b: {  	[tilespmem:s18+$0x2870] =	vst v0  }
0x1c: {  	[tilespmem:s18+$0x2800] =	vst v0  }
0x1d: {  	[tilespmem:s18+$0x2810] =	vst v0  }
0x1e: {  	[tilespmem:s18+$0x2820] =	vst v0  }
0x1f: {  	[tilespmem:s18+$0x2830] =	vst v0  }
0x20: {  	[tilespmem:s18+$0x2840] =	vst v0  }
0x21: {  	[tilespmem:s18+$0x2850] =	vst v0  }
0x22: {  	[tilespmem:s18+$0x2860] =	vst v0  }
0x23: {  	[spmem:s4] =	stream.linear.scatter [tilespmem:s13], [sflag:$0x1], $0x4000, $0x38;
	[tilespmem:$0x1A800] =	vst v63  }
0x24: {  	_ =	swait.ge [sflag:s12], $0x4000  }
0x25: {  	[sflag:s12] =	ssyncset.done $0x0  }
0x26: {  	[sflag:s12] =	ssyncadd.s32 $0xFFFFC000  }
0x27: {  	[spmem:s6] =	stream.linear.scatter [tilespmem:s13], [sflag:$0x1], $0x4000, $0x38;
	[tilespmem:$0x1A800] =	vst v63  }
0x28: {  	_ =	swait.ge [sflag:s12], $0x4000  }
0x29: {  	[sflag:s12] =	ssyncset.done $0x0  }
0x2a: {  	[sflag:s12] =	ssyncadd.s32 $0xFFFFC000  }
0x2b: {  	[spmem:s7] =	stream.linear.scatter [tilespmem:s13], [sflag:$0x1], $0x4000, $0x38;
	[tilespmem:$0x1A800] =	vst v63  }
0x2c: {  	_ =	swait.ge [sflag:s12], $0x4000  }
0x2d: {  	[sflag:s12] =	ssyncset.done $0x0  }
0x2e: {  	[sflag:s12] =	ssyncadd.s32 $0xFFFFC000  }
0x2f: {  	[spmem:s8] =	stream.linear.scatter [tilespmem:s13], [sflag:$0x1], $0x4000, $0x38;
	[tilespmem:$0x1A800] =	vst v63  }
0x30: {  	_ =	swait.ge [sflag:s12], $0x4000  }
0x31: {  	[sflag:s12] =	ssyncset.done $0x0  }
0x32: {  	[sflag:s12] =	ssyncadd.s32 $0xFFFFC000  }
0x33: {  	[spmem:s9] =	stream.linear.scatter [tilespmem:s13], [sflag:$0x1], $0x4000, $0x38;
	[tilespmem:$0x1A800] =	vst v63  }
0x34: {  	_ =	swait.ge [sflag:s12], $0x4000  }
0x35: {  	[sflag:s12] =	ssyncset.done $0x0  }
0x36: {  	s18 =	simm.s32 $0x0;
	s19 =	simm.s32 $0x200;
	[sflag:s12] =	ssyncadd.s32 $0xFFFFC000  }
.LBB2_4:
0x37: {  	p0 =	sne.s32 s19, $0xFE00;
	[tilespmem:s18+$0x2870] =	vst v1  }
0x38: {  	[tilespmem:s18+$0x2800] =	vst v1  }
0x39: {  	[tilespmem:s18+$0x2810] =	vst v1  }
.Ltmp1:
0x3a: {  	[tilespmem:s18+$0x2820] =	vst v1;
	(pc) =	sbr.rel @p0 .LBB2_4-.Ltmp1, $4  }
0x3b: {  	[tilespmem:s18+$0x2830] =	vst v1  }
0x3c: {  	[tilespmem:s18+$0x2840] =	vst v1  }
0x3d: {  	[tilespmem:s18+$0x2850] =	vst v1  }
0x3e: {  	[tilespmem:s18+$0x2860] =	vst v1;
	s18 =	sshra.s32 s19, $0x2;
	s19 =	sadd.s32 $0x200, s19  }
0x3f: {  	[tilespmem:s18+$0x2870] =	vst v1  }
0x40: {  	[tilespmem:s18+$0x2800] =	vst v1  }
0x41: {  	[tilespmem:s18+$0x2810] =	vst v1  }
0x42: {  	[tilespmem:s18+$0x2820] =	vst v1  }
0x43: {  	[tilespmem:s18+$0x2830] =	vst v1  }
0x44: {  	[tilespmem:s18+$0x2840] =	vst v1  }
0x45: {  	[tilespmem:s18+$0x2850] =	vst v1  }
0x46: {  	[tilespmem:s18+$0x2860] =	vst v1  }
0x47: {  	s31 =	simm.s32 $0x0;
	[bflag:$0x0] =	sbarrier.arrive $0xFFFF  }
0x48: {  	[spmem:s2] =	stream.indirect.scatter.add.f32 [tilespmem:s13], [sflag:$0x1], $0x80, s31, s14, $0xb8;
	[tilespmem:$0x1A800] =	vst v63  }
0x49: {  	_ =	swait.ge [sflag:s12], $0x4000  }
0x4a: {  	s18 =	simm.s32 $0x200;
	[sflag:s12] =	ssyncset.done $0x0  }
.LBB2_6:
0x4b: {  	s19 =	sshra.s32 s18, $0x2;
	[sflag:s12] =	ssyncadd.s32 $0xFFFFC000;
	p0 =	sne.s32 s18, $0x9E00  }
0x4c: {  	[spmem:s2] =	stream.indirect.scatter.add.f32 [tilespmem:s13], [sflag:$0x1], $0x80, s19, s14, $0xb8;
	[tilespmem:$0x1A800] =	vst v63  }
.Ltmp2:
0x4d: {  	_ = 	snop;
	(pc) =	sbr.rel @p0 .LBB2_6-.Ltmp2, $4  }
0x4e: {  	_ = 	snop  }
0x4f: {  	s18 =	sadd.s32 $0x200, s18  }
0x50: {  	_ =	swait.ge [sflag:s12], $0x4000  }
0x51: {  	[sflag:s12] =	ssyncset.done $0x0  }
0x52: {  	s17 =	sadd.s32 $0x1, s17  }
0x53: {  	[sflag:s12] =	ssyncadd.s32 $0xFFFFC000;
	p0 =	sne.s32 s17, s11  }
.Ltmp3:
0x54: {  	[bflag:$0x0] =	sbarrier.arrive $0xFFFF;
	(pc) =	sbr.rel @p0 .LBB2_1-.Ltmp3, $4  }
0x55: {  	[hbm:s10], [sflag:s15] =	dma.local [spmem:s16], $0x2800  }
0x56: {  	_ =	swait.ge [sflag:s12], $0x2800  }
0x57: {  	[sflag:s12] =	ssyncset.done $0x0  }
0x58: {  	[sflag:s12] =	ssyncadd.s32 $0xFFFFD800  }
0x59: {  	_ =	sfence.sel $0x180000  }
0x5a: {  	[bflag:$0x0] =	sbarrier.arrive $0xFFFF  }
0x5b: {  	p0 =	sne.s32 s0, $0x0;
	_ =	strace $0x90000047  }
0x5c: {  	s0 =	sadd.s32 @!p0 $0x100000, s1;
	[bflag:$0x2] =	sbarrier.arrive $0xFFFF  }
0x5d: {  	[sflag:s0] =	ssyncadd.tile.s32 @!p0 $0x1;
	_ =	shalt  }
.Lfunc_end2:
_tile_overlayer_lowered:
.L_overlay_start_2:
0x5e: {  	(tag) =	ssettag $0x2  }
0x5f: {  	s0 =	rddreg [dreg:$0x0];
	s2 =	stileid.u32  }
0x60: {  	s1 =	rddreg [dreg:$0x1];
	p0 =	sne.s32 s2, $0x0  }
0x61: {  	s3 =	rddreg [dreg:$0x2];
	[bflag:$0x3] =	sbarrier.arrive $0xFFFF;
	s2 =	simm.s32 @!p0 $0x1C01  }
0x62: {  	[timem:s3], [sflag:s2] =	dma.local @!p0 [hbm:s0], s1  }
0x63: {  	s0 =	simm.s32 @!p0 $0x1  }
0x64: {  	_ =	swait.ge @!p0 [sflag:s0], s1  }
0x65: {  	s1 =	ssub.s32 @!p0 $0x0, s1;
	[sflag:s0] =	ssyncset.done @!p0 $0x0  }
0x66: {  	[sflag:s0] =	ssyncadd.s32 @!p0 s1  }
0x67: {  	[bflag:$0x3] =	sbarrier.arrive $0xFFFF  }
0x68: {  	_ =	shalt  }

</sc_bundles>
